<compile_context>
chip_gen: v7x
topology: tpu7x:2x2x1
jax: 0.10.2.dev20260603
libtpu: 0.0.44.dev20260713+nightly
codegen_flags: <defaults>
</compile_context>

<pallas_src>
import functools

import jax
import jax.numpy as jnp
from jax import lax
from jax.experimental import pallas as pl
from jax.experimental.pallas import tpu as pltpu
from jax.experimental.pallas import tpu_sc as plsc

B = 16384
D = 32
L = 16
NC = 2
NS = 16
NW = NC * NS
BPW = B // NW
G = BPW // L
DEPTH = 8

_mesh = plsc.VectorSubcoreMesh(core_axis_name="c", subcore_axis_name="s")


@functools.partial(
    pl.kernel,
    mesh=_mesh,
    out_type=jax.ShapeDtypeStruct((B,), jnp.float32),
    scratch_types=[
        pltpu.VMEM((BPW,), jnp.int32),
        pltpu.VMEM((BPW,), jnp.int32),
        pltpu.VMEM((DEPTH, D, 128), jnp.float32),
        pltpu.VMEM((DEPTH, D, 128), jnp.float32),
        pltpu.VMEM((D,), jnp.float32),
        pltpu.VMEM((L,), jnp.float32),
        pltpu.VMEM((BPW,), jnp.float32),
        [pltpu.SemaphoreType.DMA] * DEPTH,
        [pltpu.SemaphoreType.DMA] * DEPTH,
    ],
    compiler_params=pltpu.CompilerParams(
        needs_layout_passes=False, use_tc_tiling_on_sc=True),
)
def _cf_kernel(uid_hbm, iid_hbm, ut_hbm, it_hbm, w_hbm, b_hbm, out_hbm,
               uid_v, iid_v, bu, bi_, w_v, b_v, out_v, usems, isems):
    wid = lax.axis_index("s") * NC + lax.axis_index("c")
    base = wid * BPW

    pltpu.sync_copy(uid_hbm.at[pl.ds(base, BPW)], uid_v)
    pltpu.sync_copy(iid_hbm.at[pl.ds(base, BPW)], iid_v)
    pltpu.sync_copy(w_hbm, w_v)
    pltpu.sync_copy(b_hbm, b_v)

    bias = b_v[...]
    lane = lax.iota(jnp.int32, L)
    w0 = w_v[pl.ds(0, L)]
    w1 = w_v[pl.ds(L, L)]
    dlo = lane
    dhi = lane + L

    def fire(ru, ri, slot):
        cu = pl.multiple_of((ru >> 7) << 7, 128)
        ci = pl.multiple_of((ri >> 7) << 7, 128)
        pltpu.async_copy(ut_hbm.at[:, pl.ds(cu, 128)], bu.at[slot], usems[slot])
        pltpu.async_copy(it_hbm.at[:, pl.ds(ci, 128)], bi_.at[slot], isems[slot])

    def drain(slot):
        pltpu.make_async_copy(
            ut_hbm.at[:, pl.ds(0, 128)], bu.at[slot], usems[slot]).wait()
        pltpu.make_async_copy(
            it_hbm.at[:, pl.ds(0, 128)], bi_.at[slot], isems[slot]).wait()

    uvec0 = uid_v[pl.ds(0, L)]
    ivec0 = iid_v[pl.ds(0, L)]
    for j in range(DEPTH):
        fire(uvec0[j], ivec0[j], j)

    def group_body(g, carry):
        uvec = uid_v[pl.ds(g * L, L)]
        ivec = iid_v[pl.ds(g * L, L)]
        nbase = jnp.minimum(g + 1, G - 1) * L
        uvecn = uid_v[pl.ds(nbase, L)]
        ivecn = iid_v[pl.ds(nbase, L)]
        z = bias
        for k in range(L):
            slot = k % DEPTH
            drain(slot)
            ru = jnp.broadcast_to(uvec[k] & 127, (L,))
            ri = jnp.broadcast_to(ivec[k] & 127, (L,))
            u0 = plsc.load_gather(bu.at[slot], [dlo, ru])
            u1 = plsc.load_gather(bu.at[slot], [dhi, ru])
            v0 = plsc.load_gather(bi_.at[slot], [dlo, ri])
            v1 = plsc.load_gather(bi_.at[slot], [dhi, ri])
            t = u0 * (v0 * w0) + u1 * (v1 * w1)
            z = jnp.where(lane == k, bias + jnp.sum(t), z)
            pltpu.touch(bu)
            pltpu.touch(bi_)
            if k + DEPTH < L:
                fire(uvec[k + DEPTH], ivec[k + DEPTH], slot)
            else:

                @pl.when(g < G - 1)
                def _(k=k, slot=slot, uvecn=uvecn, ivecn=ivecn):
                    fire(uvecn[k + DEPTH - L], ivecn[k + DEPTH - L], slot)
        out_v[pl.ds(g * L, L)] = z
        return carry

    lax.fori_loop(0, G, group_body, 0)

    pltpu.sync_copy(out_v, out_hbm.at[pl.ds(base, BPW)])


def kernel(user_id, item_id, user_table, item_table, fc_w, fc_b):
    ut_t = user_table.T
    it_t = item_table.T
    w = fc_w.reshape(D)
    b16 = jnp.broadcast_to(fc_b.reshape(1), (L,)).astype(jnp.float32)
    return _cf_kernel(user_id, item_id, ut_t, it_t, w, b16)

# --- scband reference (transcript-rebuilt; emitter-appended) ---
"""Pipeline reference for scband-collaborative-filtering-model-12816182411812 (READ-ONLY COPY).

The authoritative reference and input builder live on the scoring server;
editing this copy changes nothing except your own understanding.
"""

import jax, jax.numpy as jnp
import numpy as np

NUM_USERS = 1000000
NUM_ITEMS = 1000000
EMBED_DIM = 32
BATCH = 16384

def setup_inputs(seed: int = 0) -> dict:
    key = jax.random.key(seed)
    k1, k2, k3, k4, k5, k6 = jax.random.split(key, 6)
    user_id = jax.random.randint(k1, (BATCH,), 0, NUM_USERS, dtype=jnp.int64 if jax.config.jax_enable_x64 else jnp.int32).astype(jnp.int32)
    item_id = jax.random.randint(k2, (BATCH,), 0, NUM_ITEMS, dtype=jnp.int32)
    user_table = jax.random.normal(k3, (NUM_USERS, EMBED_DIM), dtype=jnp.float32)
    item_table = jax.random.normal(k4, (NUM_ITEMS, EMBED_DIM), dtype=jnp.float32)
    fc_w = jax.random.normal(k5, (1, EMBED_DIM), dtype=jnp.float32) * (1.0 / np.sqrt(EMBED_DIM))
    fc_b = jax.random.normal(k6, (1,), dtype=jnp.float32) * 0.01
    return {"user_id": user_id, "item_id": item_id, "user_table": user_table, "item_table": item_table, "fc_w": fc_w, "fc_b": fc_b}

def reference(user_id, item_id, user_table, item_table, fc_w, fc_b):
    user_emb = jnp.take(user_table, user_id, axis=0)
    item_emb = jnp.take(item_table, item_id, axis=0)
    dot_product = user_emb * item_emb
    pred = dot_product @ fc_w.T + fc_b
    return jnp.squeeze(pred, axis=-1)

if __name__ == "__main__":
    import jax
    _d = setup_inputs()
    print(jax.jit(kernel)(*tuple(_d.values())))

</pallas_src>

<mosaic_0001>
#map = affine_map<(d0, d1) -> (0)>
#map1 = affine_map<(d0, d1) -> (0, 0)>
module attributes {stable_mosaic.version = 14 : i64} {
  func.func @_cf_kernel(%arg0: i32, %arg1: i32, %arg2: memref<16384xi32, #tpu.memory_space<hbm>>, %arg3: memref<16384xi32, #tpu.memory_space<hbm>>, %arg4: memref<32x1000000xf32, #tpu.memory_space<hbm>>, %arg5: memref<32x1000000xf32, #tpu.memory_space<hbm>>, %arg6: memref<32xf32, #tpu.memory_space<hbm>>, %arg7: memref<16xf32, #tpu.memory_space<hbm>>, %arg8: memref<16384xf32, #tpu.memory_space<hbm>>, %arg9: memref<512xi32, #tpu.memory_space<vmem>>, %arg10: memref<512xi32, #tpu.memory_space<vmem>>, %arg11: memref<8x32x128xf32, #tpu.memory_space<vmem>>, %arg12: memref<8x32x128xf32, #tpu.memory_space<vmem>>, %arg13: memref<32xf32, #tpu.memory_space<vmem>>, %arg14: memref<16xf32, #tpu.memory_space<vmem>>, %arg15: memref<512xf32, #tpu.memory_space<vmem>>, %arg16: memref<!tpu.dma_semaphore, #tpu.memory_space<semaphore_mem>>, %arg17: memref<!tpu.dma_semaphore, #tpu.memory_space<semaphore_mem>>, %arg18: memref<!tpu.dma_semaphore, #tpu.memory_space<semaphore_mem>>, %arg19: memref<!tpu.dma_semaphore, #tpu.memory_space<semaphore_mem>>, %arg20: memref<!tpu.dma_semaphore, #tpu.memory_space<semaphore_mem>>, %arg21: memref<!tpu.dma_semaphore, #tpu.memory_space<semaphore_mem>>, %arg22: memref<!tpu.dma_semaphore, #tpu.memory_space<semaphore_mem>>, %arg23: memref<!tpu.dma_semaphore, #tpu.memory_space<semaphore_mem>>, %arg24: memref<!tpu.dma_semaphore, #tpu.memory_space<semaphore_mem>>, %arg25: memref<!tpu.dma_semaphore, #tpu.memory_space<semaphore_mem>>, %arg26: memref<!tpu.dma_semaphore, #tpu.memory_space<semaphore_mem>>, %arg27: memref<!tpu.dma_semaphore, #tpu.memory_space<semaphore_mem>>, %arg28: memref<!tpu.dma_semaphore, #tpu.memory_space<semaphore_mem>>, %arg29: memref<!tpu.dma_semaphore, #tpu.memory_space<semaphore_mem>>, %arg30: memref<!tpu.dma_semaphore, #tpu.memory_space<semaphore_mem>>, %arg31: memref<!tpu.dma_semaphore, #tpu.memory_space<semaphore_mem>>) attributes {dimension_semantics = [#tpu.dimension_semantics<core_parallel>, #tpu.dimension_semantics<subcore_parallel>], iteration_bounds = array<i64: 2, 16>, scalar_prefetch = 0 : i64, scratch_operands = 23 : i64, tpu.core_type = #tpu.core_type<sc_vector_subcore>, window_params = [{transform_indices = #map}, {transform_indices = #map}, {transform_indices = #map1}, {transform_indices = #map1}, {transform_indices = #map}, {transform_indices = #map}, {transform_indices = #map}]} {
    %mul3A = arith.constant 2 : i32
    %mul3A_0 = arith.muli %arg1, %mul3A : i32
    %add3A = arith.addi %mul3A_0, %arg0 : i32
    %mul3A_1 = arith.constant 512 : i32
    %mul3A_2 = arith.muli %add3A, %mul3A_1 : i32
    "tpu.region"() ({
      %run_scoped3A = tpu.sem_alloc : memref<!tpu.dma_semaphore, #tpu.memory_space<semaphore_mem>>
      %dma_start3A_334 = tpu.memref_slice %arg2[%mul3A_2] : memref<16384xi32, #tpu.memory_space<hbm>> -> memref<512xi32, #tpu.memory_space<hbm>>
      %dma_start3A_335 = tpu.memref_slice %arg2[%mul3A_2] : memref<16384xi32, #tpu.memory_space<hbm>> -> memref<512xi32, #tpu.memory_space<hbm>>
      tpu.enqueue_dma source(%dma_start3A_335 : memref<512xi32, #tpu.memory_space<hbm>>) target(%arg9 : memref<512xi32, #tpu.memory_space<vmem>>) target_semaphore(%run_scoped3A : memref<!tpu.dma_semaphore, #tpu.memory_space<semaphore_mem>>)
      %dma_wait3A = tpu.memref_slice %arg2[%mul3A_2] : memref<16384xi32, #tpu.memory_space<hbm>> -> memref<512xi32, #tpu.memory_space<hbm>>
      %dma_wait3A_336 = tpu.memref_slice %arg2[%mul3A_2] : memref<16384xi32, #tpu.memory_space<hbm>> -> memref<512xi32, #tpu.memory_space<hbm>>
      tpu.wait_dma2 semaphore(%run_scoped3A : memref<!tpu.dma_semaphore, #tpu.memory_space<semaphore_mem>>) src(%dma_wait3A_336 : memref<512xi32, #tpu.memory_space<hbm>>) dst(%arg9 : memref<512xi32, #tpu.memory_space<vmem>>)
      tpu.yield
    }) : () -> ()
    "tpu.region"() ({
      %run_scoped3A = tpu.sem_alloc : memref<!tpu.dma_semaphore, #tpu.memory_space<semaphore_mem>>
      %dma_start3A_334 = tpu.memref_slice %arg3[%mul3A_2] : memref<16384xi32, #tpu.memory_space<hbm>> -> memref<512xi32, #tpu.memory_space<hbm>>
      %dma_start3A_335 = tpu.memref_slice %arg3[%mul3A_2] : memref<16384xi32, #tpu.memory_space<hbm>> -> memref<512xi32, #tpu.memory_space<hbm>>
      tpu.enqueue_dma source(%dma_start3A_335 : memref<512xi32, #tpu.memory_space<hbm>>) target(%arg10 : memref<512xi32, #tpu.memory_space<vmem>>) target_semaphore(%run_scoped3A : memref<!tpu.dma_semaphore, #tpu.memory_space<semaphore_mem>>)
      %dma_wait3A = tpu.memref_slice %arg3[%mul3A_2] : memref<16384xi32, #tpu.memory_space<hbm>> -> memref<512xi32, #tpu.memory_space<hbm>>
      %dma_wait3A_336 = tpu.memref_slice %arg3[%mul3A_2] : memref<16384xi32, #tpu.memory_space<hbm>> -> memref<512xi32, #tpu.memory_space<hbm>>
      tpu.wait_dma2 semaphore(%run_scoped3A : memref<!tpu.dma_semaphore, #tpu.memory_space<semaphore_mem>>) src(%dma_wait3A_336 : memref<512xi32, #tpu.memory_space<hbm>>) dst(%arg10 : memref<512xi32, #tpu.memory_space<vmem>>)
      tpu.yield
    }) : () -> ()
    "tpu.region"() ({
      %run_scoped3A = tpu.sem_alloc : memref<!tpu.dma_semaphore, #tpu.memory_space<semaphore_mem>>
      tpu.enqueue_dma source(%arg6 : memref<32xf32, #tpu.memory_space<hbm>>) target(%arg13 : memref<32xf32, #tpu.memory_space<vmem>>) target_semaphore(%run_scoped3A : memref<!tpu.dma_semaphore, #tpu.memory_space<semaphore_mem>>)
      tpu.wait_dma2 semaphore(%run_scoped3A : memref<!tpu.dma_semaphore, #tpu.memory_space<semaphore_mem>>) src(%arg6 : memref<32xf32, #tpu.memory_space<hbm>>) dst(%arg13 : memref<32xf32, #tpu.memory_space<vmem>>)
      tpu.yield
    }) : () -> ()
    "tpu.region"() ({
      %run_scoped3A = tpu.sem_alloc : memref<!tpu.dma_semaphore, #tpu.memory_space<semaphore_mem>>
      tpu.enqueue_dma source(%arg7 : memref<16xf32, #tpu.memory_space<hbm>>) target(%arg14 : memref<16xf32, #tpu.memory_space<vmem>>) target_semaphore(%run_scoped3A : memref<!tpu.dma_semaphore, #tpu.memory_space<semaphore_mem>>)
      tpu.wait_dma2 semaphore(%run_scoped3A : memref<!tpu.dma_semaphore, #tpu.memory_space<semaphore_mem>>) src(%arg7 : memref<16xf32, #tpu.memory_space<hbm>>) dst(%arg14 : memref<16xf32, #tpu.memory_space<vmem>>)
      tpu.yield
    }) : () -> ()
    %get3A = arith.constant 0 : index
    %get3A_3 = tpu.vector_load %arg14[%get3A] {strides = array<i32>} : memref<16xf32, #tpu.memory_space<vmem>>, vector<16xf32>,
    %iota3A = tpu.iota {dimensions = array<i32: 0>} : vector<16xi32>
    %get3A_4 = arith.constant 0 : index
    %get3A_5 = tpu.vector_load %arg13[%get3A_4] {strides = array<i32>} : memref<32xf32, #tpu.memory_space<vmem>>, vector<16xf32>,
    %get3A_6 = arith.constant 16 : index
    %get3A_7 = tpu.vector_load %arg13[%get3A_6] {strides = array<i32>} : memref<32xf32, #tpu.memory_space<vmem>>, vector<16xf32>,
    %add3A_8 = arith.constant 16 : i32
    %add3A_9 = vector.broadcast %add3A_8 : i32 to vector<16xi32>
    %add3A_10 = arith.addi %iota3A, %add3A_9 : vector<16xi32>
    %get3A_11 = arith.constant 0 : index
    %get3A_12 = tpu.vector_load %arg9[%get3A_11] {strides = array<i32>} : memref<512xi32, #tpu.memory_space<vmem>>, vector<16xi32>,
    %get3A_13 = arith.constant 0 : index
    %get3A_14 = tpu.vector_load %arg10[%get3A_13] {strides = array<i32>} : memref<512xi32, #tpu.memory_space<vmem>>, vector<16xi32>,
    %slice3A = vector.extract_strided_slice %get3A_12 {offsets = [0], sizes = [1], strides = [1]} : vector<16xi32> to vector<1xi32>
    %squeeze3A = vector.extract %slice3A[0] : i32 from vector<1xi32>
    %slice3A_15 = vector.extract_strided_slice %get3A_14 {offsets = [0], sizes = [1], strides = [1]} : vector<16xi32> to vector<1xi32>
    %squeeze3A_16 = vector.extract %slice3A_15[0] : i32 from vector<1xi32>
    %shift_right_arithmetic3A = arith.constant 7 : i32
    %shift_right_arithmetic3A_17 = arith.shrsi %squeeze3A, %shift_right_arithmetic3A : i32
    %shift_left3A = arith.constant 7 : i32
    %shift_left3A_18 = arith.shli %shift_right_arithmetic3A_17, %shift_left3A : i32
    %multiple_of3A = tpu.assume_multiple %shift_left3A_18, 128 : i32
    %shift_right_arithmetic3A_19 = arith.constant 7 : i32
    %shift_right_arithmetic3A_20 = arith.shrsi %squeeze3A_16, %shift_right_arithmetic3A_19 : i32
    %shift_left3A_21 = arith.constant 7 : i32
    %shift_left3A_22 = arith.shli %shift_right_arithmetic3A_20, %shift_left3A_21 : i32
    %multiple_of3A_23 = tpu.assume_multiple %shift_left3A_22, 128 : i32
    %dma_start3A = arith.constant 0 : i32
    %dma_start3A_24 = arith.constant 0 : i32
    %dma_start3A_25 = arith.constant 0 : i32
    %dma_start3A_26 = tpu.memref_slice %arg11[%dma_start3A, %dma_start3A_24, %dma_start3A_25] : memref<8x32x128xf32, #tpu.memory_space<vmem>> -> memref<1x32x128xf32, #tpu.memory_space<vmem>>
    %dma_start3A_27 = tpu.memref_squeeze %dma_start3A_26 : memref<1x32x128xf32, #tpu.memory_space<vmem>> -> memref<32x128xf32, #tpu.memory_space<vmem>>
    %dma_start3A_28 = arith.constant 0 : i32
    %dma_start3A_29 = tpu.memref_slice %arg4[%dma_start3A_28, %multiple_of3A] : memref<32x1000000xf32, #tpu.memory_space<hbm>> -> memref<32x128xf32, #tpu.memory_space<hbm>>
    %dma_start3A_30 = arith.constant 0 : i32
    %dma_start3A_31 = arith.constant 0 : i32
    %dma_start3A_32 = tpu.memref_slice %arg11[%dma_start3A, %dma_start3A_30, %dma_start3A_31] : memref<8x32x128xf32, #tpu.memory_space<vmem>> -> memref<1x32x128xf32, #tpu.memory_space<vmem>>
    %dma_start3A_33 = tpu.memref_squeeze %dma_start3A_32 : memref<1x32x128xf32, #tpu.memory_space<vmem>> -> memref<32x128xf32, #tpu.memory_space<vmem>>
    %dma_start3A_34 = arith.constant 0 : i32
    %dma_start3A_35 = tpu.memref_slice %arg4[%dma_start3A_34, %multiple_of3A] : memref<32x1000000xf32, #tpu.memory_space<hbm>> -> memref<32x128xf32, #tpu.memory_space<hbm>>
    tpu.enqueue_dma source(%dma_start3A_35 : memref<32x128xf32, #tpu.memory_space<hbm>>) target(%dma_start3A_33 : memref<32x128xf32, #tpu.memory_space<vmem>>) target_semaphore(%arg16 : memref<!tpu.dma_semaphore, #tpu.memory_space<semaphore_mem>>)
    %dma_start3A_36 = arith.constant 0 : i32
    %dma_start3A_37 = arith.constant 0 : i32
    %dma_start3A_38 = arith.constant 0 : i32
    %dma_start3A_39 = tpu.memref_slice %arg12[%dma_start3A_36, %dma_start3A_37, %dma_start3A_38] : memref<8x32x128xf32, #tpu.memory_space<vmem>> -> memref<1x32x128xf32, #tpu.memory_space<vmem>>
    %dma_start3A_40 = tpu.memref_squeeze %dma_start3A_39 : memref<1x32x128xf32, #tpu.memory_space<vmem>> -> memref<32x128xf32, #tpu.memory_space<vmem>>
    %dma_start3A_41 = arith.constant 0 : i32
    %dma_start3A_42 = tpu.memref_slice %arg5[%dma_start3A_41, %multiple_of3A_23] : memref<32x1000000xf32, #tpu.memory_space<hbm>> -> memref<32x128xf32, #tpu.memory_space<hbm>>
    %dma_start3A_43 = arith.constant 0 : i32
    %dma_start3A_44 = arith.constant 0 : i32
    %dma_start3A_45 = tpu.memref_slice %arg12[%dma_start3A_36, %dma_start3A_43, %dma_start3A_44] : memref<8x32x128xf32, #tpu.memory_space<vmem>> -> memref<1x32x128xf32, #tpu.memory_space<vmem>>
    %dma_start3A_46 = tpu.memref_squeeze %dma_start3A_45 : memref<1x32x128xf32, #tpu.memory_space<vmem>> -> memref<32x128xf32, #tpu.memory_space<vmem>>
    %dma_start3A_47 = arith.constant 0 : i32
    %dma_start3A_48 = tpu.memref_slice %arg5[%dma_start3A_47, %multiple_of3A_23] : memref<32x1000000xf32, #tpu.memory_space<hbm>> -> memref<32x128xf32, #tpu.memory_space<hbm>>
    tpu.enqueue_dma source(%dma_start3A_48 : memref<32x128xf32, #tpu.memory_space<hbm>>) target(%dma_start3A_46 : memref<32x128xf32, #tpu.memory_space<vmem>>) target_semaphore(%arg24 : memref<!tpu.dma_semaphore, #tpu.memory_space<semaphore_mem>>)
    %slice3A_49 = vector.extract_strided_slice %get3A_12 {offsets = [1], sizes = [1], strides = [1]} : vector<16xi32> to vector<1xi32>
    %squeeze3A_50 = vector.extract %slice3A_49[0] : i32 from vector<1xi32>
    %slice3A_51 = vector.extract_strided_slice %get3A_14 {offsets = [1], sizes = [1], strides = [1]} : vector<16xi32> to vector<1xi32>
    %squeeze3A_52 = vector.extract %slice3A_51[0] : i32 from vector<1xi32>
    %shift_right_arithmetic3A_53 = arith.constant 7 : i32
    %shift_right_arithmetic3A_54 = arith.shrsi %squeeze3A_50, %shift_right_arithmetic3A_53 : i32
    %shift_left3A_55 = arith.constant 7 : i32
    %shift_left3A_56 = arith.shli %shift_right_arithmetic3A_54, %shift_left3A_55 : i32
    %multiple_of3A_57 = tpu.assume_multiple %shift_left3A_56, 128 : i32
    %shift_right_arithmetic3A_58 = arith.constant 7 : i32
    %shift_right_arithmetic3A_59 = arith.shrsi %squeeze3A_52, %shift_right_arithmetic3A_58 : i32
    %shift_left3A_60 = arith.constant 7 : i32
    %shift_left3A_61 = arith.shli %shift_right_arithmetic3A_59, %shift_left3A_60 : i32
    %multiple_of3A_62 = tpu.assume_multiple %shift_left3A_61, 128 : i32
    %dma_start3A_63 = arith.constant 1 : i32
    %dma_start3A_64 = arith.constant 0 : i32
    %dma_start3A_65 = arith.constant 0 : i32
    %dma_start3A_66 = tpu.memref_slice %arg11[%dma_start3A_63, %dma_start3A_64, %dma_start3A_65] : memref<8x32x128xf32, #tpu.memory_space<vmem>> -> memref<1x32x128xf32, #tpu.memory_space<vmem>>
    %dma_start3A_67 = tpu.memref_squeeze %dma_start3A_66 : memref<1x32x128xf32, #tpu.memory_space<vmem>> -> memref<32x128xf32, #tpu.memory_space<vmem>>
    %dma_start3A_68 = arith.constant 0 : i32
    %dma_start3A_69 = tpu.memref_slice %arg4[%dma_start3A_68, %multiple_of3A_57] : memref<32x1000000xf32, #tpu.memory_space<hbm>> -> memref<32x128xf32, #tpu.memory_space<hbm>>
    %dma_start3A_70 = arith.constant 0 : i32
    %dma_start3A_71 = arith.constant 0 : i32
    %dma_start3A_72 = tpu.memref_slice %arg11[%dma_start3A_63, %dma_start3A_70, %dma_start3A_71] : memref<8x32x128xf32, #tpu.memory_space<vmem>> -> memref<1x32x128xf32, #tpu.memory_space<vmem>>
    %dma_start3A_73 = tpu.memref_squeeze %dma_start3A_72 : memref<1x32x128xf32, #tpu.memory_space<vmem>> -> memref<32x128xf32, #tpu.memory_space<vmem>>
    %dma_start3A_74 = arith.constant 0 : i32
    %dma_start3A_75 = tpu.memref_slice %arg4[%dma_start3A_74, %multiple_of3A_57] : memref<32x1000000xf32, #tpu.memory_space<hbm>> -> memref<32x128xf32, #tpu.memory_space<hbm>>
    tpu.enqueue_dma source(%dma_start3A_75 : memref<32x128xf32, #tpu.memory_space<hbm>>) target(%dma_start3A_73 : memref<32x128xf32, #tpu.memory_space<vmem>>) target_semaphore(%arg17 : memref<!tpu.dma_semaphore, #tpu.memory_space<semaphore_mem>>)
    %dma_start3A_76 = arith.constant 1 : i32
    %dma_start3A_77 = arith.constant 0 : i32
    %dma_start3A_78 = arith.constant 0 : i32
    %dma_start3A_79 = tpu.memref_slice %arg12[%dma_start3A_76, %dma_start3A_77, %dma_start3A_78] : memref<8x32x128xf32, #tpu.memory_space<vmem>> -> memref<1x32x128xf32, #tpu.memory_space<vmem>>
    %dma_start3A_80 = tpu.memref_squeeze %dma_start3A_79 : memref<1x32x128xf32, #tpu.memory_space<vmem>> -> memref<32x128xf32, #tpu.memory_space<vmem>>
    %dma_start3A_81 = arith.constant 0 : i32
    %dma_start3A_82 = tpu.memref_slice %arg5[%dma_start3A_81, %multiple_of3A_62] : memref<32x1000000xf32, #tpu.memory_space<hbm>> -> memref<32x128xf32, #tpu.memory_space<hbm>>
    %dma_start3A_83 = arith.constant 0 : i32
    %dma_start3A_84 = arith.constant 0 : i32
    %dma_start3A_85 = tpu.memref_slice %arg12[%dma_start3A_76, %dma_start3A_83, %dma_start3A_84] : memref<8x32x128xf32, #tpu.memory_space<vmem>> -> memref<1x32x128xf32, #tpu.memory_space<vmem>>
    %dma_start3A_86 = tpu.memref_squeeze %dma_start3A_85 : memref<1x32x128xf32, #tpu.memory_space<vmem>> -> memref<32x128xf32, #tpu.memory_space<vmem>>
    %dma_start3A_87 = arith.constant 0 : i32
    %dma_start3A_88 = tpu.memref_slice %arg5[%dma_start3A_87, %multiple_of3A_62] : memref<32x1000000xf32, #tpu.memory_space<hbm>> -> memref<32x128xf32, #tpu.memory_space<hbm>>
    tpu.enqueue_dma source(%dma_start3A_88 : memref<32x128xf32, #tpu.memory_space<hbm>>) target(%dma_start3A_86 : memref<32x128xf32, #tpu.memory_space<vmem>>) target_semaphore(%arg25 : memref<!tpu.dma_semaphore, #tpu.memory_space<semaphore_mem>>)
    %slice3A_89 = vector.extract_strided_slice %get3A_12 {offsets = [2], sizes = [1], strides = [1]} : vector<16xi32> to vector<1xi32>
    %squeeze3A_90 = vector.extract %slice3A_89[0] : i32 from vector<1xi32>
    %slice3A_91 = vector.extract_strided_slice %get3A_14 {offsets = [2], sizes = [1], strides = [1]} : vector<16xi32> to vector<1xi32>
    %squeeze3A_92 = vector.extract %slice3A_91[0] : i32 from vector<1xi32>
    %shift_right_arithmetic3A_93 = arith.constant 7 : i32
    %shift_right_arithmetic3A_94 = arith.shrsi %squeeze3A_90, %shift_right_arithmetic3A_93 : i32
    %shift_left3A_95 = arith.constant 7 : i32
    %shift_left3A_96 = arith.shli %shift_right_arithmetic3A_94, %shift_left3A_95 : i32
    %multiple_of3A_97 = tpu.assume_multiple %shift_left3A_96, 128 : i32
    %shift_right_arithmetic3A_98 = arith.constant 7 : i32
    %shift_right_arithmetic3A_99 = arith.shrsi %squeeze3A_92, %shift_right_arithmetic3A_98 : i32
    %shift_left3A_100 = arith.constant 7 : i32
    %shift_left3A_101 = arith.shli %shift_right_arithmetic3A_99, %shift_left3A_100 : i32
    %multiple_of3A_102 = tpu.assume_multiple %shift_left3A_101, 128 : i32
    %dma_start3A_103 = arith.constant 2 : i32
    %dma_start3A_104 = arith.constant 0 : i32
    %dma_start3A_105 = arith.constant 0 : i32
    %dma_start3A_106 = tpu.memref_slice %arg11[%dma_start3A_103, %dma_start3A_104, %dma_start3A_105] : memref<8x32x128xf32, #tpu.memory_space<vmem>> -> memref<1x32x128xf32, #tpu.memory_space<vmem>>
    %dma_start3A_107 = tpu.memref_squeeze %dma_start3A_106 : memref<1x32x128xf32, #tpu.memory_space<vmem>> -> memref<32x128xf32, #tpu.memory_space<vmem>>
    %dma_start3A_108 = arith.constant 0 : i32
    %dma_start3A_109 = tpu.memref_slice %arg4[%dma_start3A_108, %multiple_of3A_97] : memref<32x1000000xf32, #tpu.memory_space<hbm>> -> memref<32x128xf32, #tpu.memory_space<hbm>>
    %dma_start3A_110 = arith.constant 0 : i32
    %dma_start3A_111 = arith.constant 0 : i32
    %dma_start3A_112 = tpu.memref_slice %arg11[%dma_start3A_103, %dma_start3A_110, %dma_start3A_111] : memref<8x32x128xf32, #tpu.memory_space<vmem>> -> memref<1x32x128xf32, #tpu.memory_space<vmem>>
    %dma_start3A_113 = tpu.memref_squeeze %dma_start3A_112 : memref<1x32x128xf32, #tpu.memory_space<vmem>> -> memref<32x128xf32, #tpu.memory_space<vmem>>
    %dma_start3A_114 = arith.constant 0 : i32
    %dma_start3A_115 = tpu.memref_slice %arg4[%dma_start3A_114, %multiple_of3A_97] : memref<32x1000000xf32, #tpu.memory_space<hbm>> -> memref<32x128xf32, #tpu.memory_space<hbm>>
    tpu.enqueue_dma source(%dma_start3A_115 : memref<32x128xf32, #tpu.memory_space<hbm>>) target(%dma_start3A_113 : memref<32x128xf32, #tpu.memory_space<vmem>>) target_semaphore(%arg18 : memref<!tpu.dma_semaphore, #tpu.memory_space<semaphore_mem>>)
    %dma_start3A_116 = arith.constant 2 : i32
    %dma_start3A_117 = arith.constant 0 : i32
    %dma_start3A_118 = arith.constant 0 : i32
    %dma_start3A_119 = tpu.memref_slice %arg12[%dma_start3A_116, %dma_start3A_117, %dma_start3A_118] : memref<8x32x128xf32, #tpu.memory_space<vmem>> -> memref<1x32x128xf32, #tpu.memory_space<vmem>>
    %dma_start3A_120 = tpu.memref_squeeze %dma_start3A_119 : memref<1x32x128xf32, #tpu.memory_space<vmem>> -> memref<32x128xf32, #tpu.memory_space<vmem>>
    %dma_start3A_121 = arith.constant 0 : i32
    %dma_start3A_122 = tpu.memref_slice %arg5[%dma_start3A_121, %multiple_of3A_102] : memref<32x1000000xf32, #tpu.memory_space<hbm>> -> memref<32x128xf32, #tpu.memory_space<hbm>>
    %dma_start3A_123 = arith.constant 0 : i32
    %dma_start3A_124 = arith.constant 0 : i32
    %dma_start3A_125 = tpu.memref_slice %arg12[%dma_start3A_116, %dma_start3A_123, %dma_start3A_124] : memref<8x32x128xf32, #tpu.memory_space<vmem>> -> memref<1x32x128xf32, #tpu.memory_space<vmem>>
    %dma_start3A_126 = tpu.memref_squeeze %dma_start3A_125 : memref<1x32x128xf32, #tpu.memory_space<vmem>> -> memref<32x128xf32, #tpu.memory_space<vmem>>
    %dma_start3A_127 = arith.constant 0 : i32
    %dma_start3A_128 = tpu.memref_slice %arg5[%dma_start3A_127, %multiple_of3A_102] : memref<32x1000000xf32, #tpu.memory_space<hbm>> -> memref<32x128xf32, #tpu.memory_space<hbm>>
    tpu.enqueue_dma source(%dma_start3A_128 : memref<32x128xf32, #tpu.memory_space<hbm>>) target(%dma_start3A_126 : memref<32x128xf32, #tpu.memory_space<vmem>>) target_semaphore(%arg26 : memref<!tpu.dma_semaphore, #tpu.memory_space<semaphore_mem>>)
    %slice3A_129 = vector.extract_strided_slice %get3A_12 {offsets = [3], sizes = [1], strides = [1]} : vector<16xi32> to vector<1xi32>
    %squeeze3A_130 = vector.extract %slice3A_129[0] : i32 from vector<1xi32>
    %slice3A_131 = vector.extract_strided_slice %get3A_14 {offsets = [3], sizes = [1], strides = [1]} : vector<16xi32> to vector<1xi32>
    %squeeze3A_132 = vector.extract %slice3A_131[0] : i32 from vector<1xi32>
    %shift_right_arithmetic3A_133 = arith.constant 7 : i32
    %shift_right_arithmetic3A_134 = arith.shrsi %squeeze3A_130, %shift_right_arithmetic3A_133 : i32
    %shift_left3A_135 = arith.constant 7 : i32
    %shift_left3A_136 = arith.shli %shift_right_arithmetic3A_134, %shift_left3A_135 : i32
    %multiple_of3A_137 = tpu.assume_multiple %shift_left3A_136, 128 : i32
    %shift_right_arithmetic3A_138 = arith.constant 7 : i32
    %shift_right_arithmetic3A_139 = arith.shrsi %squeeze3A_132, %shift_right_arithmetic3A_138 : i32
    %shift_left3A_140 = arith.constant 7 : i32
    %shift_left3A_141 = arith.shli %shift_right_arithmetic3A_139, %shift_left3A_140 : i32
    %multiple_of3A_142 = tpu.assume_multiple %shift_left3A_141, 128 : i32
    %dma_start3A_143 = arith.constant 3 : i32
    %dma_start3A_144 = arith.constant 0 : i32
    %dma_start3A_145 = arith.constant 0 : i32
    %dma_start3A_146 = tpu.memref_slice %arg11[%dma_start3A_143, %dma_start3A_144, %dma_start3A_145] : memref<8x32x128xf32, #tpu.memory_space<vmem>> -> memref<1x32x128xf32, #tpu.memory_space<vmem>>
    %dma_start3A_147 = tpu.memref_squeeze %dma_start3A_146 : memref<1x32x128xf32, #tpu.memory_space<vmem>> -> memref<32x128xf32, #tpu.memory_space<vmem>>
    %dma_start3A_148 = arith.constant 0 : i32
    %dma_start3A_149 = tpu.memref_slice %arg4[%dma_start3A_148, %multiple_of3A_137] : memref<32x1000000xf32, #tpu.memory_space<hbm>> -> memref<32x128xf32, #tpu.memory_space<hbm>>
    %dma_start3A_150 = arith.constant 0 : i32
    %dma_start3A_151 = arith.constant 0 : i32
    %dma_start3A_152 = tpu.memref_slice %arg11[%dma_start3A_143, %dma_start3A_150, %dma_start3A_151] : memref<8x32x128xf32, #tpu.memory_space<vmem>> -> memref<1x32x128xf32, #tpu.memory_space<vmem>>
    %dma_start3A_153 = tpu.memref_squeeze %dma_start3A_152 : memref<1x32x128xf32, #tpu.memory_space<vmem>> -> memref<32x128xf32, #tpu.memory_space<vmem>>
    %dma_start3A_154 = arith.constant 0 : i32
    %dma_start3A_155 = tpu.memref_slice %arg4[%dma_start3A_154, %multiple_of3A_137] : memref<32x1000000xf32, #tpu.memory_space<hbm>> -> memref<32x128xf32, #tpu.memory_space<hbm>>
    tpu.enqueue_dma source(%dma_start3A_155 : memref<32x128xf32, #tpu.memory_space<hbm>>) target(%dma_start3A_153 : memref<32x128xf32, #tpu.memory_space<vmem>>) target_semaphore(%arg19 : memref<!tpu.dma_semaphore, #tpu.memory_space<semaphore_mem>>)
    %dma_start3A_156 = arith.constant 3 : i32
    %dma_start3A_157 = arith.constant 0 : i32
    %dma_start3A_158 = arith.constant 0 : i32
    %dma_start3A_159 = tpu.memref_slice %arg12[%dma_start3A_156, %dma_start3A_157, %dma_start3A_158] : memref<8x32x128xf32, #tpu.memory_space<vmem>> -> memref<1x32x128xf32, #tpu.memory_space<vmem>>
    %dma_start3A_160 = tpu.memref_squeeze %dma_start3A_159 : memref<1x32x128xf32, #tpu.memory_space<vmem>> -> memref<32x128xf32, #tpu.memory_space<vmem>>
    %dma_start3A_161 = arith.constant 0 : i32
    %dma_start3A_162 = tpu.memref_slice %arg5[%dma_start3A_161, %multiple_of3A_142] : memref<32x1000000xf32, #tpu.memory_space<hbm>> -> memref<32x128xf32, #tpu.memory_space<hbm>>
    %dma_start3A_163 = arith.constant 0 : i32
    %dma_start3A_164 = arith.constant 0 : i32
    %dma_start3A_165 = tpu.memref_slice %arg12[%dma_start3A_156, %dma_start3A_163, %dma_start3A_164] : memref<8x32x128xf32, #tpu.memory_space<vmem>> -> memref<1x32x128xf32, #tpu.memory_space<vmem>>
    %dma_start3A_166 = tpu.memref_squeeze %dma_start3A_165 : memref<1x32x128xf32, #tpu.memory_space<vmem>> -> memref<32x128xf32, #tpu.memory_space<vmem>>
    %dma_start3A_167 = arith.constant 0 : i32
    %dma_start3A_168 = tpu.memref_slice %arg5[%dma_start3A_167, %multiple_of3A_142] : memref<32x1000000xf32, #tpu.memory_space<hbm>> -> memref<32x128xf32, #tpu.memory_space<hbm>>
    tpu.enqueue_dma source(%dma_start3A_168 : memref<32x128xf32, #tpu.memory_space<hbm>>) target(%dma_start3A_166 : memref<32x128xf32, #tpu.memory_space<vmem>>) target_semaphore(%arg27 : memref<!tpu.dma_semaphore, #tpu.memory_space<semaphore_mem>>)
    %slice3A_169 = vector.extract_strided_slice %get3A_12 {offsets = [4], sizes = [1], strides = [1]} : vector<16xi32> to vector<1xi32>
    %squeeze3A_170 = vector.extract %slice3A_169[0] : i32 from vector<1xi32>
    %slice3A_171 = vector.extract_strided_slice %get3A_14 {offsets = [4], sizes = [1], strides = [1]} : vector<16xi32> to vector<1xi32>
    %squeeze3A_172 = vector.extract %slice3A_171[0] : i32 from vector<1xi32>
    %shift_right_arithmetic3A_173 = arith.constant 7 : i32
    %shift_right_arithmetic3A_174 = arith.shrsi %squeeze3A_170, %shift_right_arithmetic3A_173 : i32
    %shift_left3A_175 = arith.constant 7 : i32
    %shift_left3A_176 = arith.shli %shift_right_arithmetic3A_174, %shift_left3A_175 : i32
    %multiple_of3A_177 = tpu.assume_multiple %shift_left3A_176, 128 : i32
    %shift_right_arithmetic3A_178 = arith.constant 7 : i32
    %shift_right_arithmetic3A_179 = arith.shrsi %squeeze3A_172, %shift_right_arithmetic3A_178 : i32
    %shift_left3A_180 = arith.constant 7 : i32
    %shift_left3A_181 = arith.shli %shift_right_arithmetic3A_179, %shift_left3A_180 : i32
    %multiple_of3A_182 = tpu.assume_multiple %shift_left3A_181, 128 : i32
    %dma_start3A_183 = arith.constant 4 : i32
    %dma_start3A_184 = arith.constant 0 : i32
    %dma_start3A_185 = arith.constant 0 : i32
    %dma_start3A_186 = tpu.memref_slice %arg11[%dma_start3A_183, %dma_start3A_184, %dma_start3A_185] : memref<8x32x128xf32, #tpu.memory_space<vmem>> -> memref<1x32x128xf32, #tpu.memory_space<vmem>>
    %dma_start3A_187 = tpu.memref_squeeze %dma_start3A_186 : memref<1x32x128xf32, #tpu.memory_space<vmem>> -> memref<32x128xf32, #tpu.memory_space<vmem>>
    %dma_start3A_188 = arith.constant 0 : i32
    %dma_start3A_189 = tpu.memref_slice %arg4[%dma_start3A_188, %multiple_of3A_177] : memref<32x1000000xf32, #tpu.memory_space<hbm>> -> memref<32x128xf32, #tpu.memory_space<hbm>>
    %dma_start3A_190 = arith.constant 0 : i32
    %dma_start3A_191 = arith.constant 0 : i32
    %dma_start3A_192 = tpu.memref_slice %arg11[%dma_start3A_183, %dma_start3A_190, %dma_start3A_191] : memref<8x32x128xf32, #tpu.memory_space<vmem>> -> memref<1x32x128xf32, #tpu.memory_space<vmem>>
    %dma_start3A_193 = tpu.memref_squeeze %dma_start3A_192 : memref<1x32x128xf32, #tpu.memory_space<vmem>> -> memref<32x128xf32, #tpu.memory_space<vmem>>
    %dma_start3A_194 = arith.constant 0 : i32
    %dma_start3A_195 = tpu.memref_slice %arg4[%dma_start3A_194, %multiple_of3A_177] : memref<32x1000000xf32, #tpu.memory_space<hbm>> -> memref<32x128xf32, #tpu.memory_space<hbm>>
    tpu.enqueue_dma source(%dma_start3A_195 : memref<32x128xf32, #tpu.memory_space<hbm>>) target(%dma_start3A_193 : memref<32x128xf32, #tpu.memory_space<vmem>>) target_semaphore(%arg20 : memref<!tpu.dma_semaphore, #tpu.memory_space<semaphore_mem>>)
    %dma_start3A_196 = arith.constant 4 : i32
    %dma_start3A_197 = arith.constant 0 : i32
    %dma_start3A_198 = arith.constant 0 : i32
    %dma_start3A_199 = tpu.memref_slice %arg12[%dma_start3A_196, %dma_start3A_197, %dma_start3A_198] : memref<8x32x128xf32, #tpu.memory_space<vmem>> -> memref<1x32x128xf32, #tpu.memory_space<vmem>>
    %dma_start3A_200 = tpu.memref_squeeze %dma_start3A_199 : memref<1x32x128xf32, #tpu.memory_space<vmem>> -> memref<32x128xf32, #tpu.memory_space<vmem>>
    %dma_start3A_201 = arith.constant 0 : i32
    %dma_start3A_202 = tpu.memref_slice %arg5[%dma_start3A_201, %multiple_of3A_182] : memref<32x1000000xf32, #tpu.memory_space<hbm>> -> memref<32x128xf32, #tpu.memory_space<hbm>>
    %dma_start3A_203 = arith.constant 0 : i32
    %dma_start3A_204 = arith.constant 0 : i32
    %dma_start3A_205 = tpu.memref_slice %arg12[%dma_start3A_196, %dma_start3A_203, %dma_start3A_204] : memref<8x32x128xf32, #tpu.memory_space<vmem>> -> memref<1x32x128xf32, #tpu.memory_space<vmem>>
    %dma_start3A_206 = tpu.memref_squeeze %dma_start3A_205 : memref<1x32x128xf32, #tpu.memory_space<vmem>> -> memref<32x128xf32, #tpu.memory_space<vmem>>
    %dma_start3A_207 = arith.constant 0 : i32
    %dma_start3A_208 = tpu.memref_slice %arg5[%dma_start3A_207, %multiple_of3A_182] : memref<32x1000000xf32, #tpu.memory_space<hbm>> -> memref<32x128xf32, #tpu.memory_space<hbm>>
    tpu.enqueue_dma source(%dma_start3A_208 : memref<32x128xf32, #tpu.memory_space<hbm>>) target(%dma_start3A_206 : memref<32x128xf32, #tpu.memory_space<vmem>>) target_semaphore(%arg28 : memref<!tpu.dma_semaphore, #tpu.memory_space<semaphore_mem>>)
    %slice3A_209 = vector.extract_strided_slice %get3A_12 {offsets = [5], sizes = [1], strides = [1]} : vector<16xi32> to vector<1xi32>
    %squeeze3A_210 = vector.extract %slice3A_209[0] : i32 from vector<1xi32>
    %slice3A_211 = vector.extract_strided_slice %get3A_14 {offsets = [5], sizes = [1], strides = [1]} : vector<16xi32> to vector<1xi32>
    %squeeze3A_212 = vector.extract %slice3A_211[0] : i32 from vector<1xi32>
    %shift_right_arithmetic3A_213 = arith.constant 7 : i32
    %shift_right_arithmetic3A_214 = arith.shrsi %squeeze3A_210, %shift_right_arithmetic3A_213 : i32
    %shift_left3A_215 = arith.constant 7 : i32
    %shift_left3A_216 = arith.shli %shift_right_arithmetic3A_214, %shift_left3A_215 : i32
    %multiple_of3A_217 = tpu.assume_multiple %shift_left3A_216, 128 : i32
    %shift_right_arithmetic3A_218 = arith.constant 7 : i32
    %shift_right_arithmetic3A_219 = arith.shrsi %squeeze3A_212, %shift_right_arithmetic3A_218 : i32
    %shift_left3A_220 = arith.constant 7 : i32
    %shift_left3A_221 = arith.shli %shift_right_arithmetic3A_219, %shift_left3A_220 : i32
    %multiple_of3A_222 = tpu.assume_multiple %shift_left3A_221, 128 : i32
    %dma_start3A_223 = arith.constant 5 : i32
    %dma_start3A_224 = arith.constant 0 : i32
    %dma_start3A_225 = arith.constant 0 : i32
    %dma_start3A_226 = tpu.memref_slice %arg11[%dma_start3A_223, %dma_start3A_224, %dma_start3A_225] : memref<8x32x128xf32, #tpu.memory_space<vmem>> -> memref<1x32x128xf32, #tpu.memory_space<vmem>>
    %dma_start3A_227 = tpu.memref_squeeze %dma_start3A_226 : memref<1x32x128xf32, #tpu.memory_space<vmem>> -> memref<32x128xf32, #tpu.memory_space<vmem>>
    %dma_start3A_228 = arith.constant 0 : i32
    %dma_start3A_229 = tpu.memref_slice %arg4[%dma_start3A_228, %multiple_of3A_217] : memref<32x1000000xf32, #tpu.memory_space<hbm>> -> memref<32x128xf32, #tpu.memory_space<hbm>>
    %dma_start3A_230 = arith.constant 0 : i32
    %dma_start3A_231 = arith.constant 0 : i32
    %dma_start3A_232 = tpu.memref_slice %arg11[%dma_start3A_223, %dma_start3A_230, %dma_start3A_231] : memref<8x32x128xf32, #tpu.memory_space<vmem>> -> memref<1x32x128xf32, #tpu.memory_space<vmem>>
    %dma_start3A_233 = tpu.memref_squeeze %dma_start3A_232 : memref<1x32x128xf32, #tpu.memory_space<vmem>> -> memref<32x128xf32, #tpu.memory_space<vmem>>
    %dma_start3A_234 = arith.constant 0 : i32
    %dma_start3A_235 = tpu.memref_slice %arg4[%dma_start3A_234, %multiple_of3A_217] : memref<32x1000000xf32, #tpu.memory_space<hbm>> -> memref<32x128xf32, #tpu.memory_space<hbm>>
    tpu.enqueue_dma source(%dma_start3A_235 : memref<32x128xf32, #tpu.memory_space<hbm>>) target(%dma_start3A_233 : memref<32x128xf32, #tpu.memory_space<vmem>>) target_semaphore(%arg21 : memref<!tpu.dma_semaphore, #tpu.memory_space<semaphore_mem>>)
    %dma_start3A_236 = arith.constant 5 : i32
    %dma_start3A_237 = arith.constant 0 : i32
    %dma_start3A_238 = arith.constant 0 : i32
    %dma_start3A_239 = tpu.memref_slice %arg12[%dma_start3A_236, %dma_start3A_237, %dma_start3A_238] : memref<8x32x128xf32, #tpu.memory_space<vmem>> -> memref<1x32x128xf32, #tpu.memory_space<vmem>>
    %dma_start3A_240 = tpu.memref_squeeze %dma_start3A_239 : memref<1x32x128xf32, #tpu.memory_space<vmem>> -> memref<32x128xf32, #tpu.memory_space<vmem>>
    %dma_start3A_241 = arith.constant 0 : i32
    %dma_start3A_242 = tpu.memref_slice %arg5[%dma_start3A_241, %multiple_of3A_222] : memref<32x1000000xf32, #tpu.memory_space<hbm>> -> memref<32x128xf32, #tpu.memory_space<hbm>>
    %dma_start3A_243 = arith.constant 0 : i32
    %dma_start3A_244 = arith.constant 0 : i32
    %dma_start3A_245 = tpu.memref_slice %arg12[%dma_start3A_236, %dma_start3A_243, %dma_start3A_244] : memref<8x32x128xf32, #tpu.memory_space<vmem>> -> memref<1x32x128xf32, #tpu.memory_space<vmem>>
    %dma_start3A_246 = tpu.memref_squeeze %dma_start3A_245 : memref<1x32x128xf32, #tpu.memory_space<vmem>> -> memref<32x128xf32, #tpu.memory_space<vmem>>
    %dma_start3A_247 = arith.constant 0 : i32
    %dma_start3A_248 = tpu.memref_slice %arg5[%dma_start3A_247, %multiple_of3A_222] : memref<32x1000000xf32, #tpu.memory_space<hbm>> -> memref<32x128xf32, #tpu.memory_space<hbm>>
    tpu.enqueue_dma source(%dma_start3A_248 : memref<32x128xf32, #tpu.memory_space<hbm>>) target(%dma_start3A_246 : memref<32x128xf32, #tpu.memory_space<vmem>>) target_semaphore(%arg29 : memref<!tpu.dma_semaphore, #tpu.memory_space<semaphore_mem>>)
    %slice3A_249 = vector.extract_strided_slice %get3A_12 {offsets = [6], sizes = [1], strides = [1]} : vector<16xi32> to vector<1xi32>
    %squeeze3A_250 = vector.extract %slice3A_249[0] : i32 from vector<1xi32>
    %slice3A_251 = vector.extract_strided_slice %get3A_14 {offsets = [6], sizes = [1], strides = [1]} : vector<16xi32> to vector<1xi32>
    %squeeze3A_252 = vector.extract %slice3A_251[0] : i32 from vector<1xi32>
    %shift_right_arithmetic3A_253 = arith.constant 7 : i32
    %shift_right_arithmetic3A_254 = arith.shrsi %squeeze3A_250, %shift_right_arithmetic3A_253 : i32
    %shift_left3A_255 = arith.constant 7 : i32
    %shift_left3A_256 = arith.shli %shift_right_arithmetic3A_254, %shift_left3A_255 : i32
    %multiple_of3A_257 = tpu.assume_multiple %shift_left3A_256, 128 : i32
    %shift_right_arithmetic3A_258 = arith.constant 7 : i32
    %shift_right_arithmetic3A_259 = arith.shrsi %squeeze3A_252, %shift_right_arithmetic3A_258 : i32
    %shift_left3A_260 = arith.constant 7 : i32
    %shift_left3A_261 = arith.shli %shift_right_arithmetic3A_259, %shift_left3A_260 : i32
    %multiple_of3A_262 = tpu.assume_multiple %shift_left3A_261, 128 : i32
    %dma_start3A_263 = arith.constant 6 : i32
    %dma_start3A_264 = arith.constant 0 : i32
    %dma_start3A_265 = arith.constant 0 : i32
    %dma_start3A_266 = tpu.memref_slice %arg11[%dma_start3A_263, %dma_start3A_264, %dma_start3A_265] : memref<8x32x128xf32, #tpu.memory_space<vmem>> -> memref<1x32x128xf32, #tpu.memory_space<vmem>>
    %dma_start3A_267 = tpu.memref_squeeze %dma_start3A_266 : memref<1x32x128xf32, #tpu.memory_space<vmem>> -> memref<32x128xf32, #tpu.memory_space<vmem>>
    %dma_start3A_268 = arith.constant 0 : i32
    %dma_start3A_269 = tpu.memref_slice %arg4[%dma_start3A_268, %multiple_of3A_257] : memref<32x1000000xf32, #tpu.memory_space<hbm>> -> memref<32x128xf32, #tpu.memory_space<hbm>>
    %dma_start3A_270 = arith.constant 0 : i32
    %dma_start3A_271 = arith.constant 0 : i32
    %dma_start3A_272 = tpu.memref_slice %arg11[%dma_start3A_263, %dma_start3A_270, %dma_start3A_271] : memref<8x32x128xf32, #tpu.memory_space<vmem>> -> memref<1x32x128xf32, #tpu.memory_space<vmem>>
    %dma_start3A_273 = tpu.memref_squeeze %dma_start3A_272 : memref<1x32x128xf32, #tpu.memory_space<vmem>> -> memref<32x128xf32, #tpu.memory_space<vmem>>
    %dma_start3A_274 = arith.constant 0 : i32
    %dma_start3A_275 = tpu.memref_slice %arg4[%dma_start3A_274, %multiple_of3A_257] : memref<32x1000000xf32, #tpu.memory_space<hbm>> -> memref<32x128xf32, #tpu.memory_space<hbm>>
    tpu.enqueue_dma source(%dma_start3A_275 : memref<32x128xf32, #tpu.memory_space<hbm>>) target(%dma_start3A_273 : memref<32x128xf32, #tpu.memory_space<vmem>>) target_semaphore(%arg22 : memref<!tpu.dma_semaphore, #tpu.memory_space<semaphore_mem>>)
    %dma_start3A_276 = arith.constant 6 : i32
    %dma_start3A_277 = arith.constant 0 : i32
    %dma_start3A_278 = arith.constant 0 : i32
    %dma_start3A_279 = tpu.memref_slice %arg12[%dma_start3A_276, %dma_start3A_277, %dma_start3A_278] : memref<8x32x128xf32, #tpu.memory_space<vmem>> -> memref<1x32x128xf32, #tpu.memory_space<vmem>>
    %dma_start3A_280 = tpu.memref_squeeze %dma_start3A_279 : memref<1x32x128xf32, #tpu.memory_space<vmem>> -> memref<32x128xf32, #tpu.memory_space<vmem>>
    %dma_start3A_281 = arith.constant 0 : i32
    %dma_start3A_282 = tpu.memref_slice %arg5[%dma_start3A_281, %multiple_of3A_262] : memref<32x1000000xf32, #tpu.memory_space<hbm>> -> memref<32x128xf32, #tpu.memory_space<hbm>>
    %dma_start3A_283 = arith.constant 0 : i32
    %dma_start3A_284 = arith.constant 0 : i32
    %dma_start3A_285 = tpu.memref_slice %arg12[%dma_start3A_276, %dma_start3A_283, %dma_start3A_284] : memref<8x32x128xf32, #tpu.memory_space<vmem>> -> memref<1x32x128xf32, #tpu.memory_space<vmem>>
    %dma_start3A_286 = tpu.memref_squeeze %dma_start3A_285 : memref<1x32x128xf32, #tpu.memory_space<vmem>> -> memref<32x128xf32, #tpu.memory_space<vmem>>
    %dma_start3A_287 = arith.constant 0 : i32
    %dma_start3A_288 = tpu.memref_slice %arg5[%dma_start3A_287, %multiple_of3A_262] : memref<32x1000000xf32, #tpu.memory_space<hbm>> -> memref<32x128xf32, #tpu.memory_space<hbm>>
    tpu.enqueue_dma source(%dma_start3A_288 : memref<32x128xf32, #tpu.memory_space<hbm>>) target(%dma_start3A_286 : memref<32x128xf32, #tpu.memory_space<vmem>>) target_semaphore(%arg30 : memref<!tpu.dma_semaphore, #tpu.memory_space<semaphore_mem>>)
    %slice3A_289 = vector.extract_strided_slice %get3A_12 {offsets = [7], sizes = [1], strides = [1]} : vector<16xi32> to vector<1xi32>
    %squeeze3A_290 = vector.extract %slice3A_289[0] : i32 from vector<1xi32>
    %slice3A_291 = vector.extract_strided_slice %get3A_14 {offsets = [7], sizes = [1], strides = [1]} : vector<16xi32> to vector<1xi32>
    %squeeze3A_292 = vector.extract %slice3A_291[0] : i32 from vector<1xi32>
    %shift_right_arithmetic3A_293 = arith.constant 7 : i32
    %shift_right_arithmetic3A_294 = arith.shrsi %squeeze3A_290, %shift_right_arithmetic3A_293 : i32
    %shift_left3A_295 = arith.constant 7 : i32
    %shift_left3A_296 = arith.shli %shift_right_arithmetic3A_294, %shift_left3A_295 : i32
    %multiple_of3A_297 = tpu.assume_multiple %shift_left3A_296, 128 : i32
    %shift_right_arithmetic3A_298 = arith.constant 7 : i32
    %shift_right_arithmetic3A_299 = arith.shrsi %squeeze3A_292, %shift_right_arithmetic3A_298 : i32
    %shift_left3A_300 = arith.constant 7 : i32
    %shift_left3A_301 = arith.shli %shift_right_arithmetic3A_299, %shift_left3A_300 : i32
    %multiple_of3A_302 = tpu.assume_multiple %shift_left3A_301, 128 : i32
    %dma_start3A_303 = arith.constant 7 : i32
    %dma_start3A_304 = arith.constant 0 : i32
    %dma_start3A_305 = arith.constant 0 : i32
    %dma_start3A_306 = tpu.memref_slice %arg11[%dma_start3A_303, %dma_start3A_304, %dma_start3A_305] : memref<8x32x128xf32, #tpu.memory_space<vmem>> -> memref<1x32x128xf32, #tpu.memory_space<vmem>>
    %dma_start3A_307 = tpu.memref_squeeze %dma_start3A_306 : memref<1x32x128xf32, #tpu.memory_space<vmem>> -> memref<32x128xf32, #tpu.memory_space<vmem>>
    %dma_start3A_308 = arith.constant 0 : i32
    %dma_start3A_309 = tpu.memref_slice %arg4[%dma_start3A_308, %multiple_of3A_297] : memref<32x1000000xf32, #tpu.memory_space<hbm>> -> memref<32x128xf32, #tpu.memory_space<hbm>>
    %dma_start3A_310 = arith.constant 0 : i32
    %dma_start3A_311 = arith.constant 0 : i32
    %dma_start3A_312 = tpu.memref_slice %arg11[%dma_start3A_303, %dma_start3A_310, %dma_start3A_311] : memref<8x32x128xf32, #tpu.memory_space<vmem>> -> memref<1x32x128xf32, #tpu.memory_space<vmem>>
    %dma_start3A_313 = tpu.memref_squeeze %dma_start3A_312 : memref<1x32x128xf32, #tpu.memory_space<vmem>> -> memref<32x128xf32, #tpu.memory_space<vmem>>
    %dma_start3A_314 = arith.constant 0 : i32
    %dma_start3A_315 = tpu.memref_slice %arg4[%dma_start3A_314, %multiple_of3A_297] : memref<32x1000000xf32, #tpu.memory_space<hbm>> -> memref<32x128xf32, #tpu.memory_space<hbm>>
    tpu.enqueue_dma source(%dma_start3A_315 : memref<32x128xf32, #tpu.memory_space<hbm>>) target(%dma_start3A_313 : memref<32x128xf32, #tpu.memory_space<vmem>>) target_semaphore(%arg23 : memref<!tpu.dma_semaphore, #tpu.memory_space<semaphore_mem>>)
    %dma_start3A_316 = arith.constant 7 : i32
    %dma_start3A_317 = arith.constant 0 : i32
    %dma_start3A_318 = arith.constant 0 : i32
    %dma_start3A_319 = tpu.memref_slice %arg12[%dma_start3A_316, %dma_start3A_317, %dma_start3A_318] : memref<8x32x128xf32, #tpu.memory_space<vmem>> -> memref<1x32x128xf32, #tpu.memory_space<vmem>>
    %dma_start3A_320 = tpu.memref_squeeze %dma_start3A_319 : memref<1x32x128xf32, #tpu.memory_space<vmem>> -> memref<32x128xf32, #tpu.memory_space<vmem>>
    %dma_start3A_321 = arith.constant 0 : i32
    %dma_start3A_322 = tpu.memref_slice %arg5[%dma_start3A_321, %multiple_of3A_302] : memref<32x1000000xf32, #tpu.memory_space<hbm>> -> memref<32x128xf32, #tpu.memory_space<hbm>>
    %dma_start3A_323 = arith.constant 0 : i32
    %dma_start3A_324 = arith.constant 0 : i32
    %dma_start3A_325 = tpu.memref_slice %arg12[%dma_start3A_316, %dma_start3A_323, %dma_start3A_324] : memref<8x32x128xf32, #tpu.memory_space<vmem>> -> memref<1x32x128xf32, #tpu.memory_space<vmem>>
    %dma_start3A_326 = tpu.memref_squeeze %dma_start3A_325 : memref<1x32x128xf32, #tpu.memory_space<vmem>> -> memref<32x128xf32, #tpu.memory_space<vmem>>
    %dma_start3A_327 = arith.constant 0 : i32
    %dma_start3A_328 = tpu.memref_slice %arg5[%dma_start3A_327, %multiple_of3A_302] : memref<32x1000000xf32, #tpu.memory_space<hbm>> -> memref<32x128xf32, #tpu.memory_space<hbm>>
    tpu.enqueue_dma source(%dma_start3A_328 : memref<32x128xf32, #tpu.memory_space<hbm>>) target(%dma_start3A_326 : memref<32x128xf32, #tpu.memory_space<vmem>>) target_semaphore(%arg31 : memref<!tpu.dma_semaphore, #tpu.memory_space<semaphore_mem>>)
    %scan3A = arith.constant 0 : i32
    %scan3A_329 = arith.constant 0 : i32
    %scan3A_330 = arith.constant 32 : i32
    %scan3A_331 = arith.addi %scan3A_329, %scan3A_330 : i32
    %scan3A_332 = arith.constant 1 : i32
    scf.for %scan3A_334 = %scan3A_329 to %scan3A_331 step %scan3A_332  : i32 {
      %mul3A_335 = arith.constant 16 : i32
      %mul3A_336 = arith.muli %scan3A_334, %mul3A_335 : i32
      %get3A_337 = arith.index_cast %mul3A_336 : i32 to index
      %get3A_338 = tpu.vector_load %arg9[%get3A_337] {strides = array<i32>} : memref<512xi32, #tpu.memory_space<vmem>>, vector<16xi32>,
      %mul3A_339 = arith.constant 16 : i32
      %mul3A_340 = arith.muli %scan3A_334, %mul3A_339 : i32
      %get3A_341 = arith.index_cast %mul3A_340 : i32 to index
      %get3A_342 = tpu.vector_load %arg10[%get3A_341] {strides = array<i32>} : memref<512xi32, #tpu.memory_space<vmem>>, vector<16xi32>,
      %add3A_343 = arith.constant 1 : i32
      %add3A_344 = arith.addi %scan3A_334, %add3A_343 : i32
      %min3A = arith.constant 31 : i32
      %min3A_345 = arith.minsi %add3A_344, %min3A : i32
      %mul3A_346 = arith.constant 16 : i32
      %mul3A_347 = arith.muli %min3A_345, %mul3A_346 : i32
      %get3A_348 = arith.index_cast %mul3A_347 : i32 to index
      %get3A_349 = tpu.vector_load %arg9[%get3A_348] {strides = array<i32>} : memref<512xi32, #tpu.memory_space<vmem>>, vector<16xi32>,
      %get3A_350 = arith.index_cast %mul3A_347 : i32 to index
      %get3A_351 = tpu.vector_load %arg10[%get3A_350] {strides = array<i32>} : memref<512xi32, #tpu.memory_space<vmem>>, vector<16xi32>,
      %dma_wait3A = arith.constant 0 : i32
      %dma_wait3A_352 = arith.constant 0 : i32
      %dma_wait3A_353 = arith.constant 0 : i32
      %dma_wait3A_354 = tpu.memref_slice %arg11[%dma_wait3A, %dma_wait3A_352, %dma_wait3A_353] : memref<8x32x128xf32, #tpu.memory_space<vmem>> -> memref<1x32x128xf32, #tpu.memory_space<vmem>>
      %dma_wait3A_355 = tpu.memref_squeeze %dma_wait3A_354 : memref<1x32x128xf32, #tpu.memory_space<vmem>> -> memref<32x128xf32, #tpu.memory_space<vmem>>
      %dma_wait3A_356 = arith.constant 0 : i32
      %dma_wait3A_357 = arith.constant 0 : i32
      %dma_wait3A_358 = tpu.memref_slice %arg4[%dma_wait3A_356, %dma_wait3A_357] : memref<32x1000000xf32, #tpu.memory_space<hbm>> -> memref<32x128xf32, #tpu.memory_space<hbm>>
      %dma_wait3A_359 = arith.constant 0 : i32
      %dma_wait3A_360 = arith.constant 0 : i32
      %dma_wait3A_361 = tpu.memref_slice %arg11[%dma_wait3A, %dma_wait3A_359, %dma_wait3A_360] : memref<8x32x128xf32, #tpu.memory_space<vmem>> -> memref<1x32x128xf32, #tpu.memory_space<vmem>>
      %dma_wait3A_362 = tpu.memref_squeeze %dma_wait3A_361 : memref<1x32x128xf32, #tpu.memory_space<vmem>> -> memref<32x128xf32, #tpu.memory_space<vmem>>
      %dma_wait3A_363 = arith.constant 0 : i32
      %dma_wait3A_364 = arith.constant 0 : i32
      %dma_wait3A_365 = tpu.memref_slice %arg4[%dma_wait3A_363, %dma_wait3A_364] : memref<32x1000000xf32, #tpu.memory_space<hbm>> -> memref<32x128xf32, #tpu.memory_space<hbm>>
      tpu.wait_dma2 semaphore(%arg16 : memref<!tpu.dma_semaphore, #tpu.memory_space<semaphore_mem>>) src(%dma_wait3A_365 : memref<32x128xf32, #tpu.memory_space<hbm>>) dst(%dma_wait3A_362 : memref<32x128xf32, #tpu.memory_space<vmem>>)
      %dma_wait3A_366 = arith.constant 0 : i32
      %dma_wait3A_367 = arith.constant 0 : i32
      %dma_wait3A_368 = arith.constant 0 : i32
      %dma_wait3A_369 = tpu.memref_slice %arg12[%dma_wait3A_366, %dma_wait3A_367, %dma_wait3A_368] : memref<8x32x128xf32, #tpu.memory_space<vmem>> -> memref<1x32x128xf32, #tpu.memory_space<vmem>>
      %dma_wait3A_370 = tpu.memref_squeeze %dma_wait3A_369 : memref<1x32x128xf32, #tpu.memory_space<vmem>> -> memref<32x128xf32, #tpu.memory_space<vmem>>
      %dma_wait3A_371 = arith.constant 0 : i32
      %dma_wait3A_372 = arith.constant 0 : i32
      %dma_wait3A_373 = tpu.memref_slice %arg5[%dma_wait3A_371, %dma_wait3A_372] : memref<32x1000000xf32, #tpu.memory_space<hbm>> -> memref<32x128xf32, #tpu.memory_space<hbm>>
      %dma_wait3A_374 = arith.constant 0 : i32
      %dma_wait3A_375 = arith.constant 0 : i32
      %dma_wait3A_376 = tpu.memref_slice %arg12[%dma_wait3A_366, %dma_wait3A_374, %dma_wait3A_375] : memref<8x32x128xf32, #tpu.memory_space<vmem>> -> memref<1x32x128xf32, #tpu.memory_space<vmem>>
      %dma_wait3A_377 = tpu.memref_squeeze %dma_wait3A_376 : memref<1x32x128xf32, #tpu.memory_space<vmem>> -> memref<32x128xf32, #tpu.memory_space<vmem>>
      %dma_wait3A_378 = arith.constant 0 : i32
      %dma_wait3A_379 = arith.constant 0 : i32
      %dma_wait3A_380 = tpu.memref_slice %arg5[%dma_wait3A_378, %dma_wait3A_379] : memref<32x1000000xf32, #tpu.memory_space<hbm>> -> memref<32x128xf32, #tpu.memory_space<hbm>>
      tpu.wait_dma2 semaphore(%arg24 : memref<!tpu.dma_semaphore, #tpu.memory_space<semaphore_mem>>) src(%dma_wait3A_380 : memref<32x128xf32, #tpu.memory_space<hbm>>) dst(%dma_wait3A_377 : memref<32x128xf32, #tpu.memory_space<vmem>>)
      %slice3A_381 = vector.extract_strided_slice %get3A_338 {offsets = [0], sizes = [1], strides = [1]} : vector<16xi32> to vector<1xi32>
      %squeeze3A_382 = vector.extract %slice3A_381[0] : i32 from vector<1xi32>
      %and3A = arith.constant 127 : i32
      %and3A_383 = arith.andi %squeeze3A_382, %and3A : i32
      %broadcast_in_dim3A = vector.broadcast %and3A_383 : i32 to vector<16xi32>
      %slice3A_384 = vector.extract_strided_slice %get3A_342 {offsets = [0], sizes = [1], strides = [1]} : vector<16xi32> to vector<1xi32>
      %squeeze3A_385 = vector.extract %slice3A_384[0] : i32 from vector<1xi32>
      %and3A_386 = arith.constant 127 : i32
      %and3A_387 = arith.andi %squeeze3A_385, %and3A_386 : i32
      %broadcast_in_dim3A_388 = vector.broadcast %and3A_387 : i32 to vector<16xi32>
      %gather3A = arith.constant 0 : i32
      %gather3A_389 = arith.constant 0 : i32
      %gather3A_390 = arith.constant 0 : i32
      %gather3A_391 = tpu.memref_slice %arg11[%gather3A, %gather3A_389, %gather3A_390] : memref<8x32x128xf32, #tpu.memory_space<vmem>> -> memref<1x32x128xf32, #tpu.memory_space<vmem>>
      %gather3A_392 = tpu.memref_squeeze %gather3A_391 : memref<1x32x128xf32, #tpu.memory_space<vmem>> -> memref<32x128xf32, #tpu.memory_space<vmem>>
      %gather3A_393 = tpu.vector_load_idx %gather3A_392[%iota3A, %broadcast_in_dim3A] : memref<32x128xf32, #tpu.memory_space<vmem>>[vector<16xi32>, vector<16xi32>], vector<16xf32>,
      %gather3A_394 = arith.constant 0 : i32
      %gather3A_395 = arith.constant 0 : i32
      %gather3A_396 = arith.constant 0 : i32
      %gather3A_397 = tpu.memref_slice %arg11[%gather3A_394, %gather3A_395, %gather3A_396] : memref<8x32x128xf32, #tpu.memory_space<vmem>> -> memref<1x32x128xf32, #tpu.memory_space<vmem>>
      %gather3A_398 = tpu.memref_squeeze %gather3A_397 : memref<1x32x128xf32, #tpu.memory_space<vmem>> -> memref<32x128xf32, #tpu.memory_space<vmem>>
      %gather3A_399 = tpu.vector_load_idx %gather3A_398[%add3A_10, %broadcast_in_dim3A] : memref<32x128xf32, #tpu.memory_space<vmem>>[vector<16xi32>, vector<16xi32>], vector<16xf32>,
      %gather3A_400 = arith.constant 0 : i32
      %gather3A_401 = arith.constant 0 : i32
      %gather3A_402 = arith.constant 0 : i32
      %gather3A_403 = tpu.memref_slice %arg12[%gather3A_400, %gather3A_401, %gather3A_402] : memref<8x32x128xf32, #tpu.memory_space<vmem>> -> memref<1x32x128xf32, #tpu.memory_space<vmem>>
      %gather3A_404 = tpu.memref_squeeze %gather3A_403 : memref<1x32x128xf32, #tpu.memory_space<vmem>> -> memref<32x128xf32, #tpu.memory_space<vmem>>
      %gather3A_405 = tpu.vector_load_idx %gather3A_404[%iota3A, %broadcast_in_dim3A_388] : memref<32x128xf32, #tpu.memory_space<vmem>>[vector<16xi32>, vector<16xi32>], vector<16xf32>,
      %gather3A_406 = arith.constant 0 : i32
      %gather3A_407 = arith.constant 0 : i32
      %gather3A_408 = arith.constant 0 : i32
      %gather3A_409 = tpu.memref_slice %arg12[%gather3A_406, %gather3A_407, %gather3A_408] : memref<8x32x128xf32, #tpu.memory_space<vmem>> -> memref<1x32x128xf32, #tpu.memory_space<vmem>>
      %gather3A_410 = tpu.memref_squeeze %gather3A_409 : memref<1x32x128xf32, #tpu.memory_space<vmem>> -> memref<32x128xf32, #tpu.memory_space<vmem>>
      %gather3A_411 = tpu.vector_load_idx %gather3A_410[%add3A_10, %broadcast_in_dim3A_388] : memref<32x128xf32, #tpu.memory_space<vmem>>[vector<16xi32>, vector<16xi32>], vector<16xf32>,
      %mul3A_412 = arith.mulf %gather3A_405, %get3A_5 : vector<16xf32>
      %mul3A_413 = arith.mulf %gather3A_393, %mul3A_412 : vector<16xf32>
      %mul3A_414 = arith.mulf %gather3A_411, %get3A_7 : vector<16xf32>
      %mul3A_415 = arith.mulf %gather3A_399, %mul3A_414 : vector<16xf32>
      %add3A_416 = arith.addf %mul3A_413, %mul3A_415 : vector<16xf32>
      %eq3A = arith.constant 0 : i32
      %eq3A_417 = vector.broadcast %eq3A : i32 to vector<16xi32>
      %eq3A_418 = arith.cmpi eq, %iota3A, %eq3A_417 : vector<16xi32>
      %reduce_sum3A = arith.constant true
      %reduce_sum3A_419 = vector.broadcast %reduce_sum3A : i1 to vector<16xi1>
      %reduce_sum3A_420 = tpu.scan <sum>, %add3A_416 masked %reduce_sum3A_419 : vector<16xf32>, vector<16xi1> -> vector<16xf32>
      %reduce_sum3A_421 = vector.extract %reduce_sum3A_420[15] : f32 from vector<16xf32>
      %add3A_422 = vector.broadcast %reduce_sum3A_421 : f32 to vector<16xf32>
      %add3A_423 = arith.addf %get3A_3, %add3A_422 : vector<16xf32>
      %select_n3A = arith.select %eq3A_418, %add3A_423, %get3A_3 : vector<16xi1>, vector<16xf32>
      %slice3A_424 = vector.extract_strided_slice %get3A_338 {offsets = [8], sizes = [1], strides = [1]} : vector<16xi32> to vector<1xi32>
      %squeeze3A_425 = vector.extract %slice3A_424[0] : i32 from vector<1xi32>
      %slice3A_426 = vector.extract_strided_slice %get3A_342 {offsets = [8], sizes = [1], strides = [1]} : vector<16xi32> to vector<1xi32>
      %squeeze3A_427 = vector.extract %slice3A_426[0] : i32 from vector<1xi32>
      %shift_right_arithmetic3A_428 = arith.constant 7 : i32
      %shift_right_arithmetic3A_429 = arith.shrsi %squeeze3A_425, %shift_right_arithmetic3A_428 : i32
      %shift_left3A_430 = arith.constant 7 : i32
      %shift_left3A_431 = arith.shli %shift_right_arithmetic3A_429, %shift_left3A_430 : i32
      %multiple_of3A_432 = tpu.assume_multiple %shift_left3A_431, 128 : i32
      %shift_right_arithmetic3A_433 = arith.constant 7 : i32
      %shift_right_arithmetic3A_434 = arith.shrsi %squeeze3A_427, %shift_right_arithmetic3A_433 : i32
      %shift_left3A_435 = arith.constant 7 : i32
      %shift_left3A_436 = arith.shli %shift_right_arithmetic3A_434, %shift_left3A_435 : i32
      %multiple_of3A_437 = tpu.assume_multiple %shift_left3A_436, 128 : i32
      %dma_start3A_438 = arith.constant 0 : i32
      %dma_start3A_439 = arith.constant 0 : i32
      %dma_start3A_440 = arith.constant 0 : i32
      %dma_start3A_441 = tpu.memref_slice %arg11[%dma_start3A_438, %dma_start3A_439, %dma_start3A_440] : memref<8x32x128xf32, #tpu.memory_space<vmem>> -> memref<1x32x128xf32, #tpu.memory_space<vmem>>
      %dma_start3A_442 = tpu.memref_squeeze %dma_start3A_441 : memref<1x32x128xf32, #tpu.memory_space<vmem>> -> memref<32x128xf32, #tpu.memory_space<vmem>>
      %dma_start3A_443 = arith.constant 0 : i32
      %dma_start3A_444 = tpu.memref_slice %arg4[%dma_start3A_443, %multiple_of3A_432] : memref<32x1000000xf32, #tpu.memory_space<hbm>> -> memref<32x128xf32, #tpu.memory_space<hbm>>
      %dma_start3A_445 = arith.constant 0 : i32
      %dma_start3A_446 = arith.constant 0 : i32
      %dma_start3A_447 = tpu.memref_slice %arg11[%dma_start3A_438, %dma_start3A_445, %dma_start3A_446] : memref<8x32x128xf32, #tpu.memory_space<vmem>> -> memref<1x32x128xf32, #tpu.memory_space<vmem>>
      %dma_start3A_448 = tpu.memref_squeeze %dma_start3A_447 : memref<1x32x128xf32, #tpu.memory_space<vmem>> -> memref<32x128xf32, #tpu.memory_space<vmem>>
      %dma_start3A_449 = arith.constant 0 : i32
      %dma_start3A_450 = tpu.memref_slice %arg4[%dma_start3A_449, %multiple_of3A_432] : memref<32x1000000xf32, #tpu.memory_space<hbm>> -> memref<32x128xf32, #tpu.memory_space<hbm>>
      tpu.enqueue_dma source(%dma_start3A_450 : memref<32x128xf32, #tpu.memory_space<hbm>>) target(%dma_start3A_448 : memref<32x128xf32, #tpu.memory_space<vmem>>) target_semaphore(%arg16 : memref<!tpu.dma_semaphore, #tpu.memory_space<semaphore_mem>>)
      %dma_start3A_451 = arith.constant 0 : i32
      %dma_start3A_452 = arith.constant 0 : i32
      %dma_start3A_453 = arith.constant 0 : i32
      %dma_start3A_454 = tpu.memref_slice %arg12[%dma_start3A_451, %dma_start3A_452, %dma_start3A_453] : memref<8x32x128xf32, #tpu.memory_space<vmem>> -> memref<1x32x128xf32, #tpu.memory_space<vmem>>
      %dma_start3A_455 = tpu.memref_squeeze %dma_start3A_454 : memref<1x32x128xf32, #tpu.memory_space<vmem>> -> memref<32x128xf32, #tpu.memory_space<vmem>>
      %dma_start3A_456 = arith.constant 0 : i32
      %dma_start3A_457 = tpu.memref_slice %arg5[%dma_start3A_456, %multiple_of3A_437] : memref<32x1000000xf32, #tpu.memory_space<hbm>> -> memref<32x128xf32, #tpu.memory_space<hbm>>
      %dma_start3A_458 = arith.constant 0 : i32
      %dma_start3A_459 = arith.constant 0 : i32
      %dma_start3A_460 = tpu.memref_slice %arg12[%dma_start3A_451, %dma_start3A_458, %dma_start3A_459] : memref<8x32x128xf32, #tpu.memory_space<vmem>> -> memref<1x32x128xf32, #tpu.memory_space<vmem>>
      %dma_start3A_461 = tpu.memref_squeeze %dma_start3A_460 : memref<1x32x128xf32, #tpu.memory_space<vmem>> -> memref<32x128xf32, #tpu.memory_space<vmem>>
      %dma_start3A_462 = arith.constant 0 : i32
      %dma_start3A_463 = tpu.memref_slice %arg5[%dma_start3A_462, %multiple_of3A_437] : memref<32x1000000xf32, #tpu.memory_space<hbm>> -> memref<32x128xf32, #tpu.memory_space<hbm>>
      tpu.enqueue_dma source(%dma_start3A_463 : memref<32x128xf32, #tpu.memory_space<hbm>>) target(%dma_start3A_461 : memref<32x128xf32, #tpu.memory_space<vmem>>) target_semaphore(%arg24 : memref<!tpu.dma_semaphore, #tpu.memory_space<semaphore_mem>>)
      %dma_wait3A_464 = arith.constant 1 : i32
      %dma_wait3A_465 = arith.constant 0 : i32
      %dma_wait3A_466 = arith.constant 0 : i32
      %dma_wait3A_467 = tpu.memref_slice %arg11[%dma_wait3A_464, %dma_wait3A_465, %dma_wait3A_466] : memref<8x32x128xf32, #tpu.memory_space<vmem>> -> memref<1x32x128xf32, #tpu.memory_space<vmem>>
      %dma_wait3A_468 = tpu.memref_squeeze %dma_wait3A_467 : memref<1x32x128xf32, #tpu.memory_space<vmem>> -> memref<32x128xf32, #tpu.memory_space<vmem>>
      %dma_wait3A_469 = arith.constant 0 : i32
      %dma_wait3A_470 = arith.constant 0 : i32
      %dma_wait3A_471 = tpu.memref_slice %arg4[%dma_wait3A_469, %dma_wait3A_470] : memref<32x1000000xf32, #tpu.memory_space<hbm>> -> memref<32x128xf32, #tpu.memory_space<hbm>>
      %dma_wait3A_472 = arith.constant 0 : i32
      %dma_wait3A_473 = arith.constant 0 : i32
      %dma_wait3A_474 = tpu.memref_slice %arg11[%dma_wait3A_464, %dma_wait3A_472, %dma_wait3A_473] : memref<8x32x128xf32, #tpu.memory_space<vmem>> -> memref<1x32x128xf32, #tpu.memory_space<vmem>>
      %dma_wait3A_475 = tpu.memref_squeeze %dma_wait3A_474 : memref<1x32x128xf32, #tpu.memory_space<vmem>> -> memref<32x128xf32, #tpu.memory_space<vmem>>
      %dma_wait3A_476 = arith.constant 0 : i32
      %dma_wait3A_477 = arith.constant 0 : i32
      %dma_wait3A_478 = tpu.memref_slice %arg4[%dma_wait3A_476, %dma_wait3A_477] : memref<32x1000000xf32, #tpu.memory_space<hbm>> -> memref<32x128xf32, #tpu.memory_space<hbm>>
      tpu.wait_dma2 semaphore(%arg17 : memref<!tpu.dma_semaphore, #tpu.memory_space<semaphore_mem>>) src(%dma_wait3A_478 : memref<32x128xf32, #tpu.memory_space<hbm>>) dst(%dma_wait3A_475 : memref<32x128xf32, #tpu.memory_space<vmem>>)
      %dma_wait3A_479 = arith.constant 1 : i32
      %dma_wait3A_480 = arith.constant 0 : i32
      %dma_wait3A_481 = arith.constant 0 : i32
      %dma_wait3A_482 = tpu.memref_slice %arg12[%dma_wait3A_479, %dma_wait3A_480, %dma_wait3A_481] : memref<8x32x128xf32, #tpu.memory_space<vmem>> -> memref<1x32x128xf32, #tpu.memory_space<vmem>>
      %dma_wait3A_483 = tpu.memref_squeeze %dma_wait3A_482 : memref<1x32x128xf32, #tpu.memory_space<vmem>> -> memref<32x128xf32, #tpu.memory_space<vmem>>
      %dma_wait3A_484 = arith.constant 0 : i32
      %dma_wait3A_485 = arith.constant 0 : i32
      %dma_wait3A_486 = tpu.memref_slice %arg5[%dma_wait3A_484, %dma_wait3A_485] : memref<32x1000000xf32, #tpu.memory_space<hbm>> -> memref<32x128xf32, #tpu.memory_space<hbm>>
      %dma_wait3A_487 = arith.constant 0 : i32
      %dma_wait3A_488 = arith.constant 0 : i32
      %dma_wait3A_489 = tpu.memref_slice %arg12[%dma_wait3A_479, %dma_wait3A_487, %dma_wait3A_488] : memref<8x32x128xf32, #tpu.memory_space<vmem>> -> memref<1x32x128xf32, #tpu.memory_space<vmem>>
      %dma_wait3A_490 = tpu.memref_squeeze %dma_wait3A_489 : memref<1x32x128xf32, #tpu.memory_space<vmem>> -> memref<32x128xf32, #tpu.memory_space<vmem>>
      %dma_wait3A_491 = arith.constant 0 : i32
      %dma_wait3A_492 = arith.constant 0 : i32
      %dma_wait3A_493 = tpu.memref_slice %arg5[%dma_wait3A_491, %dma_wait3A_492] : memref<32x1000000xf32, #tpu.memory_space<hbm>> -> memref<32x128xf32, #tpu.memory_space<hbm>>
      tpu.wait_dma2 semaphore(%arg25 : memref<!tpu.dma_semaphore, #tpu.memory_space<semaphore_mem>>) src(%dma_wait3A_493 : memref<32x128xf32, #tpu.memory_space<hbm>>) dst(%dma_wait3A_490 : memref<32x128xf32, #tpu.memory_space<vmem>>)
      %slice3A_494 = vector.extract_strided_slice %get3A_338 {offsets = [1], sizes = [1], strides = [1]} : vector<16xi32> to vector<1xi32>
      %squeeze3A_495 = vector.extract %slice3A_494[0] : i32 from vector<1xi32>
      %and3A_496 = arith.constant 127 : i32
      %and3A_497 = arith.andi %squeeze3A_495, %and3A_496 : i32
      %broadcast_in_dim3A_498 = vector.broadcast %and3A_497 : i32 to vector<16xi32>
      %slice3A_499 = vector.extract_strided_slice %get3A_342 {offsets = [1], sizes = [1], strides = [1]} : vector<16xi32> to vector<1xi32>
      %squeeze3A_500 = vector.extract %slice3A_499[0] : i32 from vector<1xi32>
      %and3A_501 = arith.constant 127 : i32
      %and3A_502 = arith.andi %squeeze3A_500, %and3A_501 : i32
      %broadcast_in_dim3A_503 = vector.broadcast %and3A_502 : i32 to vector<16xi32>
      %gather3A_504 = arith.constant 1 : i32
      %gather3A_505 = arith.constant 0 : i32
      %gather3A_506 = arith.constant 0 : i32
      %gather3A_507 = tpu.memref_slice %arg11[%gather3A_504, %gather3A_505, %gather3A_506] : memref<8x32x128xf32, #tpu.memory_space<vmem>> -> memref<1x32x128xf32, #tpu.memory_space<vmem>>
      %gather3A_508 = tpu.memref_squeeze %gather3A_507 : memref<1x32x128xf32, #tpu.memory_space<vmem>> -> memref<32x128xf32, #tpu.memory_space<vmem>>
      %gather3A_509 = tpu.vector_load_idx %gather3A_508[%iota3A, %broadcast_in_dim3A_498] : memref<32x128xf32, #tpu.memory_space<vmem>>[vector<16xi32>, vector<16xi32>], vector<16xf32>,
      %gather3A_510 = arith.constant 1 : i32
      %gather3A_511 = arith.constant 0 : i32
      %gather3A_512 = arith.constant 0 : i32
      %gather3A_513 = tpu.memref_slice %arg11[%gather3A_510, %gather3A_511, %gather3A_512] : memref<8x32x128xf32, #tpu.memory_space<vmem>> -> memref<1x32x128xf32, #tpu.memory_space<vmem>>
      %gather3A_514 = tpu.memref_squeeze %gather3A_513 : memref<1x32x128xf32, #tpu.memory_space<vmem>> -> memref<32x128xf32, #tpu.memory_space<vmem>>
      %gather3A_515 = tpu.vector_load_idx %gather3A_514[%add3A_10, %broadcast_in_dim3A_498] : memref<32x128xf32, #tpu.memory_space<vmem>>[vector<16xi32>, vector<16xi32>], vector<16xf32>,
      %gather3A_516 = arith.constant 1 : i32
      %gather3A_517 = arith.constant 0 : i32
      %gather3A_518 = arith.constant 0 : i32
      %gather3A_519 = tpu.memref_slice %arg12[%gather3A_516, %gather3A_517, %gather3A_518] : memref<8x32x128xf32, #tpu.memory_space<vmem>> -> memref<1x32x128xf32, #tpu.memory_space<vmem>>
      %gather3A_520 = tpu.memref_squeeze %gather3A_519 : memref<1x32x128xf32, #tpu.memory_space<vmem>> -> memref<32x128xf32, #tpu.memory_space<vmem>>
      %gather3A_521 = tpu.vector_load_idx %gather3A_520[%iota3A, %broadcast_in_dim3A_503] : memref<32x128xf32, #tpu.memory_space<vmem>>[vector<16xi32>, vector<16xi32>], vector<16xf32>,
      %gather3A_522 = arith.constant 1 : i32
      %gather3A_523 = arith.constant 0 : i32
      %gather3A_524 = arith.constant 0 : i32
      %gather3A_525 = tpu.memref_slice %arg12[%gather3A_522, %gather3A_523, %gather3A_524] : memref<8x32x128xf32, #tpu.memory_space<vmem>> -> memref<1x32x128xf32, #tpu.memory_space<vmem>>
      %gather3A_526 = tpu.memref_squeeze %gather3A_525 : memref<1x32x128xf32, #tpu.memory_space<vmem>> -> memref<32x128xf32, #tpu.memory_space<vmem>>
      %gather3A_527 = tpu.vector_load_idx %gather3A_526[%add3A_10, %broadcast_in_dim3A_503] : memref<32x128xf32, #tpu.memory_space<vmem>>[vector<16xi32>, vector<16xi32>], vector<16xf32>,
      %mul3A_528 = arith.mulf %gather3A_521, %get3A_5 : vector<16xf32>
      %mul3A_529 = arith.mulf %gather3A_509, %mul3A_528 : vector<16xf32>
      %mul3A_530 = arith.mulf %gather3A_527, %get3A_7 : vector<16xf32>
      %mul3A_531 = arith.mulf %gather3A_515, %mul3A_530 : vector<16xf32>
      %add3A_532 = arith.addf %mul3A_529, %mul3A_531 : vector<16xf32>
      %eq3A_533 = arith.constant 1 : i32
      %eq3A_534 = vector.broadcast %eq3A_533 : i32 to vector<16xi32>
      %eq3A_535 = arith.cmpi eq, %iota3A, %eq3A_534 : vector<16xi32>
      %reduce_sum3A_536 = arith.constant true
      %reduce_sum3A_537 = vector.broadcast %reduce_sum3A_536 : i1 to vector<16xi1>
      %reduce_sum3A_538 = tpu.scan <sum>, %add3A_532 masked %reduce_sum3A_537 : vector<16xf32>, vector<16xi1> -> vector<16xf32>
      %reduce_sum3A_539 = vector.extract %reduce_sum3A_538[15] : f32 from vector<16xf32>
      %add3A_540 = vector.broadcast %reduce_sum3A_539 : f32 to vector<16xf32>
      %add3A_541 = arith.addf %get3A_3, %add3A_540 : vector<16xf32>
      %select_n3A_542 = arith.select %eq3A_535, %add3A_541, %select_n3A : vector<16xi1>, vector<16xf32>
      %slice3A_543 = vector.extract_strided_slice %get3A_338 {offsets = [9], sizes = [1], strides = [1]} : vector<16xi32> to vector<1xi32>
      %squeeze3A_544 = vector.extract %slice3A_543[0] : i32 from vector<1xi32>
      %slice3A_545 = vector.extract_strided_slice %get3A_342 {offsets = [9], sizes = [1], strides = [1]} : vector<16xi32> to vector<1xi32>
      %squeeze3A_546 = vector.extract %slice3A_545[0] : i32 from vector<1xi32>
      %shift_right_arithmetic3A_547 = arith.constant 7 : i32
      %shift_right_arithmetic3A_548 = arith.shrsi %squeeze3A_544, %shift_right_arithmetic3A_547 : i32
      %shift_left3A_549 = arith.constant 7 : i32
      %shift_left3A_550 = arith.shli %shift_right_arithmetic3A_548, %shift_left3A_549 : i32
      %multiple_of3A_551 = tpu.assume_multiple %shift_left3A_550, 128 : i32
      %shift_right_arithmetic3A_552 = arith.constant 7 : i32
      %shift_right_arithmetic3A_553 = arith.shrsi %squeeze3A_546, %shift_right_arithmetic3A_552 : i32
      %shift_left3A_554 = arith.constant 7 : i32
      %shift_left3A_555 = arith.shli %shift_right_arithmetic3A_553, %shift_left3A_554 : i32
      %multiple_of3A_556 = tpu.assume_multiple %shift_left3A_555, 128 : i32
      %dma_start3A_557 = arith.constant 1 : i32
      %dma_start3A_558 = arith.constant 0 : i32
      %dma_start3A_559 = arith.constant 0 : i32
      %dma_start3A_560 = tpu.memref_slice %arg11[%dma_start3A_557, %dma_start3A_558, %dma_start3A_559] : memref<8x32x128xf32, #tpu.memory_space<vmem>> -> memref<1x32x128xf32, #tpu.memory_space<vmem>>
      %dma_start3A_561 = tpu.memref_squeeze %dma_start3A_560 : memref<1x32x128xf32, #tpu.memory_space<vmem>> -> memref<32x128xf32, #tpu.memory_space<vmem>>
      %dma_start3A_562 = arith.constant 0 : i32
      %dma_start3A_563 = tpu.memref_slice %arg4[%dma_start3A_562, %multiple_of3A_551] : memref<32x1000000xf32, #tpu.memory_space<hbm>> -> memref<32x128xf32, #tpu.memory_space<hbm>>
      %dma_start3A_564 = arith.constant 0 : i32
      %dma_start3A_565 = arith.constant 0 : i32
      %dma_start3A_566 = tpu.memref_slice %arg11[%dma_start3A_557, %dma_start3A_564, %dma_start3A_565] : memref<8x32x128xf32, #tpu.memory_space<vmem>> -> memref<1x32x128xf32, #tpu.memory_space<vmem>>
      %dma_start3A_567 = tpu.memref_squeeze %dma_start3A_566 : memref<1x32x128xf32, #tpu.memory_space<vmem>> -> memref<32x128xf32, #tpu.memory_space<vmem>>
      %dma_start3A_568 = arith.constant 0 : i32
      %dma_start3A_569 = tpu.memref_slice %arg4[%dma_start3A_568, %multiple_of3A_551] : memref<32x1000000xf32, #tpu.memory_space<hbm>> -> memref<32x128xf32, #tpu.memory_space<hbm>>
      tpu.enqueue_dma source(%dma_start3A_569 : memref<32x128xf32, #tpu.memory_space<hbm>>) target(%dma_start3A_567 : memref<32x128xf32, #tpu.memory_space<vmem>>) target_semaphore(%arg17 : memref<!tpu.dma_semaphore, #tpu.memory_space<semaphore_mem>>)
      %dma_start3A_570 = arith.constant 1 : i32
      %dma_start3A_571 = arith.constant 0 : i32
      %dma_start3A_572 = arith.constant 0 : i32
      %dma_start3A_573 = tpu.memref_slice %arg12[%dma_start3A_570, %dma_start3A_571, %dma_start3A_572] : memref<8x32x128xf32, #tpu.memory_space<vmem>> -> memref<1x32x128xf32, #tpu.memory_space<vmem>>
      %dma_start3A_574 = tpu.memref_squeeze %dma_start3A_573 : memref<1x32x128xf32, #tpu.memory_space<vmem>> -> memref<32x128xf32, #tpu.memory_space<vmem>>
      %dma_start3A_575 = arith.constant 0 : i32
      %dma_start3A_576 = tpu.memref_slice %arg5[%dma_start3A_575, %multiple_of3A_556] : memref<32x1000000xf32, #tpu.memory_space<hbm>> -> memref<32x128xf32, #tpu.memory_space<hbm>>
      %dma_start3A_577 = arith.constant 0 : i32
      %dma_start3A_578 = arith.constant 0 : i32
      %dma_start3A_579 = tpu.memref_slice %arg12[%dma_start3A_570, %dma_start3A_577, %dma_start3A_578] : memref<8x32x128xf32, #tpu.memory_space<vmem>> -> memref<1x32x128xf32, #tpu.memory_space<vmem>>
      %dma_start3A_580 = tpu.memref_squeeze %dma_start3A_579 : memref<1x32x128xf32, #tpu.memory_space<vmem>> -> memref<32x128xf32, #tpu.memory_space<vmem>>
      %dma_start3A_581 = arith.constant 0 : i32
      %dma_start3A_582 = tpu.memref_slice %arg5[%dma_start3A_581, %multiple_of3A_556] : memref<32x1000000xf32, #tpu.memory_space<hbm>> -> memref<32x128xf32, #tpu.memory_space<hbm>>
      tpu.enqueue_dma source(%dma_start3A_582 : memref<32x128xf32, #tpu.memory_space<hbm>>) target(%dma_start3A_580 : memref<32x128xf32, #tpu.memory_space<vmem>>) target_semaphore(%arg25 : memref<!tpu.dma_semaphore, #tpu.memory_space<semaphore_mem>>)
      %dma_wait3A_583 = arith.constant 2 : i32
      %dma_wait3A_584 = arith.constant 0 : i32
      %dma_wait3A_585 = arith.constant 0 : i32
      %dma_wait3A_586 = tpu.memref_slice %arg11[%dma_wait3A_583, %dma_wait3A_584, %dma_wait3A_585] : memref<8x32x128xf32, #tpu.memory_space<vmem>> -> memref<1x32x128xf32, #tpu.memory_space<vmem>>
      %dma_wait3A_587 = tpu.memref_squeeze %dma_wait3A_586 : memref<1x32x128xf32, #tpu.memory_space<vmem>> -> memref<32x128xf32, #tpu.memory_space<vmem>>
      %dma_wait3A_588 = arith.constant 0 : i32
      %dma_wait3A_589 = arith.constant 0 : i32
      %dma_wait3A_590 = tpu.memref_slice %arg4[%dma_wait3A_588, %dma_wait3A_589] : memref<32x1000000xf32, #tpu.memory_space<hbm>> -> memref<32x128xf32, #tpu.memory_space<hbm>>
      %dma_wait3A_591 = arith.constant 0 : i32
      %dma_wait3A_592 = arith.constant 0 : i32
      %dma_wait3A_593 = tpu.memref_slice %arg11[%dma_wait3A_583, %dma_wait3A_591, %dma_wait3A_592] : memref<8x32x128xf32, #tpu.memory_space<vmem>> -> memref<1x32x128xf32, #tpu.memory_space<vmem>>
      %dma_wait3A_594 = tpu.memref_squeeze %dma_wait3A_593 : memref<1x32x128xf32, #tpu.memory_space<vmem>> -> memref<32x128xf32, #tpu.memory_space<vmem>>
      %dma_wait3A_595 = arith.constant 0 : i32
      %dma_wait3A_596 = arith.constant 0 : i32
      %dma_wait3A_597 = tpu.memref_slice %arg4[%dma_wait3A_595, %dma_wait3A_596] : memref<32x1000000xf32, #tpu.memory_space<hbm>> -> memref<32x128xf32, #tpu.memory_space<hbm>>
      tpu.wait_dma2 semaphore(%arg18 : memref<!tpu.dma_semaphore, #tpu.memory_space<semaphore_mem>>) src(%dma_wait3A_597 : memref<32x128xf32, #tpu.memory_space<hbm>>) dst(%dma_wait3A_594 : memref<32x128xf32, #tpu.memory_space<vmem>>)
      %dma_wait3A_598 = arith.constant 2 : i32
      %dma_wait3A_599 = arith.constant 0 : i32
      %dma_wait3A_600 = arith.constant 0 : i32
      %dma_wait3A_601 = tpu.memref_slice %arg12[%dma_wait3A_598, %dma_wait3A_599, %dma_wait3A_600] : memref<8x32x128xf32, #tpu.memory_space<vmem>> -> memref<1x32x128xf32, #tpu.memory_space<vmem>>
      %dma_wait3A_602 = tpu.memref_squeeze %dma_wait3A_601 : memref<1x32x128xf32, #tpu.memory_space<vmem>> -> memref<32x128xf32, #tpu.memory_space<vmem>>
      %dma_wait3A_603 = arith.constant 0 : i32
      %dma_wait3A_604 = arith.constant 0 : i32
      %dma_wait3A_605 = tpu.memref_slice %arg5[%dma_wait3A_603, %dma_wait3A_604] : memref<32x1000000xf32, #tpu.memory_space<hbm>> -> memref<32x128xf32, #tpu.memory_space<hbm>>
      %dma_wait3A_606 = arith.constant 0 : i32
      %dma_wait3A_607 = arith.constant 0 : i32
      %dma_wait3A_608 = tpu.memref_slice %arg12[%dma_wait3A_598, %dma_wait3A_606, %dma_wait3A_607] : memref<8x32x128xf32, #tpu.memory_space<vmem>> -> memref<1x32x128xf32, #tpu.memory_space<vmem>>
      %dma_wait3A_609 = tpu.memref_squeeze %dma_wait3A_608 : memref<1x32x128xf32, #tpu.memory_space<vmem>> -> memref<32x128xf32, #tpu.memory_space<vmem>>
      %dma_wait3A_610 = arith.constant 0 : i32
      %dma_wait3A_611 = arith.constant 0 : i32
      %dma_wait3A_612 = tpu.memref_slice %arg5[%dma_wait3A_610, %dma_wait3A_611] : memref<32x1000000xf32, #tpu.memory_space<hbm>> -> memref<32x128xf32, #tpu.memory_space<hbm>>
      tpu.wait_dma2 semaphore(%arg26 : memref<!tpu.dma_semaphore, #tpu.memory_space<semaphore_mem>>) src(%dma_wait3A_612 : memref<32x128xf32, #tpu.memory_space<hbm>>) dst(%dma_wait3A_609 : memref<32x128xf32, #tpu.memory_space<vmem>>)
      %slice3A_613 = vector.extract_strided_slice %get3A_338 {offsets = [2], sizes = [1], strides = [1]} : vector<16xi32> to vector<1xi32>
      %squeeze3A_614 = vector.extract %slice3A_613[0] : i32 from vector<1xi32>
      %and3A_615 = arith.constant 127 : i32
      %and3A_616 = arith.andi %squeeze3A_614, %and3A_615 : i32
      %broadcast_in_dim3A_617 = vector.broadcast %and3A_616 : i32 to vector<16xi32>
      %slice3A_618 = vector.extract_strided_slice %get3A_342 {offsets = [2], sizes = [1], strides = [1]} : vector<16xi32> to vector<1xi32>
      %squeeze3A_619 = vector.extract %slice3A_618[0] : i32 from vector<1xi32>
      %and3A_620 = arith.constant 127 : i32
      %and3A_621 = arith.andi %squeeze3A_619, %and3A_620 : i32
      %broadcast_in_dim3A_622 = vector.broadcast %and3A_621 : i32 to vector<16xi32>
      %gather3A_623 = arith.constant 2 : i32
      %gather3A_624 = arith.constant 0 : i32
      %gather3A_625 = arith.constant 0 : i32
      %gather3A_626 = tpu.memref_slice %arg11[%gather3A_623, %gather3A_624, %gather3A_625] : memref<8x32x128xf32, #tpu.memory_space<vmem>> -> memref<1x32x128xf32, #tpu.memory_space<vmem>>
      %gather3A_627 = tpu.memref_squeeze %gather3A_626 : memref<1x32x128xf32, #tpu.memory_space<vmem>> -> memref<32x128xf32, #tpu.memory_space<vmem>>
      %gather3A_628 = tpu.vector_load_idx %gather3A_627[%iota3A, %broadcast_in_dim3A_617] : memref<32x128xf32, #tpu.memory_space<vmem>>[vector<16xi32>, vector<16xi32>], vector<16xf32>,
      %gather3A_629 = arith.constant 2 : i32
      %gather3A_630 = arith.constant 0 : i32
      %gather3A_631 = arith.constant 0 : i32
      %gather3A_632 = tpu.memref_slice %arg11[%gather3A_629, %gather3A_630, %gather3A_631] : memref<8x32x128xf32, #tpu.memory_space<vmem>> -> memref<1x32x128xf32, #tpu.memory_space<vmem>>
      %gather3A_633 = tpu.memref_squeeze %gather3A_632 : memref<1x32x128xf32, #tpu.memory_space<vmem>> -> memref<32x128xf32, #tpu.memory_space<vmem>>
      %gather3A_634 = tpu.vector_load_idx %gather3A_633[%add3A_10, %broadcast_in_dim3A_617] : memref<32x128xf32, #tpu.memory_space<vmem>>[vector<16xi32>, vector<16xi32>], vector<16xf32>,
      %gather3A_635 = arith.constant 2 : i32
      %gather3A_636 = arith.constant 0 : i32
      %gather3A_637 = arith.constant 0 : i32
      %gather3A_638 = tpu.memref_slice %arg12[%gather3A_635, %gather3A_636, %gather3A_637] : memref<8x32x128xf32, #tpu.memory_space<vmem>> -> memref<1x32x128xf32, #tpu.memory_space<vmem>>
      %gather3A_639 = tpu.memref_squeeze %gather3A_638 : memref<1x32x128xf32, #tpu.memory_space<vmem>> -> memref<32x128xf32, #tpu.memory_space<vmem>>
      %gather3A_640 = tpu.vector_load_idx %gather3A_639[%iota3A, %broadcast_in_dim3A_622] : memref<32x128xf32, #tpu.memory_space<vmem>>[vector<16xi32>, vector<16xi32>], vector<16xf32>,
      %gather3A_641 = arith.constant 2 : i32
      %gather3A_642 = arith.constant 0 : i32
      %gather3A_643 = arith.constant 0 : i32
      %gather3A_644 = tpu.memref_slice %arg12[%gather3A_641, %gather3A_642, %gather3A_643] : memref<8x32x128xf32, #tpu.memory_space<vmem>> -> memref<1x32x128xf32, #tpu.memory_space<vmem>>
      %gather3A_645 = tpu.memref_squeeze %gather3A_644 : memref<1x32x128xf32, #tpu.memory_space<vmem>> -> memref<32x128xf32, #tpu.memory_space<vmem>>
      %gather3A_646 = tpu.vector_load_idx %gather3A_645[%add3A_10, %broadcast_in_dim3A_622] : memref<32x128xf32, #tpu.memory_space<vmem>>[vector<16xi32>, vector<16xi32>], vector<16xf32>,
      %mul3A_647 = arith.mulf %gather3A_640, %get3A_5 : vector<16xf32>
      %mul3A_648 = arith.mulf %gather3A_628, %mul3A_647 : vector<16xf32>
      %mul3A_649 = arith.mulf %gather3A_646, %get3A_7 : vector<16xf32>
      %mul3A_650 = arith.mulf %gather3A_634, %mul3A_649 : vector<16xf32>
      %add3A_651 = arith.addf %mul3A_648, %mul3A_650 : vector<16xf32>
      %eq3A_652 = arith.constant 2 : i32
      %eq3A_653 = vector.broadcast %eq3A_652 : i32 to vector<16xi32>
      %eq3A_654 = arith.cmpi eq, %iota3A, %eq3A_653 : vector<16xi32>
      %reduce_sum3A_655 = arith.constant true
      %reduce_sum3A_656 = vector.broadcast %reduce_sum3A_655 : i1 to vector<16xi1>
      %reduce_sum3A_657 = tpu.scan <sum>, %add3A_651 masked %reduce_sum3A_656 : vector<16xf32>, vector<16xi1> -> vector<16xf32>
      %reduce_sum3A_658 = vector.extract %reduce_sum3A_657[15] : f32 from vector<16xf32>
      %add3A_659 = vector.broadcast %reduce_sum3A_658 : f32 to vector<16xf32>
      %add3A_660 = arith.addf %get3A_3, %add3A_659 : vector<16xf32>
      %select_n3A_661 = arith.select %eq3A_654, %add3A_660, %select_n3A_542 : vector<16xi1>, vector<16xf32>
      %slice3A_662 = vector.extract_strided_slice %get3A_338 {offsets = [10], sizes = [1], strides = [1]} : vector<16xi32> to vector<1xi32>
      %squeeze3A_663 = vector.extract %slice3A_662[0] : i32 from vector<1xi32>
      %slice3A_664 = vector.extract_strided_slice %get3A_342 {offsets = [10], sizes = [1], strides = [1]} : vector<16xi32> to vector<1xi32>
      %squeeze3A_665 = vector.extract %slice3A_664[0] : i32 from vector<1xi32>
      %shift_right_arithmetic3A_666 = arith.constant 7 : i32
      %shift_right_arithmetic3A_667 = arith.shrsi %squeeze3A_663, %shift_right_arithmetic3A_666 : i32
      %shift_left3A_668 = arith.constant 7 : i32
      %shift_left3A_669 = arith.shli %shift_right_arithmetic3A_667, %shift_left3A_668 : i32
      %multiple_of3A_670 = tpu.assume_multiple %shift_left3A_669, 128 : i32
      %shift_right_arithmetic3A_671 = arith.constant 7 : i32
      %shift_right_arithmetic3A_672 = arith.shrsi %squeeze3A_665, %shift_right_arithmetic3A_671 : i32
      %shift_left3A_673 = arith.constant 7 : i32
      %shift_left3A_674 = arith.shli %shift_right_arithmetic3A_672, %shift_left3A_673 : i32
      %multiple_of3A_675 = tpu.assume_multiple %shift_left3A_674, 128 : i32
      %dma_start3A_676 = arith.constant 2 : i32
      %dma_start3A_677 = arith.constant 0 : i32
      %dma_start3A_678 = arith.constant 0 : i32
      %dma_start3A_679 = tpu.memref_slice %arg11[%dma_start3A_676, %dma_start3A_677, %dma_start3A_678] : memref<8x32x128xf32, #tpu.memory_space<vmem>> -> memref<1x32x128xf32, #tpu.memory_space<vmem>>
      %dma_start3A_680 = tpu.memref_squeeze %dma_start3A_679 : memref<1x32x128xf32, #tpu.memory_space<vmem>> -> memref<32x128xf32, #tpu.memory_space<vmem>>
      %dma_start3A_681 = arith.constant 0 : i32
      %dma_start3A_682 = tpu.memref_slice %arg4[%dma_start3A_681, %multiple_of3A_670] : memref<32x1000000xf32, #tpu.memory_space<hbm>> -> memref<32x128xf32, #tpu.memory_space<hbm>>
      %dma_start3A_683 = arith.constant 0 : i32
      %dma_start3A_684 = arith.constant 0 : i32
      %dma_start3A_685 = tpu.memref_slice %arg11[%dma_start3A_676, %dma_start3A_683, %dma_start3A_684] : memref<8x32x128xf32, #tpu.memory_space<vmem>> -> memref<1x32x128xf32, #tpu.memory_space<vmem>>
      %dma_start3A_686 = tpu.memref_squeeze %dma_start3A_685 : memref<1x32x128xf32, #tpu.memory_space<vmem>> -> memref<32x128xf32, #tpu.memory_space<vmem>>
      %dma_start3A_687 = arith.constant 0 : i32
      %dma_start3A_688 = tpu.memref_slice %arg4[%dma_start3A_687, %multiple_of3A_670] : memref<32x1000000xf32, #tpu.memory_space<hbm>> -> memref<32x128xf32, #tpu.memory_space<hbm>>
      tpu.enqueue_dma source(%dma_start3A_688 : memref<32x128xf32, #tpu.memory_space<hbm>>) target(%dma_start3A_686 : memref<32x128xf32, #tpu.memory_space<vmem>>) target_semaphore(%arg18 : memref<!tpu.dma_semaphore, #tpu.memory_space<semaphore_mem>>)
      %dma_start3A_689 = arith.constant 2 : i32
      %dma_start3A_690 = arith.constant 0 : i32
      %dma_start3A_691 = arith.constant 0 : i32
      %dma_start3A_692 = tpu.memref_slice %arg12[%dma_start3A_689, %dma_start3A_690, %dma_start3A_691] : memref<8x32x128xf32, #tpu.memory_space<vmem>> -> memref<1x32x128xf32, #tpu.memory_space<vmem>>
      %dma_start3A_693 = tpu.memref_squeeze %dma_start3A_692 : memref<1x32x128xf32, #tpu.memory_space<vmem>> -> memref<32x128xf32, #tpu.memory_space<vmem>>
      %dma_start3A_694 = arith.constant 0 : i32
      %dma_start3A_695 = tpu.memref_slice %arg5[%dma_start3A_694, %multiple_of3A_675] : memref<32x1000000xf32, #tpu.memory_space<hbm>> -> memref<32x128xf32, #tpu.memory_space<hbm>>
      %dma_start3A_696 = arith.constant 0 : i32
      %dma_start3A_697 = arith.constant 0 : i32
      %dma_start3A_698 = tpu.memref_slice %arg12[%dma_start3A_689, %dma_start3A_696, %dma_start3A_697] : memref<8x32x128xf32, #tpu.memory_space<vmem>> -> memref<1x32x128xf32, #tpu.memory_space<vmem>>
      %dma_start3A_699 = tpu.memref_squeeze %dma_start3A_698 : memref<1x32x128xf32, #tpu.memory_space<vmem>> -> memref<32x128xf32, #tpu.memory_space<vmem>>
      %dma_start3A_700 = arith.constant 0 : i32
      %dma_start3A_701 = tpu.memref_slice %arg5[%dma_start3A_700, %multiple_of3A_675] : memref<32x1000000xf32, #tpu.memory_space<hbm>> -> memref<32x128xf32, #tpu.memory_space<hbm>>
      tpu.enqueue_dma source(%dma_start3A_701 : memref<32x128xf32, #tpu.memory_space<hbm>>) target(%dma_start3A_699 : memref<32x128xf32, #tpu.memory_space<vmem>>) target_semaphore(%arg26 : memref<!tpu.dma_semaphore, #tpu.memory_space<semaphore_mem>>)
      %dma_wait3A_702 = arith.constant 3 : i32
      %dma_wait3A_703 = arith.constant 0 : i32
      %dma_wait3A_704 = arith.constant 0 : i32
      %dma_wait3A_705 = tpu.memref_slice %arg11[%dma_wait3A_702, %dma_wait3A_703, %dma_wait3A_704] : memref<8x32x128xf32, #tpu.memory_space<vmem>> -> memref<1x32x128xf32, #tpu.memory_space<vmem>>
      %dma_wait3A_706 = tpu.memref_squeeze %dma_wait3A_705 : memref<1x32x128xf32, #tpu.memory_space<vmem>> -> memref<32x128xf32, #tpu.memory_space<vmem>>
      %dma_wait3A_707 = arith.constant 0 : i32
      %dma_wait3A_708 = arith.constant 0 : i32
      %dma_wait3A_709 = tpu.memref_slice %arg4[%dma_wait3A_707, %dma_wait3A_708] : memref<32x1000000xf32, #tpu.memory_space<hbm>> -> memref<32x128xf32, #tpu.memory_space<hbm>>
      %dma_wait3A_710 = arith.constant 0 : i32
      %dma_wait3A_711 = arith.constant 0 : i32
      %dma_wait3A_712 = tpu.memref_slice %arg11[%dma_wait3A_702, %dma_wait3A_710, %dma_wait3A_711] : memref<8x32x128xf32, #tpu.memory_space<vmem>> -> memref<1x32x128xf32, #tpu.memory_space<vmem>>
      %dma_wait3A_713 = tpu.memref_squeeze %dma_wait3A_712 : memref<1x32x128xf32, #tpu.memory_space<vmem>> -> memref<32x128xf32, #tpu.memory_space<vmem>>
      %dma_wait3A_714 = arith.constant 0 : i32
      %dma_wait3A_715 = arith.constant 0 : i32
      %dma_wait3A_716 = tpu.memref_slice %arg4[%dma_wait3A_714, %dma_wait3A_715] : memref<32x1000000xf32, #tpu.memory_space<hbm>> -> memref<32x128xf32, #tpu.memory_space<hbm>>
      tpu.wait_dma2 semaphore(%arg19 : memref<!tpu.dma_semaphore, #tpu.memory_space<semaphore_mem>>) src(%dma_wait3A_716 : memref<32x128xf32, #tpu.memory_space<hbm>>) dst(%dma_wait3A_713 : memref<32x128xf32, #tpu.memory_space<vmem>>)
      %dma_wait3A_717 = arith.constant 3 : i32
      %dma_wait3A_718 = arith.constant 0 : i32
      %dma_wait3A_719 = arith.constant 0 : i32
      %dma_wait3A_720 = tpu.memref_slice %arg12[%dma_wait3A_717, %dma_wait3A_718, %dma_wait3A_719] : memref<8x32x128xf32, #tpu.memory_space<vmem>> -> memref<1x32x128xf32, #tpu.memory_space<vmem>>
      %dma_wait3A_721 = tpu.memref_squeeze %dma_wait3A_720 : memref<1x32x128xf32, #tpu.memory_space<vmem>> -> memref<32x128xf32, #tpu.memory_space<vmem>>
      %dma_wait3A_722 = arith.constant 0 : i32
      %dma_wait3A_723 = arith.constant 0 : i32
      %dma_wait3A_724 = tpu.memref_slice %arg5[%dma_wait3A_722, %dma_wait3A_723] : memref<32x1000000xf32, #tpu.memory_space<hbm>> -> memref<32x128xf32, #tpu.memory_space<hbm>>
      %dma_wait3A_725 = arith.constant 0 : i32
      %dma_wait3A_726 = arith.constant 0 : i32
      %dma_wait3A_727 = tpu.memref_slice %arg12[%dma_wait3A_717, %dma_wait3A_725, %dma_wait3A_726] : memref<8x32x128xf32, #tpu.memory_space<vmem>> -> memref<1x32x128xf32, #tpu.memory_space<vmem>>
      %dma_wait3A_728 = tpu.memref_squeeze %dma_wait3A_727 : memref<1x32x128xf32, #tpu.memory_space<vmem>> -> memref<32x128xf32, #tpu.memory_space<vmem>>
      %dma_wait3A_729 = arith.constant 0 : i32
      %dma_wait3A_730 = arith.constant 0 : i32
      %dma_wait3A_731 = tpu.memref_slice %arg5[%dma_wait3A_729, %dma_wait3A_730] : memref<32x1000000xf32, #tpu.memory_space<hbm>> -> memref<32x128xf32, #tpu.memory_space<hbm>>
      tpu.wait_dma2 semaphore(%arg27 : memref<!tpu.dma_semaphore, #tpu.memory_space<semaphore_mem>>) src(%dma_wait3A_731 : memref<32x128xf32, #tpu.memory_space<hbm>>) dst(%dma_wait3A_728 : memref<32x128xf32, #tpu.memory_space<vmem>>)
      %slice3A_732 = vector.extract_strided_slice %get3A_338 {offsets = [3], sizes = [1], strides = [1]} : vector<16xi32> to vector<1xi32>
      %squeeze3A_733 = vector.extract %slice3A_732[0] : i32 from vector<1xi32>
      %and3A_734 = arith.constant 127 : i32
      %and3A_735 = arith.andi %squeeze3A_733, %and3A_734 : i32
      %broadcast_in_dim3A_736 = vector.broadcast %and3A_735 : i32 to vector<16xi32>
      %slice3A_737 = vector.extract_strided_slice %get3A_342 {offsets = [3], sizes = [1], strides = [1]} : vector<16xi32> to vector<1xi32>
      %squeeze3A_738 = vector.extract %slice3A_737[0] : i32 from vector<1xi32>
      %and3A_739 = arith.constant 127 : i32
      %and3A_740 = arith.andi %squeeze3A_738, %and3A_739 : i32
      %broadcast_in_dim3A_741 = vector.broadcast %and3A_740 : i32 to vector<16xi32>
      %gather3A_742 = arith.constant 3 : i32
      %gather3A_743 = arith.constant 0 : i32
      %gather3A_744 = arith.constant 0 : i32
      %gather3A_745 = tpu.memref_slice %arg11[%gather3A_742, %gather3A_743, %gather3A_744] : memref<8x32x128xf32, #tpu.memory_space<vmem>> -> memref<1x32x128xf32, #tpu.memory_space<vmem>>
      %gather3A_746 = tpu.memref_squeeze %gather3A_745 : memref<1x32x128xf32, #tpu.memory_space<vmem>> -> memref<32x128xf32, #tpu.memory_space<vmem>>
      %gather3A_747 = tpu.vector_load_idx %gather3A_746[%iota3A, %broadcast_in_dim3A_736] : memref<32x128xf32, #tpu.memory_space<vmem>>[vector<16xi32>, vector<16xi32>], vector<16xf32>,
      %gather3A_748 = arith.constant 3 : i32
      %gather3A_749 = arith.constant 0 : i32
      %gather3A_750 = arith.constant 0 : i32
      %gather3A_751 = tpu.memref_slice %arg11[%gather3A_748, %gather3A_749, %gather3A_750] : memref<8x32x128xf32, #tpu.memory_space<vmem>> -> memref<1x32x128xf32, #tpu.memory_space<vmem>>
      %gather3A_752 = tpu.memref_squeeze %gather3A_751 : memref<1x32x128xf32, #tpu.memory_space<vmem>> -> memref<32x128xf32, #tpu.memory_space<vmem>>
      %gather3A_753 = tpu.vector_load_idx %gather3A_752[%add3A_10, %broadcast_in_dim3A_736] : memref<32x128xf32, #tpu.memory_space<vmem>>[vector<16xi32>, vector<16xi32>], vector<16xf32>,
      %gather3A_754 = arith.constant 3 : i32
      %gather3A_755 = arith.constant 0 : i32
      %gather3A_756 = arith.constant 0 : i32
      %gather3A_757 = tpu.memref_slice %arg12[%gather3A_754, %gather3A_755, %gather3A_756] : memref<8x32x128xf32, #tpu.memory_space<vmem>> -> memref<1x32x128xf32, #tpu.memory_space<vmem>>
      %gather3A_758 = tpu.memref_squeeze %gather3A_757 : memref<1x32x128xf32, #tpu.memory_space<vmem>> -> memref<32x128xf32, #tpu.memory_space<vmem>>
      %gather3A_759 = tpu.vector_load_idx %gather3A_758[%iota3A, %broadcast_in_dim3A_741] : memref<32x128xf32, #tpu.memory_space<vmem>>[vector<16xi32>, vector<16xi32>], vector<16xf32>,
      %gather3A_760 = arith.constant 3 : i32
      %gather3A_761 = arith.constant 0 : i32
      %gather3A_762 = arith.constant 0 : i32
      %gather3A_763 = tpu.memref_slice %arg12[%gather3A_760, %gather3A_761, %gather3A_762] : memref<8x32x128xf32, #tpu.memory_space<vmem>> -> memref<1x32x128xf32, #tpu.memory_space<vmem>>
      %gather3A_764 = tpu.memref_squeeze %gather3A_763 : memref<1x32x128xf32, #tpu.memory_space<vmem>> -> memref<32x128xf32, #tpu.memory_space<vmem>>
      %gather3A_765 = tpu.vector_load_idx %gather3A_764[%add3A_10, %broadcast_in_dim3A_741] : memref<32x128xf32, #tpu.memory_space<vmem>>[vector<16xi32>, vector<16xi32>], vector<16xf32>,
      %mul3A_766 = arith.mulf %gather3A_759, %get3A_5 : vector<16xf32>
      %mul3A_767 = arith.mulf %gather3A_747, %mul3A_766 : vector<16xf32>
      %mul3A_768 = arith.mulf %gather3A_765, %get3A_7 : vector<16xf32>
      %mul3A_769 = arith.mulf %gather3A_753, %mul3A_768 : vector<16xf32>
      %add3A_770 = arith.addf %mul3A_767, %mul3A_769 : vector<16xf32>
      %eq3A_771 = arith.constant 3 : i32
      %eq3A_772 = vector.broadcast %eq3A_771 : i32 to vector<16xi32>
      %eq3A_773 = arith.cmpi eq, %iota3A, %eq3A_772 : vector<16xi32>
      %reduce_sum3A_774 = arith.constant true
      %reduce_sum3A_775 = vector.broadcast %reduce_sum3A_774 : i1 to vector<16xi1>
      %reduce_sum3A_776 = tpu.scan <sum>, %add3A_770 masked %reduce_sum3A_775 : vector<16xf32>, vector<16xi1> -> vector<16xf32>
      %reduce_sum3A_777 = vector.extract %reduce_sum3A_776[15] : f32 from vector<16xf32>
      %add3A_778 = vector.broadcast %reduce_sum3A_777 : f32 to vector<16xf32>
      %add3A_779 = arith.addf %get3A_3, %add3A_778 : vector<16xf32>
      %select_n3A_780 = arith.select %eq3A_773, %add3A_779, %select_n3A_661 : vector<16xi1>, vector<16xf32>
      %slice3A_781 = vector.extract_strided_slice %get3A_338 {offsets = [11], sizes = [1], strides = [1]} : vector<16xi32> to vector<1xi32>
      %squeeze3A_782 = vector.extract %slice3A_781[0] : i32 from vector<1xi32>
      %slice3A_783 = vector.extract_strided_slice %get3A_342 {offsets = [11], sizes = [1], strides = [1]} : vector<16xi32> to vector<1xi32>
      %squeeze3A_784 = vector.extract %slice3A_783[0] : i32 from vector<1xi32>
      %shift_right_arithmetic3A_785 = arith.constant 7 : i32
      %shift_right_arithmetic3A_786 = arith.shrsi %squeeze3A_782, %shift_right_arithmetic3A_785 : i32
      %shift_left3A_787 = arith.constant 7 : i32
      %shift_left3A_788 = arith.shli %shift_right_arithmetic3A_786, %shift_left3A_787 : i32
      %multiple_of3A_789 = tpu.assume_multiple %shift_left3A_788, 128 : i32
      %shift_right_arithmetic3A_790 = arith.constant 7 : i32
      %shift_right_arithmetic3A_791 = arith.shrsi %squeeze3A_784, %shift_right_arithmetic3A_790 : i32
      %shift_left3A_792 = arith.constant 7 : i32
      %shift_left3A_793 = arith.shli %shift_right_arithmetic3A_791, %shift_left3A_792 : i32
      %multiple_of3A_794 = tpu.assume_multiple %shift_left3A_793, 128 : i32
      %dma_start3A_795 = arith.constant 3 : i32
      %dma_start3A_796 = arith.constant 0 : i32
      %dma_start3A_797 = arith.constant 0 : i32
      %dma_start3A_798 = tpu.memref_slice %arg11[%dma_start3A_795, %dma_start3A_796, %dma_start3A_797] : memref<8x32x128xf32, #tpu.memory_space<vmem>> -> memref<1x32x128xf32, #tpu.memory_space<vmem>>
      %dma_start3A_799 = tpu.memref_squeeze %dma_start3A_798 : memref<1x32x128xf32, #tpu.memory_space<vmem>> -> memref<32x128xf32, #tpu.memory_space<vmem>>
      %dma_start3A_800 = arith.constant 0 : i32
      %dma_start3A_801 = tpu.memref_slice %arg4[%dma_start3A_800, %multiple_of3A_789] : memref<32x1000000xf32, #tpu.memory_space<hbm>> -> memref<32x128xf32, #tpu.memory_space<hbm>>
      %dma_start3A_802 = arith.constant 0 : i32
      %dma_start3A_803 = arith.constant 0 : i32
      %dma_start3A_804 = tpu.memref_slice %arg11[%dma_start3A_795, %dma_start3A_802, %dma_start3A_803] : memref<8x32x128xf32, #tpu.memory_space<vmem>> -> memref<1x32x128xf32, #tpu.memory_space<vmem>>
      %dma_start3A_805 = tpu.memref_squeeze %dma_start3A_804 : memref<1x32x128xf32, #tpu.memory_space<vmem>> -> memref<32x128xf32, #tpu.memory_space<vmem>>
      %dma_start3A_806 = arith.constant 0 : i32
      %dma_start3A_807 = tpu.memref_slice %arg4[%dma_start3A_806, %multiple_of3A_789] : memref<32x1000000xf32, #tpu.memory_space<hbm>> -> memref<32x128xf32, #tpu.memory_space<hbm>>
      tpu.enqueue_dma source(%dma_start3A_807 : memref<32x128xf32, #tpu.memory_space<hbm>>) target(%dma_start3A_805 : memref<32x128xf32, #tpu.memory_space<vmem>>) target_semaphore(%arg19 : memref<!tpu.dma_semaphore, #tpu.memory_space<semaphore_mem>>)
      %dma_start3A_808 = arith.constant 3 : i32
      %dma_start3A_809 = arith.constant 0 : i32
      %dma_start3A_810 = arith.constant 0 : i32
      %dma_start3A_811 = tpu.memref_slice %arg12[%dma_start3A_808, %dma_start3A_809, %dma_start3A_810] : memref<8x32x128xf32, #tpu.memory_space<vmem>> -> memref<1x32x128xf32, #tpu.memory_space<vmem>>
      %dma_start3A_812 = tpu.memref_squeeze %dma_start3A_811 : memref<1x32x128xf32, #tpu.memory_space<vmem>> -> memref<32x128xf32, #tpu.memory_space<vmem>>
      %dma_start3A_813 = arith.constant 0 : i32
      %dma_start3A_814 = tpu.memref_slice %arg5[%dma_start3A_813, %multiple_of3A_794] : memref<32x1000000xf32, #tpu.memory_space<hbm>> -> memref<32x128xf32, #tpu.memory_space<hbm>>
      %dma_start3A_815 = arith.constant 0 : i32
      %dma_start3A_816 = arith.constant 0 : i32
      %dma_start3A_817 = tpu.memref_slice %arg12[%dma_start3A_808, %dma_start3A_815, %dma_start3A_816] : memref<8x32x128xf32, #tpu.memory_space<vmem>> -> memref<1x32x128xf32, #tpu.memory_space<vmem>>
      %dma_start3A_818 = tpu.memref_squeeze %dma_start3A_817 : memref<1x32x128xf32, #tpu.memory_space<vmem>> -> memref<32x128xf32, #tpu.memory_space<vmem>>
      %dma_start3A_819 = arith.constant 0 : i32
      %dma_start3A_820 = tpu.memref_slice %arg5[%dma_start3A_819, %multiple_of3A_794] : memref<32x1000000xf32, #tpu.memory_space<hbm>> -> memref<32x128xf32, #tpu.memory_space<hbm>>
      tpu.enqueue_dma source(%dma_start3A_820 : memref<32x128xf32, #tpu.memory_space<hbm>>) target(%dma_start3A_818 : memref<32x128xf32, #tpu.memory_space<vmem>>) target_semaphore(%arg27 : memref<!tpu.dma_semaphore, #tpu.memory_space<semaphore_mem>>)
      %dma_wait3A_821 = arith.constant 4 : i32
      %dma_wait3A_822 = arith.constant 0 : i32
      %dma_wait3A_823 = arith.constant 0 : i32
      %dma_wait3A_824 = tpu.memref_slice %arg11[%dma_wait3A_821, %dma_wait3A_822, %dma_wait3A_823] : memref<8x32x128xf32, #tpu.memory_space<vmem>> -> memref<1x32x128xf32, #tpu.memory_space<vmem>>
      %dma_wait3A_825 = tpu.memref_squeeze %dma_wait3A_824 : memref<1x32x128xf32, #tpu.memory_space<vmem>> -> memref<32x128xf32, #tpu.memory_space<vmem>>
      %dma_wait3A_826 = arith.constant 0 : i32
      %dma_wait3A_827 = arith.constant 0 : i32
      %dma_wait3A_828 = tpu.memref_slice %arg4[%dma_wait3A_826, %dma_wait3A_827] : memref<32x1000000xf32, #tpu.memory_space<hbm>> -> memref<32x128xf32, #tpu.memory_space<hbm>>
      %dma_wait3A_829 = arith.constant 0 : i32
      %dma_wait3A_830 = arith.constant 0 : i32
      %dma_wait3A_831 = tpu.memref_slice %arg11[%dma_wait3A_821, %dma_wait3A_829, %dma_wait3A_830] : memref<8x32x128xf32, #tpu.memory_space<vmem>> -> memref<1x32x128xf32, #tpu.memory_space<vmem>>
      %dma_wait3A_832 = tpu.memref_squeeze %dma_wait3A_831 : memref<1x32x128xf32, #tpu.memory_space<vmem>> -> memref<32x128xf32, #tpu.memory_space<vmem>>
      %dma_wait3A_833 = arith.constant 0 : i32
      %dma_wait3A_834 = arith.constant 0 : i32
      %dma_wait3A_835 = tpu.memref_slice %arg4[%dma_wait3A_833, %dma_wait3A_834] : memref<32x1000000xf32, #tpu.memory_space<hbm>> -> memref<32x128xf32, #tpu.memory_space<hbm>>
      tpu.wait_dma2 semaphore(%arg20 : memref<!tpu.dma_semaphore, #tpu.memory_space<semaphore_mem>>) src(%dma_wait3A_835 : memref<32x128xf32, #tpu.memory_space<hbm>>) dst(%dma_wait3A_832 : memref<32x128xf32, #tpu.memory_space<vmem>>)
      %dma_wait3A_836 = arith.constant 4 : i32
      %dma_wait3A_837 = arith.constant 0 : i32
      %dma_wait3A_838 = arith.constant 0 : i32
      %dma_wait3A_839 = tpu.memref_slice %arg12[%dma_wait3A_836, %dma_wait3A_837, %dma_wait3A_838] : memref<8x32x128xf32, #tpu.memory_space<vmem>> -> memref<1x32x128xf32, #tpu.memory_space<vmem>>
      %dma_wait3A_840 = tpu.memref_squeeze %dma_wait3A_839 : memref<1x32x128xf32, #tpu.memory_space<vmem>> -> memref<32x128xf32, #tpu.memory_space<vmem>>
      %dma_wait3A_841 = arith.constant 0 : i32
      %dma_wait3A_842 = arith.constant 0 : i32
      %dma_wait3A_843 = tpu.memref_slice %arg5[%dma_wait3A_841, %dma_wait3A_842] : memref<32x1000000xf32, #tpu.memory_space<hbm>> -> memref<32x128xf32, #tpu.memory_space<hbm>>
      %dma_wait3A_844 = arith.constant 0 : i32
      %dma_wait3A_845 = arith.constant 0 : i32
      %dma_wait3A_846 = tpu.memref_slice %arg12[%dma_wait3A_836, %dma_wait3A_844, %dma_wait3A_845] : memref<8x32x128xf32, #tpu.memory_space<vmem>> -> memref<1x32x128xf32, #tpu.memory_space<vmem>>
      %dma_wait3A_847 = tpu.memref_squeeze %dma_wait3A_846 : memref<1x32x128xf32, #tpu.memory_space<vmem>> -> memref<32x128xf32, #tpu.memory_space<vmem>>
      %dma_wait3A_848 = arith.constant 0 : i32
      %dma_wait3A_849 = arith.constant 0 : i32
      %dma_wait3A_850 = tpu.memref_slice %arg5[%dma_wait3A_848, %dma_wait3A_849] : memref<32x1000000xf32, #tpu.memory_space<hbm>> -> memref<32x128xf32, #tpu.memory_space<hbm>>
      tpu.wait_dma2 semaphore(%arg28 : memref<!tpu.dma_semaphore, #tpu.memory_space<semaphore_mem>>) src(%dma_wait3A_850 : memref<32x128xf32, #tpu.memory_space<hbm>>) dst(%dma_wait3A_847 : memref<32x128xf32, #tpu.memory_space<vmem>>)
      %slice3A_851 = vector.extract_strided_slice %get3A_338 {offsets = [4], sizes = [1], strides = [1]} : vector<16xi32> to vector<1xi32>
      %squeeze3A_852 = vector.extract %slice3A_851[0] : i32 from vector<1xi32>
      %and3A_853 = arith.constant 127 : i32
      %and3A_854 = arith.andi %squeeze3A_852, %and3A_853 : i32
      %broadcast_in_dim3A_855 = vector.broadcast %and3A_854 : i32 to vector<16xi32>
      %slice3A_856 = vector.extract_strided_slice %get3A_342 {offsets = [4], sizes = [1], strides = [1]} : vector<16xi32> to vector<1xi32>
      %squeeze3A_857 = vector.extract %slice3A_856[0] : i32 from vector<1xi32>
      %and3A_858 = arith.constant 127 : i32
      %and3A_859 = arith.andi %squeeze3A_857, %and3A_858 : i32
      %broadcast_in_dim3A_860 = vector.broadcast %and3A_859 : i32 to vector<16xi32>
      %gather3A_861 = arith.constant 4 : i32
      %gather3A_862 = arith.constant 0 : i32
      %gather3A_863 = arith.constant 0 : i32
      %gather3A_864 = tpu.memref_slice %arg11[%gather3A_861, %gather3A_862, %gather3A_863] : memref<8x32x128xf32, #tpu.memory_space<vmem>> -> memref<1x32x128xf32, #tpu.memory_space<vmem>>
      %gather3A_865 = tpu.memref_squeeze %gather3A_864 : memref<1x32x128xf32, #tpu.memory_space<vmem>> -> memref<32x128xf32, #tpu.memory_space<vmem>>
      %gather3A_866 = tpu.vector_load_idx %gather3A_865[%iota3A, %broadcast_in_dim3A_855] : memref<32x128xf32, #tpu.memory_space<vmem>>[vector<16xi32>, vector<16xi32>], vector<16xf32>,
      %gather3A_867 = arith.constant 4 : i32
      %gather3A_868 = arith.constant 0 : i32
      %gather3A_869 = arith.constant 0 : i32
      %gather3A_870 = tpu.memref_slice %arg11[%gather3A_867, %gather3A_868, %gather3A_869] : memref<8x32x128xf32, #tpu.memory_space<vmem>> -> memref<1x32x128xf32, #tpu.memory_space<vmem>>
      %gather3A_871 = tpu.memref_squeeze %gather3A_870 : memref<1x32x128xf32, #tpu.memory_space<vmem>> -> memref<32x128xf32, #tpu.memory_space<vmem>>
      %gather3A_872 = tpu.vector_load_idx %gather3A_871[%add3A_10, %broadcast_in_dim3A_855] : memref<32x128xf32, #tpu.memory_space<vmem>>[vector<16xi32>, vector<16xi32>], vector<16xf32>,
      %gather3A_873 = arith.constant 4 : i32
      %gather3A_874 = arith.constant 0 : i32
      %gather3A_875 = arith.constant 0 : i32
      %gather3A_876 = tpu.memref_slice %arg12[%gather3A_873, %gather3A_874, %gather3A_875] : memref<8x32x128xf32, #tpu.memory_space<vmem>> -> memref<1x32x128xf32, #tpu.memory_space<vmem>>
      %gather3A_877 = tpu.memref_squeeze %gather3A_876 : memref<1x32x128xf32, #tpu.memory_space<vmem>> -> memref<32x128xf32, #tpu.memory_space<vmem>>
      %gather3A_878 = tpu.vector_load_idx %gather3A_877[%iota3A, %broadcast_in_dim3A_860] : memref<32x128xf32, #tpu.memory_space<vmem>>[vector<16xi32>, vector<16xi32>], vector<16xf32>,
      %gather3A_879 = arith.constant 4 : i32
      %gather3A_880 = arith.constant 0 : i32
      %gather3A_881 = arith.constant 0 : i32
      %gather3A_882 = tpu.memref_slice %arg12[%gather3A_879, %gather3A_880, %gather3A_881] : memref<8x32x128xf32, #tpu.memory_space<vmem>> -> memref<1x32x128xf32, #tpu.memory_space<vmem>>
      %gather3A_883 = tpu.memref_squeeze %gather3A_882 : memref<1x32x128xf32, #tpu.memory_space<vmem>> -> memref<32x128xf32, #tpu.memory_space<vmem>>
      %gather3A_884 = tpu.vector_load_idx %gather3A_883[%add3A_10, %broadcast_in_dim3A_860] : memref<32x128xf32, #tpu.memory_space<vmem>>[vector<16xi32>, vector<16xi32>], vector<16xf32>,
      %mul3A_885 = arith.mulf %gather3A_878, %get3A_5 : vector<16xf32>
      %mul3A_886 = arith.mulf %gather3A_866, %mul3A_885 : vector<16xf32>
      %mul3A_887 = arith.mulf %gather3A_884, %get3A_7 : vector<16xf32>
      %mul3A_888 = arith.mulf %gather3A_872, %mul3A_887 : vector<16xf32>
      %add3A_889 = arith.addf %mul3A_886, %mul3A_888 : vector<16xf32>
      %eq3A_890 = arith.constant 4 : i32
      %eq3A_891 = vector.broadcast %eq3A_890 : i32 to vector<16xi32>
      %eq3A_892 = arith.cmpi eq, %iota3A, %eq3A_891 : vector<16xi32>
      %reduce_sum3A_893 = arith.constant true
      %reduce_sum3A_894 = vector.broadcast %reduce_sum3A_893 : i1 to vector<16xi1>
      %reduce_sum3A_895 = tpu.scan <sum>, %add3A_889 masked %reduce_sum3A_894 : vector<16xf32>, vector<16xi1> -> vector<16xf32>
      %reduce_sum3A_896 = vector.extract %reduce_sum3A_895[15] : f32 from vector<16xf32>
      %add3A_897 = vector.broadcast %reduce_sum3A_896 : f32 to vector<16xf32>
      %add3A_898 = arith.addf %get3A_3, %add3A_897 : vector<16xf32>
      %select_n3A_899 = arith.select %eq3A_892, %add3A_898, %select_n3A_780 : vector<16xi1>, vector<16xf32>
      %slice3A_900 = vector.extract_strided_slice %get3A_338 {offsets = [12], sizes = [1], strides = [1]} : vector<16xi32> to vector<1xi32>
      %squeeze3A_901 = vector.extract %slice3A_900[0] : i32 from vector<1xi32>
      %slice3A_902 = vector.extract_strided_slice %get3A_342 {offsets = [12], sizes = [1], strides = [1]} : vector<16xi32> to vector<1xi32>
      %squeeze3A_903 = vector.extract %slice3A_902[0] : i32 from vector<1xi32>
      %shift_right_arithmetic3A_904 = arith.constant 7 : i32
      %shift_right_arithmetic3A_905 = arith.shrsi %squeeze3A_901, %shift_right_arithmetic3A_904 : i32
      %shift_left3A_906 = arith.constant 7 : i32
      %shift_left3A_907 = arith.shli %shift_right_arithmetic3A_905, %shift_left3A_906 : i32
      %multiple_of3A_908 = tpu.assume_multiple %shift_left3A_907, 128 : i32
      %shift_right_arithmetic3A_909 = arith.constant 7 : i32
      %shift_right_arithmetic3A_910 = arith.shrsi %squeeze3A_903, %shift_right_arithmetic3A_909 : i32
      %shift_left3A_911 = arith.constant 7 : i32
      %shift_left3A_912 = arith.shli %shift_right_arithmetic3A_910, %shift_left3A_911 : i32
      %multiple_of3A_913 = tpu.assume_multiple %shift_left3A_912, 128 : i32
      %dma_start3A_914 = arith.constant 4 : i32
      %dma_start3A_915 = arith.constant 0 : i32
      %dma_start3A_916 = arith.constant 0 : i32
      %dma_start3A_917 = tpu.memref_slice %arg11[%dma_start3A_914, %dma_start3A_915, %dma_start3A_916] : memref<8x32x128xf32, #tpu.memory_space<vmem>> -> memref<1x32x128xf32, #tpu.memory_space<vmem>>
      %dma_start3A_918 = tpu.memref_squeeze %dma_start3A_917 : memref<1x32x128xf32, #tpu.memory_space<vmem>> -> memref<32x128xf32, #tpu.memory_space<vmem>>
      %dma_start3A_919 = arith.constant 0 : i32
      %dma_start3A_920 = tpu.memref_slice %arg4[%dma_start3A_919, %multiple_of3A_908] : memref<32x1000000xf32, #tpu.memory_space<hbm>> -> memref<32x128xf32, #tpu.memory_space<hbm>>
      %dma_start3A_921 = arith.constant 0 : i32
      %dma_start3A_922 = arith.constant 0 : i32
      %dma_start3A_923 = tpu.memref_slice %arg11[%dma_start3A_914, %dma_start3A_921, %dma_start3A_922] : memref<8x32x128xf32, #tpu.memory_space<vmem>> -> memref<1x32x128xf32, #tpu.memory_space<vmem>>
      %dma_start3A_924 = tpu.memref_squeeze %dma_start3A_923 : memref<1x32x128xf32, #tpu.memory_space<vmem>> -> memref<32x128xf32, #tpu.memory_space<vmem>>
      %dma_start3A_925 = arith.constant 0 : i32
      %dma_start3A_926 = tpu.memref_slice %arg4[%dma_start3A_925, %multiple_of3A_908] : memref<32x1000000xf32, #tpu.memory_space<hbm>> -> memref<32x128xf32, #tpu.memory_space<hbm>>
      tpu.enqueue_dma source(%dma_start3A_926 : memref<32x128xf32, #tpu.memory_space<hbm>>) target(%dma_start3A_924 : memref<32x128xf32, #tpu.memory_space<vmem>>) target_semaphore(%arg20 : memref<!tpu.dma_semaphore, #tpu.memory_space<semaphore_mem>>)
      %dma_start3A_927 = arith.constant 4 : i32
      %dma_start3A_928 = arith.constant 0 : i32
      %dma_start3A_929 = arith.constant 0 : i32
      %dma_start3A_930 = tpu.memref_slice %arg12[%dma_start3A_927, %dma_start3A_928, %dma_start3A_929] : memref<8x32x128xf32, #tpu.memory_space<vmem>> -> memref<1x32x128xf32, #tpu.memory_space<vmem>>
      %dma_start3A_931 = tpu.memref_squeeze %dma_start3A_930 : memref<1x32x128xf32, #tpu.memory_space<vmem>> -> memref<32x128xf32, #tpu.memory_space<vmem>>
      %dma_start3A_932 = arith.constant 0 : i32
      %dma_start3A_933 = tpu.memref_slice %arg5[%dma_start3A_932, %multiple_of3A_913] : memref<32x1000000xf32, #tpu.memory_space<hbm>> -> memref<32x128xf32, #tpu.memory_space<hbm>>
      %dma_start3A_934 = arith.constant 0 : i32
      %dma_start3A_935 = arith.constant 0 : i32
      %dma_start3A_936 = tpu.memref_slice %arg12[%dma_start3A_927, %dma_start3A_934, %dma_start3A_935] : memref<8x32x128xf32, #tpu.memory_space<vmem>> -> memref<1x32x128xf32, #tpu.memory_space<vmem>>
      %dma_start3A_937 = tpu.memref_squeeze %dma_start3A_936 : memref<1x32x128xf32, #tpu.memory_space<vmem>> -> memref<32x128xf32, #tpu.memory_space<vmem>>
      %dma_start3A_938 = arith.constant 0 : i32
      %dma_start3A_939 = tpu.memref_slice %arg5[%dma_start3A_938, %multiple_of3A_913] : memref<32x1000000xf32, #tpu.memory_space<hbm>> -> memref<32x128xf32, #tpu.memory_space<hbm>>
      tpu.enqueue_dma source(%dma_start3A_939 : memref<32x128xf32, #tpu.memory_space<hbm>>) target(%dma_start3A_937 : memref<32x128xf32, #tpu.memory_space<vmem>>) target_semaphore(%arg28 : memref<!tpu.dma_semaphore, #tpu.memory_space<semaphore_mem>>)
      %dma_wait3A_940 = arith.constant 5 : i32
      %dma_wait3A_941 = arith.constant 0 : i32
      %dma_wait3A_942 = arith.constant 0 : i32
      %dma_wait3A_943 = tpu.memref_slice %arg11[%dma_wait3A_940, %dma_wait3A_941, %dma_wait3A_942] : memref<8x32x128xf32, #tpu.memory_space<vmem>> -> memref<1x32x128xf32, #tpu.memory_space<vmem>>
      %dma_wait3A_944 = tpu.memref_squeeze %dma_wait3A_943 : memref<1x32x128xf32, #tpu.memory_space<vmem>> -> memref<32x128xf32, #tpu.memory_space<vmem>>
      %dma_wait3A_945 = arith.constant 0 : i32
      %dma_wait3A_946 = arith.constant 0 : i32
      %dma_wait3A_947 = tpu.memref_slice %arg4[%dma_wait3A_945, %dma_wait3A_946] : memref<32x1000000xf32, #tpu.memory_space<hbm>> -> memref<32x128xf32, #tpu.memory_space<hbm>>
      %dma_wait3A_948 = arith.constant 0 : i32
      %dma_wait3A_949 = arith.constant 0 : i32
      %dma_wait3A_950 = tpu.memref_slice %arg11[%dma_wait3A_940, %dma_wait3A_948, %dma_wait3A_949] : memref<8x32x128xf32, #tpu.memory_space<vmem>> -> memref<1x32x128xf32, #tpu.memory_space<vmem>>
      %dma_wait3A_951 = tpu.memref_squeeze %dma_wait3A_950 : memref<1x32x128xf32, #tpu.memory_space<vmem>> -> memref<32x128xf32, #tpu.memory_space<vmem>>
      %dma_wait3A_952 = arith.constant 0 : i32
      %dma_wait3A_953 = arith.constant 0 : i32
      %dma_wait3A_954 = tpu.memref_slice %arg4[%dma_wait3A_952, %dma_wait3A_953] : memref<32x1000000xf32, #tpu.memory_space<hbm>> -> memref<32x128xf32, #tpu.memory_space<hbm>>
      tpu.wait_dma2 semaphore(%arg21 : memref<!tpu.dma_semaphore, #tpu.memory_space<semaphore_mem>>) src(%dma_wait3A_954 : memref<32x128xf32, #tpu.memory_space<hbm>>) dst(%dma_wait3A_951 : memref<32x128xf32, #tpu.memory_space<vmem>>)
      %dma_wait3A_955 = arith.constant 5 : i32
      %dma_wait3A_956 = arith.constant 0 : i32
      %dma_wait3A_957 = arith.constant 0 : i32
      %dma_wait3A_958 = tpu.memref_slice %arg12[%dma_wait3A_955, %dma_wait3A_956, %dma_wait3A_957] : memref<8x32x128xf32, #tpu.memory_space<vmem>> -> memref<1x32x128xf32, #tpu.memory_space<vmem>>
      %dma_wait3A_959 = tpu.memref_squeeze %dma_wait3A_958 : memref<1x32x128xf32, #tpu.memory_space<vmem>> -> memref<32x128xf32, #tpu.memory_space<vmem>>
      %dma_wait3A_960 = arith.constant 0 : i32
      %dma_wait3A_961 = arith.constant 0 : i32
      %dma_wait3A_962 = tpu.memref_slice %arg5[%dma_wait3A_960, %dma_wait3A_961] : memref<32x1000000xf32, #tpu.memory_space<hbm>> -> memref<32x128xf32, #tpu.memory_space<hbm>>
      %dma_wait3A_963 = arith.constant 0 : i32
      %dma_wait3A_964 = arith.constant 0 : i32
      %dma_wait3A_965 = tpu.memref_slice %arg12[%dma_wait3A_955, %dma_wait3A_963, %dma_wait3A_964] : memref<8x32x128xf32, #tpu.memory_space<vmem>> -> memref<1x32x128xf32, #tpu.memory_space<vmem>>
      %dma_wait3A_966 = tpu.memref_squeeze %dma_wait3A_965 : memref<1x32x128xf32, #tpu.memory_space<vmem>> -> memref<32x128xf32, #tpu.memory_space<vmem>>
      %dma_wait3A_967 = arith.constant 0 : i32
      %dma_wait3A_968 = arith.constant 0 : i32
      %dma_wait3A_969 = tpu.memref_slice %arg5[%dma_wait3A_967, %dma_wait3A_968] : memref<32x1000000xf32, #tpu.memory_space<hbm>> -> memref<32x128xf32, #tpu.memory_space<hbm>>
      tpu.wait_dma2 semaphore(%arg29 : memref<!tpu.dma_semaphore, #tpu.memory_space<semaphore_mem>>) src(%dma_wait3A_969 : memref<32x128xf32, #tpu.memory_space<hbm>>) dst(%dma_wait3A_966 : memref<32x128xf32, #tpu.memory_space<vmem>>)
      %slice3A_970 = vector.extract_strided_slice %get3A_338 {offsets = [5], sizes = [1], strides = [1]} : vector<16xi32> to vector<1xi32>
      %squeeze3A_971 = vector.extract %slice3A_970[0] : i32 from vector<1xi32>
      %and3A_972 = arith.constant 127 : i32
      %and3A_973 = arith.andi %squeeze3A_971, %and3A_972 : i32
      %broadcast_in_dim3A_974 = vector.broadcast %and3A_973 : i32 to vector<16xi32>
      %slice3A_975 = vector.extract_strided_slice %get3A_342 {offsets = [5], sizes = [1], strides = [1]} : vector<16xi32> to vector<1xi32>
      %squeeze3A_976 = vector.extract %slice3A_975[0] : i32 from vector<1xi32>
      %and3A_977 = arith.constant 127 : i32
      %and3A_978 = arith.andi %squeeze3A_976, %and3A_977 : i32
      %broadcast_in_dim3A_979 = vector.broadcast %and3A_978 : i32 to vector<16xi32>
      %gather3A_980 = arith.constant 5 : i32
      %gather3A_981 = arith.constant 0 : i32
      %gather3A_982 = arith.constant 0 : i32
      %gather3A_983 = tpu.memref_slice %arg11[%gather3A_980, %gather3A_981, %gather3A_982] : memref<8x32x128xf32, #tpu.memory_space<vmem>> -> memref<1x32x128xf32, #tpu.memory_space<vmem>>
      %gather3A_984 = tpu.memref_squeeze %gather3A_983 : memref<1x32x128xf32, #tpu.memory_space<vmem>> -> memref<32x128xf32, #tpu.memory_space<vmem>>
      %gather3A_985 = tpu.vector_load_idx %gather3A_984[%iota3A, %broadcast_in_dim3A_974] : memref<32x128xf32, #tpu.memory_space<vmem>>[vector<16xi32>, vector<16xi32>], vector<16xf32>,
      %gather3A_986 = arith.constant 5 : i32
      %gather3A_987 = arith.constant 0 : i32
      %gather3A_988 = arith.constant 0 : i32
      %gather3A_989 = tpu.memref_slice %arg11[%gather3A_986, %gather3A_987, %gather3A_988] : memref<8x32x128xf32, #tpu.memory_space<vmem>> -> memref<1x32x128xf32, #tpu.memory_space<vmem>>
      %gather3A_990 = tpu.memref_squeeze %gather3A_989 : memref<1x32x128xf32, #tpu.memory_space<vmem>> -> memref<32x128xf32, #tpu.memory_space<vmem>>
      %gather3A_991 = tpu.vector_load_idx %gather3A_990[%add3A_10, %broadcast_in_dim3A_974] : memref<32x128xf32, #tpu.memory_space<vmem>>[vector<16xi32>, vector<16xi32>], vector<16xf32>,
      %gather3A_992 = arith.constant 5 : i32
      %gather3A_993 = arith.constant 0 : i32
      %gather3A_994 = arith.constant 0 : i32
      %gather3A_995 = tpu.memref_slice %arg12[%gather3A_992, %gather3A_993, %gather3A_994] : memref<8x32x128xf32, #tpu.memory_space<vmem>> -> memref<1x32x128xf32, #tpu.memory_space<vmem>>
      %gather3A_996 = tpu.memref_squeeze %gather3A_995 : memref<1x32x128xf32, #tpu.memory_space<vmem>> -> memref<32x128xf32, #tpu.memory_space<vmem>>
      %gather3A_997 = tpu.vector_load_idx %gather3A_996[%iota3A, %broadcast_in_dim3A_979] : memref<32x128xf32, #tpu.memory_space<vmem>>[vector<16xi32>, vector<16xi32>], vector<16xf32>,
      %gather3A_998 = arith.constant 5 : i32
      %gather3A_999 = arith.constant 0 : i32
      %gather3A_1000 = arith.constant 0 : i32
      %gather3A_1001 = tpu.memref_slice %arg12[%gather3A_998, %gather3A_999, %gather3A_1000] : memref<8x32x128xf32, #tpu.memory_space<vmem>> -> memref<1x32x128xf32, #tpu.memory_space<vmem>>
      %gather3A_1002 = tpu.memref_squeeze %gather3A_1001 : memref<1x32x128xf32, #tpu.memory_space<vmem>> -> memref<32x128xf32, #tpu.memory_space<vmem>>
      %gather3A_1003 = tpu.vector_load_idx %gather3A_1002[%add3A_10, %broadcast_in_dim3A_979] : memref<32x128xf32, #tpu.memory_space<vmem>>[vector<16xi32>, vector<16xi32>], vector<16xf32>,
      %mul3A_1004 = arith.mulf %gather3A_997, %get3A_5 : vector<16xf32>
      %mul3A_1005 = arith.mulf %gather3A_985, %mul3A_1004 : vector<16xf32>
      %mul3A_1006 = arith.mulf %gather3A_1003, %get3A_7 : vector<16xf32>
      %mul3A_1007 = arith.mulf %gather3A_991, %mul3A_1006 : vector<16xf32>
      %add3A_1008 = arith.addf %mul3A_1005, %mul3A_1007 : vector<16xf32>
      %eq3A_1009 = arith.constant 5 : i32
      %eq3A_1010 = vector.broadcast %eq3A_1009 : i32 to vector<16xi32>
      %eq3A_1011 = arith.cmpi eq, %iota3A, %eq3A_1010 : vector<16xi32>
      %reduce_sum3A_1012 = arith.constant true
      %reduce_sum3A_1013 = vector.broadcast %reduce_sum3A_1012 : i1 to vector<16xi1>
      %reduce_sum3A_1014 = tpu.scan <sum>, %add3A_1008 masked %reduce_sum3A_1013 : vector<16xf32>, vector<16xi1> -> vector<16xf32>
      %reduce_sum3A_1015 = vector.extract %reduce_sum3A_1014[15] : f32 from vector<16xf32>
      %add3A_1016 = vector.broadcast %reduce_sum3A_1015 : f32 to vector<16xf32>
      %add3A_1017 = arith.addf %get3A_3, %add3A_1016 : vector<16xf32>
      %select_n3A_1018 = arith.select %eq3A_1011, %add3A_1017, %select_n3A_899 : vector<16xi1>, vector<16xf32>
      %slice3A_1019 = vector.extract_strided_slice %get3A_338 {offsets = [13], sizes = [1], strides = [1]} : vector<16xi32> to vector<1xi32>
      %squeeze3A_1020 = vector.extract %slice3A_1019[0] : i32 from vector<1xi32>
      %slice3A_1021 = vector.extract_strided_slice %get3A_342 {offsets = [13], sizes = [1], strides = [1]} : vector<16xi32> to vector<1xi32>
      %squeeze3A_1022 = vector.extract %slice3A_1021[0] : i32 from vector<1xi32>
      %shift_right_arithmetic3A_1023 = arith.constant 7 : i32
      %shift_right_arithmetic3A_1024 = arith.shrsi %squeeze3A_1020, %shift_right_arithmetic3A_1023 : i32
      %shift_left3A_1025 = arith.constant 7 : i32
      %shift_left3A_1026 = arith.shli %shift_right_arithmetic3A_1024, %shift_left3A_1025 : i32
      %multiple_of3A_1027 = tpu.assume_multiple %shift_left3A_1026, 128 : i32
      %shift_right_arithmetic3A_1028 = arith.constant 7 : i32
      %shift_right_arithmetic3A_1029 = arith.shrsi %squeeze3A_1022, %shift_right_arithmetic3A_1028 : i32
      %shift_left3A_1030 = arith.constant 7 : i32
      %shift_left3A_1031 = arith.shli %shift_right_arithmetic3A_1029, %shift_left3A_1030 : i32
      %multiple_of3A_1032 = tpu.assume_multiple %shift_left3A_1031, 128 : i32
      %dma_start3A_1033 = arith.constant 5 : i32
      %dma_start3A_1034 = arith.constant 0 : i32
      %dma_start3A_1035 = arith.constant 0 : i32
      %dma_start3A_1036 = tpu.memref_slice %arg11[%dma_start3A_1033, %dma_start3A_1034, %dma_start3A_1035] : memref<8x32x128xf32, #tpu.memory_space<vmem>> -> memref<1x32x128xf32, #tpu.memory_space<vmem>>
      %dma_start3A_1037 = tpu.memref_squeeze %dma_start3A_1036 : memref<1x32x128xf32, #tpu.memory_space<vmem>> -> memref<32x128xf32, #tpu.memory_space<vmem>>
      %dma_start3A_1038 = arith.constant 0 : i32
      %dma_start3A_1039 = tpu.memref_slice %arg4[%dma_start3A_1038, %multiple_of3A_1027] : memref<32x1000000xf32, #tpu.memory_space<hbm>> -> memref<32x128xf32, #tpu.memory_space<hbm>>
      %dma_start3A_1040 = arith.constant 0 : i32
      %dma_start3A_1041 = arith.constant 0 : i32
      %dma_start3A_1042 = tpu.memref_slice %arg11[%dma_start3A_1033, %dma_start3A_1040, %dma_start3A_1041] : memref<8x32x128xf32, #tpu.memory_space<vmem>> -> memref<1x32x128xf32, #tpu.memory_space<vmem>>
      %dma_start3A_1043 = tpu.memref_squeeze %dma_start3A_1042 : memref<1x32x128xf32, #tpu.memory_space<vmem>> -> memref<32x128xf32, #tpu.memory_space<vmem>>
      %dma_start3A_1044 = arith.constant 0 : i32
      %dma_start3A_1045 = tpu.memref_slice %arg4[%dma_start3A_1044, %multiple_of3A_1027] : memref<32x1000000xf32, #tpu.memory_space<hbm>> -> memref<32x128xf32, #tpu.memory_space<hbm>>
      tpu.enqueue_dma source(%dma_start3A_1045 : memref<32x128xf32, #tpu.memory_space<hbm>>) target(%dma_start3A_1043 : memref<32x128xf32, #tpu.memory_space<vmem>>) target_semaphore(%arg21 : memref<!tpu.dma_semaphore, #tpu.memory_space<semaphore_mem>>)
      %dma_start3A_1046 = arith.constant 5 : i32
      %dma_start3A_1047 = arith.constant 0 : i32
      %dma_start3A_1048 = arith.constant 0 : i32
      %dma_start3A_1049 = tpu.memref_slice %arg12[%dma_start3A_1046, %dma_start3A_1047, %dma_start3A_1048] : memref<8x32x128xf32, #tpu.memory_space<vmem>> -> memref<1x32x128xf32, #tpu.memory_space<vmem>>
      %dma_start3A_1050 = tpu.memref_squeeze %dma_start3A_1049 : memref<1x32x128xf32, #tpu.memory_space<vmem>> -> memref<32x128xf32, #tpu.memory_space<vmem>>
      %dma_start3A_1051 = arith.constant 0 : i32
      %dma_start3A_1052 = tpu.memref_slice %arg5[%dma_start3A_1051, %multiple_of3A_1032] : memref<32x1000000xf32, #tpu.memory_space<hbm>> -> memref<32x128xf32, #tpu.memory_space<hbm>>
      %dma_start3A_1053 = arith.constant 0 : i32
      %dma_start3A_1054 = arith.constant 0 : i32
      %dma_start3A_1055 = tpu.memref_slice %arg12[%dma_start3A_1046, %dma_start3A_1053, %dma_start3A_1054] : memref<8x32x128xf32, #tpu.memory_space<vmem>> -> memref<1x32x128xf32, #tpu.memory_space<vmem>>
      %dma_start3A_1056 = tpu.memref_squeeze %dma_start3A_1055 : memref<1x32x128xf32, #tpu.memory_space<vmem>> -> memref<32x128xf32, #tpu.memory_space<vmem>>
      %dma_start3A_1057 = arith.constant 0 : i32
      %dma_start3A_1058 = tpu.memref_slice %arg5[%dma_start3A_1057, %multiple_of3A_1032] : memref<32x1000000xf32, #tpu.memory_space<hbm>> -> memref<32x128xf32, #tpu.memory_space<hbm>>
      tpu.enqueue_dma source(%dma_start3A_1058 : memref<32x128xf32, #tpu.memory_space<hbm>>) target(%dma_start3A_1056 : memref<32x128xf32, #tpu.memory_space<vmem>>) target_semaphore(%arg29 : memref<!tpu.dma_semaphore, #tpu.memory_space<semaphore_mem>>)
      %dma_wait3A_1059 = arith.constant 6 : i32
      %dma_wait3A_1060 = arith.constant 0 : i32
      %dma_wait3A_1061 = arith.constant 0 : i32
      %dma_wait3A_1062 = tpu.memref_slice %arg11[%dma_wait3A_1059, %dma_wait3A_1060, %dma_wait3A_1061] : memref<8x32x128xf32, #tpu.memory_space<vmem>> -> memref<1x32x128xf32, #tpu.memory_space<vmem>>
      %dma_wait3A_1063 = tpu.memref_squeeze %dma_wait3A_1062 : memref<1x32x128xf32, #tpu.memory_space<vmem>> -> memref<32x128xf32, #tpu.memory_space<vmem>>
      %dma_wait3A_1064 = arith.constant 0 : i32
      %dma_wait3A_1065 = arith.constant 0 : i32
      %dma_wait3A_1066 = tpu.memref_slice %arg4[%dma_wait3A_1064, %dma_wait3A_1065] : memref<32x1000000xf32, #tpu.memory_space<hbm>> -> memref<32x128xf32, #tpu.memory_space<hbm>>
      %dma_wait3A_1067 = arith.constant 0 : i32
      %dma_wait3A_1068 = arith.constant 0 : i32
      %dma_wait3A_1069 = tpu.memref_slice %arg11[%dma_wait3A_1059, %dma_wait3A_1067, %dma_wait3A_1068] : memref<8x32x128xf32, #tpu.memory_space<vmem>> -> memref<1x32x128xf32, #tpu.memory_space<vmem>>
      %dma_wait3A_1070 = tpu.memref_squeeze %dma_wait3A_1069 : memref<1x32x128xf32, #tpu.memory_space<vmem>> -> memref<32x128xf32, #tpu.memory_space<vmem>>
      %dma_wait3A_1071 = arith.constant 0 : i32
      %dma_wait3A_1072 = arith.constant 0 : i32
      %dma_wait3A_1073 = tpu.memref_slice %arg4[%dma_wait3A_1071, %dma_wait3A_1072] : memref<32x1000000xf32, #tpu.memory_space<hbm>> -> memref<32x128xf32, #tpu.memory_space<hbm>>
      tpu.wait_dma2 semaphore(%arg22 : memref<!tpu.dma_semaphore, #tpu.memory_space<semaphore_mem>>) src(%dma_wait3A_1073 : memref<32x128xf32, #tpu.memory_space<hbm>>) dst(%dma_wait3A_1070 : memref<32x128xf32, #tpu.memory_space<vmem>>)
      %dma_wait3A_1074 = arith.constant 6 : i32
      %dma_wait3A_1075 = arith.constant 0 : i32
      %dma_wait3A_1076 = arith.constant 0 : i32
      %dma_wait3A_1077 = tpu.memref_slice %arg12[%dma_wait3A_1074, %dma_wait3A_1075, %dma_wait3A_1076] : memref<8x32x128xf32, #tpu.memory_space<vmem>> -> memref<1x32x128xf32, #tpu.memory_space<vmem>>
      %dma_wait3A_1078 = tpu.memref_squeeze %dma_wait3A_1077 : memref<1x32x128xf32, #tpu.memory_space<vmem>> -> memref<32x128xf32, #tpu.memory_space<vmem>>
      %dma_wait3A_1079 = arith.constant 0 : i32
      %dma_wait3A_1080 = arith.constant 0 : i32
      %dma_wait3A_1081 = tpu.memref_slice %arg5[%dma_wait3A_1079, %dma_wait3A_1080] : memref<32x1000000xf32, #tpu.memory_space<hbm>> -> memref<32x128xf32, #tpu.memory_space<hbm>>
      %dma_wait3A_1082 = arith.constant 0 : i32
      %dma_wait3A_1083 = arith.constant 0 : i32
      %dma_wait3A_1084 = tpu.memref_slice %arg12[%dma_wait3A_1074, %dma_wait3A_1082, %dma_wait3A_1083] : memref<8x32x128xf32, #tpu.memory_space<vmem>> -> memref<1x32x128xf32, #tpu.memory_space<vmem>>
      %dma_wait3A_1085 = tpu.memref_squeeze %dma_wait3A_1084 : memref<1x32x128xf32, #tpu.memory_space<vmem>> -> memref<32x128xf32, #tpu.memory_space<vmem>>
      %dma_wait3A_1086 = arith.constant 0 : i32
      %dma_wait3A_1087 = arith.constant 0 : i32
      %dma_wait3A_1088 = tpu.memref_slice %arg5[%dma_wait3A_1086, %dma_wait3A_1087] : memref<32x1000000xf32, #tpu.memory_space<hbm>> -> memref<32x128xf32, #tpu.memory_space<hbm>>
      tpu.wait_dma2 semaphore(%arg30 : memref<!tpu.dma_semaphore, #tpu.memory_space<semaphore_mem>>) src(%dma_wait3A_1088 : memref<32x128xf32, #tpu.memory_space<hbm>>) dst(%dma_wait3A_1085 : memref<32x128xf32, #tpu.memory_space<vmem>>)
      %slice3A_1089 = vector.extract_strided_slice %get3A_338 {offsets = [6], sizes = [1], strides = [1]} : vector<16xi32> to vector<1xi32>
      %squeeze3A_1090 = vector.extract %slice3A_1089[0] : i32 from vector<1xi32>
      %and3A_1091 = arith.constant 127 : i32
      %and3A_1092 = arith.andi %squeeze3A_1090, %and3A_1091 : i32
      %broadcast_in_dim3A_1093 = vector.broadcast %and3A_1092 : i32 to vector<16xi32>
      %slice3A_1094 = vector.extract_strided_slice %get3A_342 {offsets = [6], sizes = [1], strides = [1]} : vector<16xi32> to vector<1xi32>
      %squeeze3A_1095 = vector.extract %slice3A_1094[0] : i32 from vector<1xi32>
      %and3A_1096 = arith.constant 127 : i32
      %and3A_1097 = arith.andi %squeeze3A_1095, %and3A_1096 : i32
      %broadcast_in_dim3A_1098 = vector.broadcast %and3A_1097 : i32 to vector<16xi32>
      %gather3A_1099 = arith.constant 6 : i32
      %gather3A_1100 = arith.constant 0 : i32
      %gather3A_1101 = arith.constant 0 : i32
      %gather3A_1102 = tpu.memref_slice %arg11[%gather3A_1099, %gather3A_1100, %gather3A_1101] : memref<8x32x128xf32, #tpu.memory_space<vmem>> -> memref<1x32x128xf32, #tpu.memory_space<vmem>>
      %gather3A_1103 = tpu.memref_squeeze %gather3A_1102 : memref<1x32x128xf32, #tpu.memory_space<vmem>> -> memref<32x128xf32, #tpu.memory_space<vmem>>
      %gather3A_1104 = tpu.vector_load_idx %gather3A_1103[%iota3A, %broadcast_in_dim3A_1093] : memref<32x128xf32, #tpu.memory_space<vmem>>[vector<16xi32>, vector<16xi32>], vector<16xf32>,
      %gather3A_1105 = arith.constant 6 : i32
      %gather3A_1106 = arith.constant 0 : i32
      %gather3A_1107 = arith.constant 0 : i32
      %gather3A_1108 = tpu.memref_slice %arg11[%gather3A_1105, %gather3A_1106, %gather3A_1107] : memref<8x32x128xf32, #tpu.memory_space<vmem>> -> memref<1x32x128xf32, #tpu.memory_space<vmem>>
      %gather3A_1109 = tpu.memref_squeeze %gather3A_1108 : memref<1x32x128xf32, #tpu.memory_space<vmem>> -> memref<32x128xf32, #tpu.memory_space<vmem>>
      %gather3A_1110 = tpu.vector_load_idx %gather3A_1109[%add3A_10, %broadcast_in_dim3A_1093] : memref<32x128xf32, #tpu.memory_space<vmem>>[vector<16xi32>, vector<16xi32>], vector<16xf32>,
      %gather3A_1111 = arith.constant 6 : i32
      %gather3A_1112 = arith.constant 0 : i32
      %gather3A_1113 = arith.constant 0 : i32
      %gather3A_1114 = tpu.memref_slice %arg12[%gather3A_1111, %gather3A_1112, %gather3A_1113] : memref<8x32x128xf32, #tpu.memory_space<vmem>> -> memref<1x32x128xf32, #tpu.memory_space<vmem>>
      %gather3A_1115 = tpu.memref_squeeze %gather3A_1114 : memref<1x32x128xf32, #tpu.memory_space<vmem>> -> memref<32x128xf32, #tpu.memory_space<vmem>>
      %gather3A_1116 = tpu.vector_load_idx %gather3A_1115[%iota3A, %broadcast_in_dim3A_1098] : memref<32x128xf32, #tpu.memory_space<vmem>>[vector<16xi32>, vector<16xi32>], vector<16xf32>,
      %gather3A_1117 = arith.constant 6 : i32
      %gather3A_1118 = arith.constant 0 : i32
      %gather3A_1119 = arith.constant 0 : i32
      %gather3A_1120 = tpu.memref_slice %arg12[%gather3A_1117, %gather3A_1118, %gather3A_1119] : memref<8x32x128xf32, #tpu.memory_space<vmem>> -> memref<1x32x128xf32, #tpu.memory_space<vmem>>
      %gather3A_1121 = tpu.memref_squeeze %gather3A_1120 : memref<1x32x128xf32, #tpu.memory_space<vmem>> -> memref<32x128xf32, #tpu.memory_space<vmem>>
      %gather3A_1122 = tpu.vector_load_idx %gather3A_1121[%add3A_10, %broadcast_in_dim3A_1098] : memref<32x128xf32, #tpu.memory_space<vmem>>[vector<16xi32>, vector<16xi32>], vector<16xf32>,
      %mul3A_1123 = arith.mulf %gather3A_1116, %get3A_5 : vector<16xf32>
      %mul3A_1124 = arith.mulf %gather3A_1104, %mul3A_1123 : vector<16xf32>
      %mul3A_1125 = arith.mulf %gather3A_1122, %get3A_7 : vector<16xf32>
      %mul3A_1126 = arith.mulf %gather3A_1110, %mul3A_1125 : vector<16xf32>
      %add3A_1127 = arith.addf %mul3A_1124, %mul3A_1126 : vector<16xf32>
      %eq3A_1128 = arith.constant 6 : i32
      %eq3A_1129 = vector.broadcast %eq3A_1128 : i32 to vector<16xi32>
      %eq3A_1130 = arith.cmpi eq, %iota3A, %eq3A_1129 : vector<16xi32>
      %reduce_sum3A_1131 = arith.constant true
      %reduce_sum3A_1132 = vector.broadcast %reduce_sum3A_1131 : i1 to vector<16xi1>
      %reduce_sum3A_1133 = tpu.scan <sum>, %add3A_1127 masked %reduce_sum3A_1132 : vector<16xf32>, vector<16xi1> -> vector<16xf32>
      %reduce_sum3A_1134 = vector.extract %reduce_sum3A_1133[15] : f32 from vector<16xf32>
      %add3A_1135 = vector.broadcast %reduce_sum3A_1134 : f32 to vector<16xf32>
      %add3A_1136 = arith.addf %get3A_3, %add3A_1135 : vector<16xf32>
      %select_n3A_1137 = arith.select %eq3A_1130, %add3A_1136, %select_n3A_1018 : vector<16xi1>, vector<16xf32>
      %slice3A_1138 = vector.extract_strided_slice %get3A_338 {offsets = [14], sizes = [1], strides = [1]} : vector<16xi32> to vector<1xi32>
      %squeeze3A_1139 = vector.extract %slice3A_1138[0] : i32 from vector<1xi32>
      %slice3A_1140 = vector.extract_strided_slice %get3A_342 {offsets = [14], sizes = [1], strides = [1]} : vector<16xi32> to vector<1xi32>
      %squeeze3A_1141 = vector.extract %slice3A_1140[0] : i32 from vector<1xi32>
      %shift_right_arithmetic3A_1142 = arith.constant 7 : i32
      %shift_right_arithmetic3A_1143 = arith.shrsi %squeeze3A_1139, %shift_right_arithmetic3A_1142 : i32
      %shift_left3A_1144 = arith.constant 7 : i32
      %shift_left3A_1145 = arith.shli %shift_right_arithmetic3A_1143, %shift_left3A_1144 : i32
      %multiple_of3A_1146 = tpu.assume_multiple %shift_left3A_1145, 128 : i32
      %shift_right_arithmetic3A_1147 = arith.constant 7 : i32
      %shift_right_arithmetic3A_1148 = arith.shrsi %squeeze3A_1141, %shift_right_arithmetic3A_1147 : i32
      %shift_left3A_1149 = arith.constant 7 : i32
      %shift_left3A_1150 = arith.shli %shift_right_arithmetic3A_1148, %shift_left3A_1149 : i32
      %multiple_of3A_1151 = tpu.assume_multiple %shift_left3A_1150, 128 : i32
      %dma_start3A_1152 = arith.constant 6 : i32
      %dma_start3A_1153 = arith.constant 0 : i32
      %dma_start3A_1154 = arith.constant 0 : i32
      %dma_start3A_1155 = tpu.memref_slice %arg11[%dma_start3A_1152, %dma_start3A_1153, %dma_start3A_1154] : memref<8x32x128xf32, #tpu.memory_space<vmem>> -> memref<1x32x128xf32, #tpu.memory_space<vmem>>
      %dma_start3A_1156 = tpu.memref_squeeze %dma_start3A_1155 : memref<1x32x128xf32, #tpu.memory_space<vmem>> -> memref<32x128xf32, #tpu.memory_space<vmem>>
      %dma_start3A_1157 = arith.constant 0 : i32
      %dma_start3A_1158 = tpu.memref_slice %arg4[%dma_start3A_1157, %multiple_of3A_1146] : memref<32x1000000xf32, #tpu.memory_space<hbm>> -> memref<32x128xf32, #tpu.memory_space<hbm>>
      %dma_start3A_1159 = arith.constant 0 : i32
      %dma_start3A_1160 = arith.constant 0 : i32
      %dma_start3A_1161 = tpu.memref_slice %arg11[%dma_start3A_1152, %dma_start3A_1159, %dma_start3A_1160] : memref<8x32x128xf32, #tpu.memory_space<vmem>> -> memref<1x32x128xf32, #tpu.memory_space<vmem>>
      %dma_start3A_1162 = tpu.memref_squeeze %dma_start3A_1161 : memref<1x32x128xf32, #tpu.memory_space<vmem>> -> memref<32x128xf32, #tpu.memory_space<vmem>>
      %dma_start3A_1163 = arith.constant 0 : i32
      %dma_start3A_1164 = tpu.memref_slice %arg4[%dma_start3A_1163, %multiple_of3A_1146] : memref<32x1000000xf32, #tpu.memory_space<hbm>> -> memref<32x128xf32, #tpu.memory_space<hbm>>
      tpu.enqueue_dma source(%dma_start3A_1164 : memref<32x128xf32, #tpu.memory_space<hbm>>) target(%dma_start3A_1162 : memref<32x128xf32, #tpu.memory_space<vmem>>) target_semaphore(%arg22 : memref<!tpu.dma_semaphore, #tpu.memory_space<semaphore_mem>>)
      %dma_start3A_1165 = arith.constant 6 : i32
      %dma_start3A_1166 = arith.constant 0 : i32
      %dma_start3A_1167 = arith.constant 0 : i32
      %dma_start3A_1168 = tpu.memref_slice %arg12[%dma_start3A_1165, %dma_start3A_1166, %dma_start3A_1167] : memref<8x32x128xf32, #tpu.memory_space<vmem>> -> memref<1x32x128xf32, #tpu.memory_space<vmem>>
      %dma_start3A_1169 = tpu.memref_squeeze %dma_start3A_1168 : memref<1x32x128xf32, #tpu.memory_space<vmem>> -> memref<32x128xf32, #tpu.memory_space<vmem>>
      %dma_start3A_1170 = arith.constant 0 : i32
      %dma_start3A_1171 = tpu.memref_slice %arg5[%dma_start3A_1170, %multiple_of3A_1151] : memref<32x1000000xf32, #tpu.memory_space<hbm>> -> memref<32x128xf32, #tpu.memory_space<hbm>>
      %dma_start3A_1172 = arith.constant 0 : i32
      %dma_start3A_1173 = arith.constant 0 : i32
      %dma_start3A_1174 = tpu.memref_slice %arg12[%dma_start3A_1165, %dma_start3A_1172, %dma_start3A_1173] : memref<8x32x128xf32, #tpu.memory_space<vmem>> -> memref<1x32x128xf32, #tpu.memory_space<vmem>>
      %dma_start3A_1175 = tpu.memref_squeeze %dma_start3A_1174 : memref<1x32x128xf32, #tpu.memory_space<vmem>> -> memref<32x128xf32, #tpu.memory_space<vmem>>
      %dma_start3A_1176 = arith.constant 0 : i32
      %dma_start3A_1177 = tpu.memref_slice %arg5[%dma_start3A_1176, %multiple_of3A_1151] : memref<32x1000000xf32, #tpu.memory_space<hbm>> -> memref<32x128xf32, #tpu.memory_space<hbm>>
      tpu.enqueue_dma source(%dma_start3A_1177 : memref<32x128xf32, #tpu.memory_space<hbm>>) target(%dma_start3A_1175 : memref<32x128xf32, #tpu.memory_space<vmem>>) target_semaphore(%arg30 : memref<!tpu.dma_semaphore, #tpu.memory_space<semaphore_mem>>)
      %dma_wait3A_1178 = arith.constant 7 : i32
      %dma_wait3A_1179 = arith.constant 0 : i32
      %dma_wait3A_1180 = arith.constant 0 : i32
      %dma_wait3A_1181 = tpu.memref_slice %arg11[%dma_wait3A_1178, %dma_wait3A_1179, %dma_wait3A_1180] : memref<8x32x128xf32, #tpu.memory_space<vmem>> -> memref<1x32x128xf32, #tpu.memory_space<vmem>>
      %dma_wait3A_1182 = tpu.memref_squeeze %dma_wait3A_1181 : memref<1x32x128xf32, #tpu.memory_space<vmem>> -> memref<32x128xf32, #tpu.memory_space<vmem>>
      %dma_wait3A_1183 = arith.constant 0 : i32
      %dma_wait3A_1184 = arith.constant 0 : i32
      %dma_wait3A_1185 = tpu.memref_slice %arg4[%dma_wait3A_1183, %dma_wait3A_1184] : memref<32x1000000xf32, #tpu.memory_space<hbm>> -> memref<32x128xf32, #tpu.memory_space<hbm>>
      %dma_wait3A_1186 = arith.constant 0 : i32
      %dma_wait3A_1187 = arith.constant 0 : i32
      %dma_wait3A_1188 = tpu.memref_slice %arg11[%dma_wait3A_1178, %dma_wait3A_1186, %dma_wait3A_1187] : memref<8x32x128xf32, #tpu.memory_space<vmem>> -> memref<1x32x128xf32, #tpu.memory_space<vmem>>
      %dma_wait3A_1189 = tpu.memref_squeeze %dma_wait3A_1188 : memref<1x32x128xf32, #tpu.memory_space<vmem>> -> memref<32x128xf32, #tpu.memory_space<vmem>>
      %dma_wait3A_1190 = arith.constant 0 : i32
      %dma_wait3A_1191 = arith.constant 0 : i32
      %dma_wait3A_1192 = tpu.memref_slice %arg4[%dma_wait3A_1190, %dma_wait3A_1191] : memref<32x1000000xf32, #tpu.memory_space<hbm>> -> memref<32x128xf32, #tpu.memory_space<hbm>>
      tpu.wait_dma2 semaphore(%arg23 : memref<!tpu.dma_semaphore, #tpu.memory_space<semaphore_mem>>) src(%dma_wait3A_1192 : memref<32x128xf32, #tpu.memory_space<hbm>>) dst(%dma_wait3A_1189 : memref<32x128xf32, #tpu.memory_space<vmem>>)
      %dma_wait3A_1193 = arith.constant 7 : i32
      %dma_wait3A_1194 = arith.constant 0 : i32
      %dma_wait3A_1195 = arith.constant 0 : i32
      %dma_wait3A_1196 = tpu.memref_slice %arg12[%dma_wait3A_1193, %dma_wait3A_1194, %dma_wait3A_1195] : memref<8x32x128xf32, #tpu.memory_space<vmem>> -> memref<1x32x128xf32, #tpu.memory_space<vmem>>
      %dma_wait3A_1197 = tpu.memref_squeeze %dma_wait3A_1196 : memref<1x32x128xf32, #tpu.memory_space<vmem>> -> memref<32x128xf32, #tpu.memory_space<vmem>>
      %dma_wait3A_1198 = arith.constant 0 : i32
      %dma_wait3A_1199 = arith.constant 0 : i32
      %dma_wait3A_1200 = tpu.memref_slice %arg5[%dma_wait3A_1198, %dma_wait3A_1199] : memref<32x1000000xf32, #tpu.memory_space<hbm>> -> memref<32x128xf32, #tpu.memory_space<hbm>>
      %dma_wait3A_1201 = arith.constant 0 : i32
      %dma_wait3A_1202 = arith.constant 0 : i32
      %dma_wait3A_1203 = tpu.memref_slice %arg12[%dma_wait3A_1193, %dma_wait3A_1201, %dma_wait3A_1202] : memref<8x32x128xf32, #tpu.memory_space<vmem>> -> memref<1x32x128xf32, #tpu.memory_space<vmem>>
      %dma_wait3A_1204 = tpu.memref_squeeze %dma_wait3A_1203 : memref<1x32x128xf32, #tpu.memory_space<vmem>> -> memref<32x128xf32, #tpu.memory_space<vmem>>
      %dma_wait3A_1205 = arith.constant 0 : i32
      %dma_wait3A_1206 = arith.constant 0 : i32
      %dma_wait3A_1207 = tpu.memref_slice %arg5[%dma_wait3A_1205, %dma_wait3A_1206] : memref<32x1000000xf32, #tpu.memory_space<hbm>> -> memref<32x128xf32, #tpu.memory_space<hbm>>
      tpu.wait_dma2 semaphore(%arg31 : memref<!tpu.dma_semaphore, #tpu.memory_space<semaphore_mem>>) src(%dma_wait3A_1207 : memref<32x128xf32, #tpu.memory_space<hbm>>) dst(%dma_wait3A_1204 : memref<32x128xf32, #tpu.memory_space<vmem>>)
      %slice3A_1208 = vector.extract_strided_slice %get3A_338 {offsets = [7], sizes = [1], strides = [1]} : vector<16xi32> to vector<1xi32>
      %squeeze3A_1209 = vector.extract %slice3A_1208[0] : i32 from vector<1xi32>
      %and3A_1210 = arith.constant 127 : i32
      %and3A_1211 = arith.andi %squeeze3A_1209, %and3A_1210 : i32
      %broadcast_in_dim3A_1212 = vector.broadcast %and3A_1211 : i32 to vector<16xi32>
      %slice3A_1213 = vector.extract_strided_slice %get3A_342 {offsets = [7], sizes = [1], strides = [1]} : vector<16xi32> to vector<1xi32>
      %squeeze3A_1214 = vector.extract %slice3A_1213[0] : i32 from vector<1xi32>
      %and3A_1215 = arith.constant 127 : i32
      %and3A_1216 = arith.andi %squeeze3A_1214, %and3A_1215 : i32
      %broadcast_in_dim3A_1217 = vector.broadcast %and3A_1216 : i32 to vector<16xi32>
      %gather3A_1218 = arith.constant 7 : i32
      %gather3A_1219 = arith.constant 0 : i32
      %gather3A_1220 = arith.constant 0 : i32
      %gather3A_1221 = tpu.memref_slice %arg11[%gather3A_1218, %gather3A_1219, %gather3A_1220] : memref<8x32x128xf32, #tpu.memory_space<vmem>> -> memref<1x32x128xf32, #tpu.memory_space<vmem>>
      %gather3A_1222 = tpu.memref_squeeze %gather3A_1221 : memref<1x32x128xf32, #tpu.memory_space<vmem>> -> memref<32x128xf32, #tpu.memory_space<vmem>>
      %gather3A_1223 = tpu.vector_load_idx %gather3A_1222[%iota3A, %broadcast_in_dim3A_1212] : memref<32x128xf32, #tpu.memory_space<vmem>>[vector<16xi32>, vector<16xi32>], vector<16xf32>,
      %gather3A_1224 = arith.constant 7 : i32
      %gather3A_1225 = arith.constant 0 : i32
      %gather3A_1226 = arith.constant 0 : i32
      %gather3A_1227 = tpu.memref_slice %arg11[%gather3A_1224, %gather3A_1225, %gather3A_1226] : memref<8x32x128xf32, #tpu.memory_space<vmem>> -> memref<1x32x128xf32, #tpu.memory_space<vmem>>
      %gather3A_1228 = tpu.memref_squeeze %gather3A_1227 : memref<1x32x128xf32, #tpu.memory_space<vmem>> -> memref<32x128xf32, #tpu.memory_space<vmem>>
      %gather3A_1229 = tpu.vector_load_idx %gather3A_1228[%add3A_10, %broadcast_in_dim3A_1212] : memref<32x128xf32, #tpu.memory_space<vmem>>[vector<16xi32>, vector<16xi32>], vector<16xf32>,
      %gather3A_1230 = arith.constant 7 : i32
      %gather3A_1231 = arith.constant 0 : i32
      %gather3A_1232 = arith.constant 0 : i32
      %gather3A_1233 = tpu.memref_slice %arg12[%gather3A_1230, %gather3A_1231, %gather3A_1232] : memref<8x32x128xf32, #tpu.memory_space<vmem>> -> memref<1x32x128xf32, #tpu.memory_space<vmem>>
      %gather3A_1234 = tpu.memref_squeeze %gather3A_1233 : memref<1x32x128xf32, #tpu.memory_space<vmem>> -> memref<32x128xf32, #tpu.memory_space<vmem>>
      %gather3A_1235 = tpu.vector_load_idx %gather3A_1234[%iota3A, %broadcast_in_dim3A_1217] : memref<32x128xf32, #tpu.memory_space<vmem>>[vector<16xi32>, vector<16xi32>], vector<16xf32>,
      %gather3A_1236 = arith.constant 7 : i32
      %gather3A_1237 = arith.constant 0 : i32
      %gather3A_1238 = arith.constant 0 : i32
      %gather3A_1239 = tpu.memref_slice %arg12[%gather3A_1236, %gather3A_1237, %gather3A_1238] : memref<8x32x128xf32, #tpu.memory_space<vmem>> -> memref<1x32x128xf32, #tpu.memory_space<vmem>>
      %gather3A_1240 = tpu.memref_squeeze %gather3A_1239 : memref<1x32x128xf32, #tpu.memory_space<vmem>> -> memref<32x128xf32, #tpu.memory_space<vmem>>
      %gather3A_1241 = tpu.vector_load_idx %gather3A_1240[%add3A_10, %broadcast_in_dim3A_1217] : memref<32x128xf32, #tpu.memory_space<vmem>>[vector<16xi32>, vector<16xi32>], vector<16xf32>,
      %mul3A_1242 = arith.mulf %gather3A_1235, %get3A_5 : vector<16xf32>
      %mul3A_1243 = arith.mulf %gather3A_1223, %mul3A_1242 : vector<16xf32>
      %mul3A_1244 = arith.mulf %gather3A_1241, %get3A_7 : vector<16xf32>
      %mul3A_1245 = arith.mulf %gather3A_1229, %mul3A_1244 : vector<16xf32>
      %add3A_1246 = arith.addf %mul3A_1243, %mul3A_1245 : vector<16xf32>
      %eq3A_1247 = arith.constant 7 : i32
      %eq3A_1248 = vector.broadcast %eq3A_1247 : i32 to vector<16xi32>
      %eq3A_1249 = arith.cmpi eq, %iota3A, %eq3A_1248 : vector<16xi32>
      %reduce_sum3A_1250 = arith.constant true
      %reduce_sum3A_1251 = vector.broadcast %reduce_sum3A_1250 : i1 to vector<16xi1>
      %reduce_sum3A_1252 = tpu.scan <sum>, %add3A_1246 masked %reduce_sum3A_1251 : vector<16xf32>, vector<16xi1> -> vector<16xf32>
      %reduce_sum3A_1253 = vector.extract %reduce_sum3A_1252[15] : f32 from vector<16xf32>
      %add3A_1254 = vector.broadcast %reduce_sum3A_1253 : f32 to vector<16xf32>
      %add3A_1255 = arith.addf %get3A_3, %add3A_1254 : vector<16xf32>
      %select_n3A_1256 = arith.select %eq3A_1249, %add3A_1255, %select_n3A_1137 : vector<16xi1>, vector<16xf32>
      %slice3A_1257 = vector.extract_strided_slice %get3A_338 {offsets = [15], sizes = [1], strides = [1]} : vector<16xi32> to vector<1xi32>
      %squeeze3A_1258 = vector.extract %slice3A_1257[0] : i32 from vector<1xi32>
      %slice3A_1259 = vector.extract_strided_slice %get3A_342 {offsets = [15], sizes = [1], strides = [1]} : vector<16xi32> to vector<1xi32>
      %squeeze3A_1260 = vector.extract %slice3A_1259[0] : i32 from vector<1xi32>
      %shift_right_arithmetic3A_1261 = arith.constant 7 : i32
      %shift_right_arithmetic3A_1262 = arith.shrsi %squeeze3A_1258, %shift_right_arithmetic3A_1261 : i32
      %shift_left3A_1263 = arith.constant 7 : i32
      %shift_left3A_1264 = arith.shli %shift_right_arithmetic3A_1262, %shift_left3A_1263 : i32
      %multiple_of3A_1265 = tpu.assume_multiple %shift_left3A_1264, 128 : i32
      %shift_right_arithmetic3A_1266 = arith.constant 7 : i32
      %shift_right_arithmetic3A_1267 = arith.shrsi %squeeze3A_1260, %shift_right_arithmetic3A_1266 : i32
      %shift_left3A_1268 = arith.constant 7 : i32
      %shift_left3A_1269 = arith.shli %shift_right_arithmetic3A_1267, %shift_left3A_1268 : i32
      %multiple_of3A_1270 = tpu.assume_multiple %shift_left3A_1269, 128 : i32
      %dma_start3A_1271 = arith.constant 7 : i32
      %dma_start3A_1272 = arith.constant 0 : i32
      %dma_start3A_1273 = arith.constant 0 : i32
      %dma_start3A_1274 = tpu.memref_slice %arg11[%dma_start3A_1271, %dma_start3A_1272, %dma_start3A_1273] : memref<8x32x128xf32, #tpu.memory_space<vmem>> -> memref<1x32x128xf32, #tpu.memory_space<vmem>>
      %dma_start3A_1275 = tpu.memref_squeeze %dma_start3A_1274 : memref<1x32x128xf32, #tpu.memory_space<vmem>> -> memref<32x128xf32, #tpu.memory_space<vmem>>
      %dma_start3A_1276 = arith.constant 0 : i32
      %dma_start3A_1277 = tpu.memref_slice %arg4[%dma_start3A_1276, %multiple_of3A_1265] : memref<32x1000000xf32, #tpu.memory_space<hbm>> -> memref<32x128xf32, #tpu.memory_space<hbm>>
      %dma_start3A_1278 = arith.constant 0 : i32
      %dma_start3A_1279 = arith.constant 0 : i32
      %dma_start3A_1280 = tpu.memref_slice %arg11[%dma_start3A_1271, %dma_start3A_1278, %dma_start3A_1279] : memref<8x32x128xf32, #tpu.memory_space<vmem>> -> memref<1x32x128xf32, #tpu.memory_space<vmem>>
      %dma_start3A_1281 = tpu.memref_squeeze %dma_start3A_1280 : memref<1x32x128xf32, #tpu.memory_space<vmem>> -> memref<32x128xf32, #tpu.memory_space<vmem>>
      %dma_start3A_1282 = arith.constant 0 : i32
      %dma_start3A_1283 = tpu.memref_slice %arg4[%dma_start3A_1282, %multiple_of3A_1265] : memref<32x1000000xf32, #tpu.memory_space<hbm>> -> memref<32x128xf32, #tpu.memory_space<hbm>>
      tpu.enqueue_dma source(%dma_start3A_1283 : memref<32x128xf32, #tpu.memory_space<hbm>>) target(%dma_start3A_1281 : memref<32x128xf32, #tpu.memory_space<vmem>>) target_semaphore(%arg23 : memref<!tpu.dma_semaphore, #tpu.memory_space<semaphore_mem>>)
      %dma_start3A_1284 = arith.constant 7 : i32
      %dma_start3A_1285 = arith.constant 0 : i32
      %dma_start3A_1286 = arith.constant 0 : i32
      %dma_start3A_1287 = tpu.memref_slice %arg12[%dma_start3A_1284, %dma_start3A_1285, %dma_start3A_1286] : memref<8x32x128xf32, #tpu.memory_space<vmem>> -> memref<1x32x128xf32, #tpu.memory_space<vmem>>
      %dma_start3A_1288 = tpu.memref_squeeze %dma_start3A_1287 : memref<1x32x128xf32, #tpu.memory_space<vmem>> -> memref<32x128xf32, #tpu.memory_space<vmem>>
      %dma_start3A_1289 = arith.constant 0 : i32
      %dma_start3A_1290 = tpu.memref_slice %arg5[%dma_start3A_1289, %multiple_of3A_1270] : memref<32x1000000xf32, #tpu.memory_space<hbm>> -> memref<32x128xf32, #tpu.memory_space<hbm>>
      %dma_start3A_1291 = arith.constant 0 : i32
      %dma_start3A_1292 = arith.constant 0 : i32
      %dma_start3A_1293 = tpu.memref_slice %arg12[%dma_start3A_1284, %dma_start3A_1291, %dma_start3A_1292] : memref<8x32x128xf32, #tpu.memory_space<vmem>> -> memref<1x32x128xf32, #tpu.memory_space<vmem>>
      %dma_start3A_1294 = tpu.memref_squeeze %dma_start3A_1293 : memref<1x32x128xf32, #tpu.memory_space<vmem>> -> memref<32x128xf32, #tpu.memory_space<vmem>>
      %dma_start3A_1295 = arith.constant 0 : i32
      %dma_start3A_1296 = tpu.memref_slice %arg5[%dma_start3A_1295, %multiple_of3A_1270] : memref<32x1000000xf32, #tpu.memory_space<hbm>> -> memref<32x128xf32, #tpu.memory_space<hbm>>
      tpu.enqueue_dma source(%dma_start3A_1296 : memref<32x128xf32, #tpu.memory_space<hbm>>) target(%dma_start3A_1294 : memref<32x128xf32, #tpu.memory_space<vmem>>) target_semaphore(%arg31 : memref<!tpu.dma_semaphore, #tpu.memory_space<semaphore_mem>>)
      %dma_wait3A_1297 = arith.constant 0 : i32
      %dma_wait3A_1298 = arith.constant 0 : i32
      %dma_wait3A_1299 = arith.constant 0 : i32
      %dma_wait3A_1300 = tpu.memref_slice %arg11[%dma_wait3A_1297, %dma_wait3A_1298, %dma_wait3A_1299] : memref<8x32x128xf32, #tpu.memory_space<vmem>> -> memref<1x32x128xf32, #tpu.memory_space<vmem>>
      %dma_wait3A_1301 = tpu.memref_squeeze %dma_wait3A_1300 : memref<1x32x128xf32, #tpu.memory_space<vmem>> -> memref<32x128xf32, #tpu.memory_space<vmem>>
      %dma_wait3A_1302 = arith.constant 0 : i32
      %dma_wait3A_1303 = arith.constant 0 : i32
      %dma_wait3A_1304 = tpu.memref_slice %arg4[%dma_wait3A_1302, %dma_wait3A_1303] : memref<32x1000000xf32, #tpu.memory_space<hbm>> -> memref<32x128xf32, #tpu.memory_space<hbm>>
      %dma_wait3A_1305 = arith.constant 0 : i32
      %dma_wait3A_1306 = arith.constant 0 : i32
      %dma_wait3A_1307 = tpu.memref_slice %arg11[%dma_wait3A_1297, %dma_wait3A_1305, %dma_wait3A_1306] : memref<8x32x128xf32, #tpu.memory_space<vmem>> -> memref<1x32x128xf32, #tpu.memory_space<vmem>>
      %dma_wait3A_1308 = tpu.memref_squeeze %dma_wait3A_1307 : memref<1x32x128xf32, #tpu.memory_space<vmem>> -> memref<32x128xf32, #tpu.memory_space<vmem>>
      %dma_wait3A_1309 = arith.constant 0 : i32
      %dma_wait3A_1310 = arith.constant 0 : i32
      %dma_wait3A_1311 = tpu.memref_slice %arg4[%dma_wait3A_1309, %dma_wait3A_1310] : memref<32x1000000xf32, #tpu.memory_space<hbm>> -> memref<32x128xf32, #tpu.memory_space<hbm>>
      tpu.wait_dma2 semaphore(%arg16 : memref<!tpu.dma_semaphore, #tpu.memory_space<semaphore_mem>>) src(%dma_wait3A_1311 : memref<32x128xf32, #tpu.memory_space<hbm>>) dst(%dma_wait3A_1308 : memref<32x128xf32, #tpu.memory_space<vmem>>)
      %dma_wait3A_1312 = arith.constant 0 : i32
      %dma_wait3A_1313 = arith.constant 0 : i32
      %dma_wait3A_1314 = arith.constant 0 : i32
      %dma_wait3A_1315 = tpu.memref_slice %arg12[%dma_wait3A_1312, %dma_wait3A_1313, %dma_wait3A_1314] : memref<8x32x128xf32, #tpu.memory_space<vmem>> -> memref<1x32x128xf32, #tpu.memory_space<vmem>>
      %dma_wait3A_1316 = tpu.memref_squeeze %dma_wait3A_1315 : memref<1x32x128xf32, #tpu.memory_space<vmem>> -> memref<32x128xf32, #tpu.memory_space<vmem>>
      %dma_wait3A_1317 = arith.constant 0 : i32
      %dma_wait3A_1318 = arith.constant 0 : i32
      %dma_wait3A_1319 = tpu.memref_slice %arg5[%dma_wait3A_1317, %dma_wait3A_1318] : memref<32x1000000xf32, #tpu.memory_space<hbm>> -> memref<32x128xf32, #tpu.memory_space<hbm>>
      %dma_wait3A_1320 = arith.constant 0 : i32
      %dma_wait3A_1321 = arith.constant 0 : i32
      %dma_wait3A_1322 = tpu.memref_slice %arg12[%dma_wait3A_1312, %dma_wait3A_1320, %dma_wait3A_1321] : memref<8x32x128xf32, #tpu.memory_space<vmem>> -> memref<1x32x128xf32, #tpu.memory_space<vmem>>
      %dma_wait3A_1323 = tpu.memref_squeeze %dma_wait3A_1322 : memref<1x32x128xf32, #tpu.memory_space<vmem>> -> memref<32x128xf32, #tpu.memory_space<vmem>>
      %dma_wait3A_1324 = arith.constant 0 : i32
      %dma_wait3A_1325 = arith.constant 0 : i32
      %dma_wait3A_1326 = tpu.memref_slice %arg5[%dma_wait3A_1324, %dma_wait3A_1325] : memref<32x1000000xf32, #tpu.memory_space<hbm>> -> memref<32x128xf32, #tpu.memory_space<hbm>>
      tpu.wait_dma2 semaphore(%arg24 : memref<!tpu.dma_semaphore, #tpu.memory_space<semaphore_mem>>) src(%dma_wait3A_1326 : memref<32x128xf32, #tpu.memory_space<hbm>>) dst(%dma_wait3A_1323 : memref<32x128xf32, #tpu.memory_space<vmem>>)
      %slice3A_1327 = vector.extract_strided_slice %get3A_338 {offsets = [8], sizes = [1], strides = [1]} : vector<16xi32> to vector<1xi32>
      %squeeze3A_1328 = vector.extract %slice3A_1327[0] : i32 from vector<1xi32>
      %and3A_1329 = arith.constant 127 : i32
      %and3A_1330 = arith.andi %squeeze3A_1328, %and3A_1329 : i32
      %broadcast_in_dim3A_1331 = vector.broadcast %and3A_1330 : i32 to vector<16xi32>
      %slice3A_1332 = vector.extract_strided_slice %get3A_342 {offsets = [8], sizes = [1], strides = [1]} : vector<16xi32> to vector<1xi32>
      %squeeze3A_1333 = vector.extract %slice3A_1332[0] : i32 from vector<1xi32>
      %and3A_1334 = arith.constant 127 : i32
      %and3A_1335 = arith.andi %squeeze3A_1333, %and3A_1334 : i32
      %broadcast_in_dim3A_1336 = vector.broadcast %and3A_1335 : i32 to vector<16xi32>
      %gather3A_1337 = arith.constant 0 : i32
      %gather3A_1338 = arith.constant 0 : i32
      %gather3A_1339 = arith.constant 0 : i32
      %gather3A_1340 = tpu.memref_slice %arg11[%gather3A_1337, %gather3A_1338, %gather3A_1339] : memref<8x32x128xf32, #tpu.memory_space<vmem>> -> memref<1x32x128xf32, #tpu.memory_space<vmem>>
      %gather3A_1341 = tpu.memref_squeeze %gather3A_1340 : memref<1x32x128xf32, #tpu.memory_space<vmem>> -> memref<32x128xf32, #tpu.memory_space<vmem>>
      %gather3A_1342 = tpu.vector_load_idx %gather3A_1341[%iota3A, %broadcast_in_dim3A_1331] : memref<32x128xf32, #tpu.memory_space<vmem>>[vector<16xi32>, vector<16xi32>], vector<16xf32>,
      %gather3A_1343 = arith.constant 0 : i32
      %gather3A_1344 = arith.constant 0 : i32
      %gather3A_1345 = arith.constant 0 : i32
      %gather3A_1346 = tpu.memref_slice %arg11[%gather3A_1343, %gather3A_1344, %gather3A_1345] : memref<8x32x128xf32, #tpu.memory_space<vmem>> -> memref<1x32x128xf32, #tpu.memory_space<vmem>>
      %gather3A_1347 = tpu.memref_squeeze %gather3A_1346 : memref<1x32x128xf32, #tpu.memory_space<vmem>> -> memref<32x128xf32, #tpu.memory_space<vmem>>
      %gather3A_1348 = tpu.vector_load_idx %gather3A_1347[%add3A_10, %broadcast_in_dim3A_1331] : memref<32x128xf32, #tpu.memory_space<vmem>>[vector<16xi32>, vector<16xi32>], vector<16xf32>,
      %gather3A_1349 = arith.constant 0 : i32
      %gather3A_1350 = arith.constant 0 : i32
      %gather3A_1351 = arith.constant 0 : i32
      %gather3A_1352 = tpu.memref_slice %arg12[%gather3A_1349, %gather3A_1350, %gather3A_1351] : memref<8x32x128xf32, #tpu.memory_space<vmem>> -> memref<1x32x128xf32, #tpu.memory_space<vmem>>
      %gather3A_1353 = tpu.memref_squeeze %gather3A_1352 : memref<1x32x128xf32, #tpu.memory_space<vmem>> -> memref<32x128xf32, #tpu.memory_space<vmem>>
      %gather3A_1354 = tpu.vector_load_idx %gather3A_1353[%iota3A, %broadcast_in_dim3A_1336] : memref<32x128xf32, #tpu.memory_space<vmem>>[vector<16xi32>, vector<16xi32>], vector<16xf32>,
      %gather3A_1355 = arith.constant 0 : i32
      %gather3A_1356 = arith.constant 0 : i32
      %gather3A_1357 = arith.constant 0 : i32
      %gather3A_1358 = tpu.memref_slice %arg12[%gather3A_1355, %gather3A_1356, %gather3A_1357] : memref<8x32x128xf32, #tpu.memory_space<vmem>> -> memref<1x32x128xf32, #tpu.memory_space<vmem>>
      %gather3A_1359 = tpu.memref_squeeze %gather3A_1358 : memref<1x32x128xf32, #tpu.memory_space<vmem>> -> memref<32x128xf32, #tpu.memory_space<vmem>>
      %gather3A_1360 = tpu.vector_load_idx %gather3A_1359[%add3A_10, %broadcast_in_dim3A_1336] : memref<32x128xf32, #tpu.memory_space<vmem>>[vector<16xi32>, vector<16xi32>], vector<16xf32>,
      %mul3A_1361 = arith.mulf %gather3A_1354, %get3A_5 : vector<16xf32>
      %mul3A_1362 = arith.mulf %gather3A_1342, %mul3A_1361 : vector<16xf32>
      %mul3A_1363 = arith.mulf %gather3A_1360, %get3A_7 : vector<16xf32>
      %mul3A_1364 = arith.mulf %gather3A_1348, %mul3A_1363 : vector<16xf32>
      %add3A_1365 = arith.addf %mul3A_1362, %mul3A_1364 : vector<16xf32>
      %eq3A_1366 = arith.constant 8 : i32
      %eq3A_1367 = vector.broadcast %eq3A_1366 : i32 to vector<16xi32>
      %eq3A_1368 = arith.cmpi eq, %iota3A, %eq3A_1367 : vector<16xi32>
      %reduce_sum3A_1369 = arith.constant true
      %reduce_sum3A_1370 = vector.broadcast %reduce_sum3A_1369 : i1 to vector<16xi1>
      %reduce_sum3A_1371 = tpu.scan <sum>, %add3A_1365 masked %reduce_sum3A_1370 : vector<16xf32>, vector<16xi1> -> vector<16xf32>
      %reduce_sum3A_1372 = vector.extract %reduce_sum3A_1371[15] : f32 from vector<16xf32>
      %add3A_1373 = vector.broadcast %reduce_sum3A_1372 : f32 to vector<16xf32>
      %add3A_1374 = arith.addf %get3A_3, %add3A_1373 : vector<16xf32>
      %select_n3A_1375 = arith.select %eq3A_1368, %add3A_1374, %select_n3A_1256 : vector<16xi1>, vector<16xf32>
      %lt3A = arith.constant 31 : i32
      %lt3A_1376 = arith.cmpi slt, %scan3A_334, %lt3A : i32
      %convert_element_type3A = arith.extui %lt3A_1376 : i1 to i32
      %cond3A = arith.constant 0 : i32
      %cond3A_1377 = arith.cmpi ne, %convert_element_type3A, %cond3A : i32
      scf.if %cond3A_1377 {
        %slice3A_1969 = vector.extract_strided_slice %get3A_349 {offsets = [0], sizes = [1], strides = [1]} : vector<16xi32> to vector<1xi32>
        %squeeze3A_1970 = vector.extract %slice3A_1969[0] : i32 from vector<1xi32>
        %slice3A_1971 = vector.extract_strided_slice %get3A_351 {offsets = [0], sizes = [1], strides = [1]} : vector<16xi32> to vector<1xi32>
        %squeeze3A_1972 = vector.extract %slice3A_1971[0] : i32 from vector<1xi32>
        %shift_right_arithmetic3A_1973 = arith.constant 7 : i32
        %shift_right_arithmetic3A_1974 = arith.shrsi %squeeze3A_1970, %shift_right_arithmetic3A_1973 : i32
        %shift_left3A_1975 = arith.constant 7 : i32
        %shift_left3A_1976 = arith.shli %shift_right_arithmetic3A_1974, %shift_left3A_1975 : i32
        %multiple_of3A_1977 = tpu.assume_multiple %shift_left3A_1976, 128 : i32
        %shift_right_arithmetic3A_1978 = arith.constant 7 : i32
        %shift_right_arithmetic3A_1979 = arith.shrsi %squeeze3A_1972, %shift_right_arithmetic3A_1978 : i32
        %shift_left3A_1980 = arith.constant 7 : i32
        %shift_left3A_1981 = arith.shli %shift_right_arithmetic3A_1979, %shift_left3A_1980 : i32
        %multiple_of3A_1982 = tpu.assume_multiple %shift_left3A_1981, 128 : i32
        %dma_start3A_1983 = arith.constant 0 : i32
        %dma_start3A_1984 = arith.constant 0 : i32
        %dma_start3A_1985 = arith.constant 0 : i32
        %dma_start3A_1986 = tpu.memref_slice %arg11[%dma_start3A_1983, %dma_start3A_1984, %dma_start3A_1985] : memref<8x32x128xf32, #tpu.memory_space<vmem>> -> memref<1x32x128xf32, #tpu.memory_space<vmem>>
        %dma_start3A_1987 = tpu.memref_squeeze %dma_start3A_1986 : memref<1x32x128xf32, #tpu.memory_space<vmem>> -> memref<32x128xf32, #tpu.memory_space<vmem>>
        %dma_start3A_1988 = arith.constant 0 : i32
        %dma_start3A_1989 = tpu.memref_slice %arg4[%dma_start3A_1988, %multiple_of3A_1977] : memref<32x1000000xf32, #tpu.memory_space<hbm>> -> memref<32x128xf32, #tpu.memory_space<hbm>>
        %dma_start3A_1990 = arith.constant 0 : i32
        %dma_start3A_1991 = arith.constant 0 : i32
        %dma_start3A_1992 = tpu.memref_slice %arg11[%dma_start3A_1983, %dma_start3A_1990, %dma_start3A_1991] : memref<8x32x128xf32, #tpu.memory_space<vmem>> -> memref<1x32x128xf32, #tpu.memory_space<vmem>>
        %dma_start3A_1993 = tpu.memref_squeeze %dma_start3A_1992 : memref<1x32x128xf32, #tpu.memory_space<vmem>> -> memref<32x128xf32, #tpu.memory_space<vmem>>
        %dma_start3A_1994 = arith.constant 0 : i32
        %dma_start3A_1995 = tpu.memref_slice %arg4[%dma_start3A_1994, %multiple_of3A_1977] : memref<32x1000000xf32, #tpu.memory_space<hbm>> -> memref<32x128xf32, #tpu.memory_space<hbm>>
        tpu.enqueue_dma source(%dma_start3A_1995 : memref<32x128xf32, #tpu.memory_space<hbm>>) target(%dma_start3A_1993 : memref<32x128xf32, #tpu.memory_space<vmem>>) target_semaphore(%arg16 : memref<!tpu.dma_semaphore, #tpu.memory_space<semaphore_mem>>)
        %dma_start3A_1996 = arith.constant 0 : i32
        %dma_start3A_1997 = arith.constant 0 : i32
        %dma_start3A_1998 = arith.constant 0 : i32
        %dma_start3A_1999 = tpu.memref_slice %arg12[%dma_start3A_1996, %dma_start3A_1997, %dma_start3A_1998] : memref<8x32x128xf32, #tpu.memory_space<vmem>> -> memref<1x32x128xf32, #tpu.memory_space<vmem>>
        %dma_start3A_2000 = tpu.memref_squeeze %dma_start3A_1999 : memref<1x32x128xf32, #tpu.memory_space<vmem>> -> memref<32x128xf32, #tpu.memory_space<vmem>>
        %dma_start3A_2001 = arith.constant 0 : i32
        %dma_start3A_2002 = tpu.memref_slice %arg5[%dma_start3A_2001, %multiple_of3A_1982] : memref<32x1000000xf32, #tpu.memory_space<hbm>> -> memref<32x128xf32, #tpu.memory_space<hbm>>
        %dma_start3A_2003 = arith.constant 0 : i32
        %dma_start3A_2004 = arith.constant 0 : i32
        %dma_start3A_2005 = tpu.memref_slice %arg12[%dma_start3A_1996, %dma_start3A_2003, %dma_start3A_2004] : memref<8x32x128xf32, #tpu.memory_space<vmem>> -> memref<1x32x128xf32, #tpu.memory_space<vmem>>
        %dma_start3A_2006 = tpu.memref_squeeze %dma_start3A_2005 : memref<1x32x128xf32, #tpu.memory_space<vmem>> -> memref<32x128xf32, #tpu.memory_space<vmem>>
        %dma_start3A_2007 = arith.constant 0 : i32
        %dma_start3A_2008 = tpu.memref_slice %arg5[%dma_start3A_2007, %multiple_of3A_1982] : memref<32x1000000xf32, #tpu.memory_space<hbm>> -> memref<32x128xf32, #tpu.memory_space<hbm>>
        tpu.enqueue_dma source(%dma_start3A_2008 : memref<32x128xf32, #tpu.memory_space<hbm>>) target(%dma_start3A_2006 : memref<32x128xf32, #tpu.memory_space<vmem>>) target_semaphore(%arg24 : memref<!tpu.dma_semaphore, #tpu.memory_space<semaphore_mem>>)
      } else {
      }
      %dma_wait3A_1378 = arith.constant 1 : i32
      %dma_wait3A_1379 = arith.constant 0 : i32
      %dma_wait3A_1380 = arith.constant 0 : i32
      %dma_wait3A_1381 = tpu.memref_slice %arg11[%dma_wait3A_1378, %dma_wait3A_1379, %dma_wait3A_1380] : memref<8x32x128xf32, #tpu.memory_space<vmem>> -> memref<1x32x128xf32, #tpu.memory_space<vmem>>
      %dma_wait3A_1382 = tpu.memref_squeeze %dma_wait3A_1381 : memref<1x32x128xf32, #tpu.memory_space<vmem>> -> memref<32x128xf32, #tpu.memory_space<vmem>>
      %dma_wait3A_1383 = arith.constant 0 : i32
      %dma_wait3A_1384 = arith.constant 0 : i32
      %dma_wait3A_1385 = tpu.memref_slice %arg4[%dma_wait3A_1383, %dma_wait3A_1384] : memref<32x1000000xf32, #tpu.memory_space<hbm>> -> memref<32x128xf32, #tpu.memory_space<hbm>>
      %dma_wait3A_1386 = arith.constant 0 : i32
      %dma_wait3A_1387 = arith.constant 0 : i32
      %dma_wait3A_1388 = tpu.memref_slice %arg11[%dma_wait3A_1378, %dma_wait3A_1386, %dma_wait3A_1387] : memref<8x32x128xf32, #tpu.memory_space<vmem>> -> memref<1x32x128xf32, #tpu.memory_space<vmem>>
      %dma_wait3A_1389 = tpu.memref_squeeze %dma_wait3A_1388 : memref<1x32x128xf32, #tpu.memory_space<vmem>> -> memref<32x128xf32, #tpu.memory_space<vmem>>
      %dma_wait3A_1390 = arith.constant 0 : i32
      %dma_wait3A_1391 = arith.constant 0 : i32
      %dma_wait3A_1392 = tpu.memref_slice %arg4[%dma_wait3A_1390, %dma_wait3A_1391] : memref<32x1000000xf32, #tpu.memory_space<hbm>> -> memref<32x128xf32, #tpu.memory_space<hbm>>
      tpu.wait_dma2 semaphore(%arg17 : memref<!tpu.dma_semaphore, #tpu.memory_space<semaphore_mem>>) src(%dma_wait3A_1392 : memref<32x128xf32, #tpu.memory_space<hbm>>) dst(%dma_wait3A_1389 : memref<32x128xf32, #tpu.memory_space<vmem>>)
      %dma_wait3A_1393 = arith.constant 1 : i32
      %dma_wait3A_1394 = arith.constant 0 : i32
      %dma_wait3A_1395 = arith.constant 0 : i32
      %dma_wait3A_1396 = tpu.memref_slice %arg12[%dma_wait3A_1393, %dma_wait3A_1394, %dma_wait3A_1395] : memref<8x32x128xf32, #tpu.memory_space<vmem>> -> memref<1x32x128xf32, #tpu.memory_space<vmem>>
      %dma_wait3A_1397 = tpu.memref_squeeze %dma_wait3A_1396 : memref<1x32x128xf32, #tpu.memory_space<vmem>> -> memref<32x128xf32, #tpu.memory_space<vmem>>
      %dma_wait3A_1398 = arith.constant 0 : i32
      %dma_wait3A_1399 = arith.constant 0 : i32
      %dma_wait3A_1400 = tpu.memref_slice %arg5[%dma_wait3A_1398, %dma_wait3A_1399] : memref<32x1000000xf32, #tpu.memory_space<hbm>> -> memref<32x128xf32, #tpu.memory_space<hbm>>
      %dma_wait3A_1401 = arith.constant 0 : i32
      %dma_wait3A_1402 = arith.constant 0 : i32
      %dma_wait3A_1403 = tpu.memref_slice %arg12[%dma_wait3A_1393, %dma_wait3A_1401, %dma_wait3A_1402] : memref<8x32x128xf32, #tpu.memory_space<vmem>> -> memref<1x32x128xf32, #tpu.memory_space<vmem>>
      %dma_wait3A_1404 = tpu.memref_squeeze %dma_wait3A_1403 : memref<1x32x128xf32, #tpu.memory_space<vmem>> -> memref<32x128xf32, #tpu.memory_space<vmem>>
      %dma_wait3A_1405 = arith.constant 0 : i32
      %dma_wait3A_1406 = arith.constant 0 : i32
      %dma_wait3A_1407 = tpu.memref_slice %arg5[%dma_wait3A_1405, %dma_wait3A_1406] : memref<32x1000000xf32, #tpu.memory_space<hbm>> -> memref<32x128xf32, #tpu.memory_space<hbm>>
      tpu.wait_dma2 semaphore(%arg25 : memref<!tpu.dma_semaphore, #tpu.memory_space<semaphore_mem>>) src(%dma_wait3A_1407 : memref<32x128xf32, #tpu.memory_space<hbm>>) dst(%dma_wait3A_1404 : memref<32x128xf32, #tpu.memory_space<vmem>>)
      %slice3A_1408 = vector.extract_strided_slice %get3A_338 {offsets = [9], sizes = [1], strides = [1]} : vector<16xi32> to vector<1xi32>
      %squeeze3A_1409 = vector.extract %slice3A_1408[0] : i32 from vector<1xi32>
      %and3A_1410 = arith.constant 127 : i32
      %and3A_1411 = arith.andi %squeeze3A_1409, %and3A_1410 : i32
      %broadcast_in_dim3A_1412 = vector.broadcast %and3A_1411 : i32 to vector<16xi32>
      %slice3A_1413 = vector.extract_strided_slice %get3A_342 {offsets = [9], sizes = [1], strides = [1]} : vector<16xi32> to vector<1xi32>
      %squeeze3A_1414 = vector.extract %slice3A_1413[0] : i32 from vector<1xi32>
      %and3A_1415 = arith.constant 127 : i32
      %and3A_1416 = arith.andi %squeeze3A_1414, %and3A_1415 : i32
      %broadcast_in_dim3A_1417 = vector.broadcast %and3A_1416 : i32 to vector<16xi32>
      %gather3A_1418 = arith.constant 1 : i32
      %gather3A_1419 = arith.constant 0 : i32
      %gather3A_1420 = arith.constant 0 : i32
      %gather3A_1421 = tpu.memref_slice %arg11[%gather3A_1418, %gather3A_1419, %gather3A_1420] : memref<8x32x128xf32, #tpu.memory_space<vmem>> -> memref<1x32x128xf32, #tpu.memory_space<vmem>>
      %gather3A_1422 = tpu.memref_squeeze %gather3A_1421 : memref<1x32x128xf32, #tpu.memory_space<vmem>> -> memref<32x128xf32, #tpu.memory_space<vmem>>
      %gather3A_1423 = tpu.vector_load_idx %gather3A_1422[%iota3A, %broadcast_in_dim3A_1412] : memref<32x128xf32, #tpu.memory_space<vmem>>[vector<16xi32>, vector<16xi32>], vector<16xf32>,
      %gather3A_1424 = arith.constant 1 : i32
      %gather3A_1425 = arith.constant 0 : i32
      %gather3A_1426 = arith.constant 0 : i32
      %gather3A_1427 = tpu.memref_slice %arg11[%gather3A_1424, %gather3A_1425, %gather3A_1426] : memref<8x32x128xf32, #tpu.memory_space<vmem>> -> memref<1x32x128xf32, #tpu.memory_space<vmem>>
      %gather3A_1428 = tpu.memref_squeeze %gather3A_1427 : memref<1x32x128xf32, #tpu.memory_space<vmem>> -> memref<32x128xf32, #tpu.memory_space<vmem>>
      %gather3A_1429 = tpu.vector_load_idx %gather3A_1428[%add3A_10, %broadcast_in_dim3A_1412] : memref<32x128xf32, #tpu.memory_space<vmem>>[vector<16xi32>, vector<16xi32>], vector<16xf32>,
      %gather3A_1430 = arith.constant 1 : i32
      %gather3A_1431 = arith.constant 0 : i32
      %gather3A_1432 = arith.constant 0 : i32
      %gather3A_1433 = tpu.memref_slice %arg12[%gather3A_1430, %gather3A_1431, %gather3A_1432] : memref<8x32x128xf32, #tpu.memory_space<vmem>> -> memref<1x32x128xf32, #tpu.memory_space<vmem>>
      %gather3A_1434 = tpu.memref_squeeze %gather3A_1433 : memref<1x32x128xf32, #tpu.memory_space<vmem>> -> memref<32x128xf32, #tpu.memory_space<vmem>>
      %gather3A_1435 = tpu.vector_load_idx %gather3A_1434[%iota3A, %broadcast_in_dim3A_1417] : memref<32x128xf32, #tpu.memory_space<vmem>>[vector<16xi32>, vector<16xi32>], vector<16xf32>,
      %gather3A_1436 = arith.constant 1 : i32
      %gather3A_1437 = arith.constant 0 : i32
      %gather3A_1438 = arith.constant 0 : i32
      %gather3A_1439 = tpu.memref_slice %arg12[%gather3A_1436, %gather3A_1437, %gather3A_1438] : memref<8x32x128xf32, #tpu.memory_space<vmem>> -> memref<1x32x128xf32, #tpu.memory_space<vmem>>
      %gather3A_1440 = tpu.memref_squeeze %gather3A_1439 : memref<1x32x128xf32, #tpu.memory_space<vmem>> -> memref<32x128xf32, #tpu.memory_space<vmem>>
      %gather3A_1441 = tpu.vector_load_idx %gather3A_1440[%add3A_10, %broadcast_in_dim3A_1417] : memref<32x128xf32, #tpu.memory_space<vmem>>[vector<16xi32>, vector<16xi32>], vector<16xf32>,
      %mul3A_1442 = arith.mulf %gather3A_1435, %get3A_5 : vector<16xf32>
      %mul3A_1443 = arith.mulf %gather3A_1423, %mul3A_1442 : vector<16xf32>
      %mul3A_1444 = arith.mulf %gather3A_1441, %get3A_7 : vector<16xf32>
      %mul3A_1445 = arith.mulf %gather3A_1429, %mul3A_1444 : vector<16xf32>
      %add3A_1446 = arith.addf %mul3A_1443, %mul3A_1445 : vector<16xf32>
      %eq3A_1447 = arith.constant 9 : i32
      %eq3A_1448 = vector.broadcast %eq3A_1447 : i32 to vector<16xi32>
      %eq3A_1449 = arith.cmpi eq, %iota3A, %eq3A_1448 : vector<16xi32>
      %reduce_sum3A_1450 = arith.constant true
      %reduce_sum3A_1451 = vector.broadcast %reduce_sum3A_1450 : i1 to vector<16xi1>
      %reduce_sum3A_1452 = tpu.scan <sum>, %add3A_1446 masked %reduce_sum3A_1451 : vector<16xf32>, vector<16xi1> -> vector<16xf32>
      %reduce_sum3A_1453 = vector.extract %reduce_sum3A_1452[15] : f32 from vector<16xf32>
      %add3A_1454 = vector.broadcast %reduce_sum3A_1453 : f32 to vector<16xf32>
      %add3A_1455 = arith.addf %get3A_3, %add3A_1454 : vector<16xf32>
      %select_n3A_1456 = arith.select %eq3A_1449, %add3A_1455, %select_n3A_1375 : vector<16xi1>, vector<16xf32>
      %lt3A_1457 = arith.constant 31 : i32
      %lt3A_1458 = arith.cmpi slt, %scan3A_334, %lt3A_1457 : i32
      %convert_element_type3A_1459 = arith.extui %lt3A_1458 : i1 to i32
      %cond3A_1460 = arith.constant 0 : i32
      %cond3A_1461 = arith.cmpi ne, %convert_element_type3A_1459, %cond3A_1460 : i32
      scf.if %cond3A_1461 {
        %slice3A_1969 = vector.extract_strided_slice %get3A_349 {offsets = [1], sizes = [1], strides = [1]} : vector<16xi32> to vector<1xi32>
        %squeeze3A_1970 = vector.extract %slice3A_1969[0] : i32 from vector<1xi32>
        %slice3A_1971 = vector.extract_strided_slice %get3A_351 {offsets = [1], sizes = [1], strides = [1]} : vector<16xi32> to vector<1xi32>
        %squeeze3A_1972 = vector.extract %slice3A_1971[0] : i32 from vector<1xi32>
        %shift_right_arithmetic3A_1973 = arith.constant 7 : i32
        %shift_right_arithmetic3A_1974 = arith.shrsi %squeeze3A_1970, %shift_right_arithmetic3A_1973 : i32
        %shift_left3A_1975 = arith.constant 7 : i32
        %shift_left3A_1976 = arith.shli %shift_right_arithmetic3A_1974, %shift_left3A_1975 : i32
        %multiple_of3A_1977 = tpu.assume_multiple %shift_left3A_1976, 128 : i32
        %shift_right_arithmetic3A_1978 = arith.constant 7 : i32
        %shift_right_arithmetic3A_1979 = arith.shrsi %squeeze3A_1972, %shift_right_arithmetic3A_1978 : i32
        %shift_left3A_1980 = arith.constant 7 : i32
        %shift_left3A_1981 = arith.shli %shift_right_arithmetic3A_1979, %shift_left3A_1980 : i32
        %multiple_of3A_1982 = tpu.assume_multiple %shift_left3A_1981, 128 : i32
        %dma_start3A_1983 = arith.constant 1 : i32
        %dma_start3A_1984 = arith.constant 0 : i32
        %dma_start3A_1985 = arith.constant 0 : i32
        %dma_start3A_1986 = tpu.memref_slice %arg11[%dma_start3A_1983, %dma_start3A_1984, %dma_start3A_1985] : memref<8x32x128xf32, #tpu.memory_space<vmem>> -> memref<1x32x128xf32, #tpu.memory_space<vmem>>
        %dma_start3A_1987 = tpu.memref_squeeze %dma_start3A_1986 : memref<1x32x128xf32, #tpu.memory_space<vmem>> -> memref<32x128xf32, #tpu.memory_space<vmem>>
        %dma_start3A_1988 = arith.constant 0 : i32
        %dma_start3A_1989 = tpu.memref_slice %arg4[%dma_start3A_1988, %multiple_of3A_1977] : memref<32x1000000xf32, #tpu.memory_space<hbm>> -> memref<32x128xf32, #tpu.memory_space<hbm>>
        %dma_start3A_1990 = arith.constant 0 : i32
        %dma_start3A_1991 = arith.constant 0 : i32
        %dma_start3A_1992 = tpu.memref_slice %arg11[%dma_start3A_1983, %dma_start3A_1990, %dma_start3A_1991] : memref<8x32x128xf32, #tpu.memory_space<vmem>> -> memref<1x32x128xf32, #tpu.memory_space<vmem>>
        %dma_start3A_1993 = tpu.memref_squeeze %dma_start3A_1992 : memref<1x32x128xf32, #tpu.memory_space<vmem>> -> memref<32x128xf32, #tpu.memory_space<vmem>>
        %dma_start3A_1994 = arith.constant 0 : i32
        %dma_start3A_1995 = tpu.memref_slice %arg4[%dma_start3A_1994, %multiple_of3A_1977] : memref<32x1000000xf32, #tpu.memory_space<hbm>> -> memref<32x128xf32, #tpu.memory_space<hbm>>
        tpu.enqueue_dma source(%dma_start3A_1995 : memref<32x128xf32, #tpu.memory_space<hbm>>) target(%dma_start3A_1993 : memref<32x128xf32, #tpu.memory_space<vmem>>) target_semaphore(%arg17 : memref<!tpu.dma_semaphore, #tpu.memory_space<semaphore_mem>>)
        %dma_start3A_1996 = arith.constant 1 : i32
        %dma_start3A_1997 = arith.constant 0 : i32
        %dma_start3A_1998 = arith.constant 0 : i32
        %dma_start3A_1999 = tpu.memref_slice %arg12[%dma_start3A_1996, %dma_start3A_1997, %dma_start3A_1998] : memref<8x32x128xf32, #tpu.memory_space<vmem>> -> memref<1x32x128xf32, #tpu.memory_space<vmem>>
        %dma_start3A_2000 = tpu.memref_squeeze %dma_start3A_1999 : memref<1x32x128xf32, #tpu.memory_space<vmem>> -> memref<32x128xf32, #tpu.memory_space<vmem>>
        %dma_start3A_2001 = arith.constant 0 : i32
        %dma_start3A_2002 = tpu.memref_slice %arg5[%dma_start3A_2001, %multiple_of3A_1982] : memref<32x1000000xf32, #tpu.memory_space<hbm>> -> memref<32x128xf32, #tpu.memory_space<hbm>>
        %dma_start3A_2003 = arith.constant 0 : i32
        %dma_start3A_2004 = arith.constant 0 : i32
        %dma_start3A_2005 = tpu.memref_slice %arg12[%dma_start3A_1996, %dma_start3A_2003, %dma_start3A_2004] : memref<8x32x128xf32, #tpu.memory_space<vmem>> -> memref<1x32x128xf32, #tpu.memory_space<vmem>>
        %dma_start3A_2006 = tpu.memref_squeeze %dma_start3A_2005 : memref<1x32x128xf32, #tpu.memory_space<vmem>> -> memref<32x128xf32, #tpu.memory_space<vmem>>
        %dma_start3A_2007 = arith.constant 0 : i32
        %dma_start3A_2008 = tpu.memref_slice %arg5[%dma_start3A_2007, %multiple_of3A_1982] : memref<32x1000000xf32, #tpu.memory_space<hbm>> -> memref<32x128xf32, #tpu.memory_space<hbm>>
        tpu.enqueue_dma source(%dma_start3A_2008 : memref<32x128xf32, #tpu.memory_space<hbm>>) target(%dma_start3A_2006 : memref<32x128xf32, #tpu.memory_space<vmem>>) target_semaphore(%arg25 : memref<!tpu.dma_semaphore, #tpu.memory_space<semaphore_mem>>)
      } else {
      }
      %dma_wait3A_1462 = arith.constant 2 : i32
      %dma_wait3A_1463 = arith.constant 0 : i32
      %dma_wait3A_1464 = arith.constant 0 : i32
      %dma_wait3A_1465 = tpu.memref_slice %arg11[%dma_wait3A_1462, %dma_wait3A_1463, %dma_wait3A_1464] : memref<8x32x128xf32, #tpu.memory_space<vmem>> -> memref<1x32x128xf32, #tpu.memory_space<vmem>>
      %dma_wait3A_1466 = tpu.memref_squeeze %dma_wait3A_1465 : memref<1x32x128xf32, #tpu.memory_space<vmem>> -> memref<32x128xf32, #tpu.memory_space<vmem>>
      %dma_wait3A_1467 = arith.constant 0 : i32
      %dma_wait3A_1468 = arith.constant 0 : i32
      %dma_wait3A_1469 = tpu.memref_slice %arg4[%dma_wait3A_1467, %dma_wait3A_1468] : memref<32x1000000xf32, #tpu.memory_space<hbm>> -> memref<32x128xf32, #tpu.memory_space<hbm>>
      %dma_wait3A_1470 = arith.constant 0 : i32
      %dma_wait3A_1471 = arith.constant 0 : i32
      %dma_wait3A_1472 = tpu.memref_slice %arg11[%dma_wait3A_1462, %dma_wait3A_1470, %dma_wait3A_1471] : memref<8x32x128xf32, #tpu.memory_space<vmem>> -> memref<1x32x128xf32, #tpu.memory_space<vmem>>
      %dma_wait3A_1473 = tpu.memref_squeeze %dma_wait3A_1472 : memref<1x32x128xf32, #tpu.memory_space<vmem>> -> memref<32x128xf32, #tpu.memory_space<vmem>>
      %dma_wait3A_1474 = arith.constant 0 : i32
      %dma_wait3A_1475 = arith.constant 0 : i32
      %dma_wait3A_1476 = tpu.memref_slice %arg4[%dma_wait3A_1474, %dma_wait3A_1475] : memref<32x1000000xf32, #tpu.memory_space<hbm>> -> memref<32x128xf32, #tpu.memory_space<hbm>>
      tpu.wait_dma2 semaphore(%arg18 : memref<!tpu.dma_semaphore, #tpu.memory_space<semaphore_mem>>) src(%dma_wait3A_1476 : memref<32x128xf32, #tpu.memory_space<hbm>>) dst(%dma_wait3A_1473 : memref<32x128xf32, #tpu.memory_space<vmem>>)
      %dma_wait3A_1477 = arith.constant 2 : i32
      %dma_wait3A_1478 = arith.constant 0 : i32
      %dma_wait3A_1479 = arith.constant 0 : i32
      %dma_wait3A_1480 = tpu.memref_slice %arg12[%dma_wait3A_1477, %dma_wait3A_1478, %dma_wait3A_1479] : memref<8x32x128xf32, #tpu.memory_space<vmem>> -> memref<1x32x128xf32, #tpu.memory_space<vmem>>
      %dma_wait3A_1481 = tpu.memref_squeeze %dma_wait3A_1480 : memref<1x32x128xf32, #tpu.memory_space<vmem>> -> memref<32x128xf32, #tpu.memory_space<vmem>>
      %dma_wait3A_1482 = arith.constant 0 : i32
      %dma_wait3A_1483 = arith.constant 0 : i32
      %dma_wait3A_1484 = tpu.memref_slice %arg5[%dma_wait3A_1482, %dma_wait3A_1483] : memref<32x1000000xf32, #tpu.memory_space<hbm>> -> memref<32x128xf32, #tpu.memory_space<hbm>>
      %dma_wait3A_1485 = arith.constant 0 : i32
      %dma_wait3A_1486 = arith.constant 0 : i32
      %dma_wait3A_1487 = tpu.memref_slice %arg12[%dma_wait3A_1477, %dma_wait3A_1485, %dma_wait3A_1486] : memref<8x32x128xf32, #tpu.memory_space<vmem>> -> memref<1x32x128xf32, #tpu.memory_space<vmem>>
      %dma_wait3A_1488 = tpu.memref_squeeze %dma_wait3A_1487 : memref<1x32x128xf32, #tpu.memory_space<vmem>> -> memref<32x128xf32, #tpu.memory_space<vmem>>
      %dma_wait3A_1489 = arith.constant 0 : i32
      %dma_wait3A_1490 = arith.constant 0 : i32
      %dma_wait3A_1491 = tpu.memref_slice %arg5[%dma_wait3A_1489, %dma_wait3A_1490] : memref<32x1000000xf32, #tpu.memory_space<hbm>> -> memref<32x128xf32, #tpu.memory_space<hbm>>
      tpu.wait_dma2 semaphore(%arg26 : memref<!tpu.dma_semaphore, #tpu.memory_space<semaphore_mem>>) src(%dma_wait3A_1491 : memref<32x128xf32, #tpu.memory_space<hbm>>) dst(%dma_wait3A_1488 : memref<32x128xf32, #tpu.memory_space<vmem>>)
      %slice3A_1492 = vector.extract_strided_slice %get3A_338 {offsets = [10], sizes = [1], strides = [1]} : vector<16xi32> to vector<1xi32>
      %squeeze3A_1493 = vector.extract %slice3A_1492[0] : i32 from vector<1xi32>
      %and3A_1494 = arith.constant 127 : i32
      %and3A_1495 = arith.andi %squeeze3A_1493, %and3A_1494 : i32
      %broadcast_in_dim3A_1496 = vector.broadcast %and3A_1495 : i32 to vector<16xi32>
      %slice3A_1497 = vector.extract_strided_slice %get3A_342 {offsets = [10], sizes = [1], strides = [1]} : vector<16xi32> to vector<1xi32>
      %squeeze3A_1498 = vector.extract %slice3A_1497[0] : i32 from vector<1xi32>
      %and3A_1499 = arith.constant 127 : i32
      %and3A_1500 = arith.andi %squeeze3A_1498, %and3A_1499 : i32
      %broadcast_in_dim3A_1501 = vector.broadcast %and3A_1500 : i32 to vector<16xi32>
      %gather3A_1502 = arith.constant 2 : i32
      %gather3A_1503 = arith.constant 0 : i32
      %gather3A_1504 = arith.constant 0 : i32
      %gather3A_1505 = tpu.memref_slice %arg11[%gather3A_1502, %gather3A_1503, %gather3A_1504] : memref<8x32x128xf32, #tpu.memory_space<vmem>> -> memref<1x32x128xf32, #tpu.memory_space<vmem>>
      %gather3A_1506 = tpu.memref_squeeze %gather3A_1505 : memref<1x32x128xf32, #tpu.memory_space<vmem>> -> memref<32x128xf32, #tpu.memory_space<vmem>>
      %gather3A_1507 = tpu.vector_load_idx %gather3A_1506[%iota3A, %broadcast_in_dim3A_1496] : memref<32x128xf32, #tpu.memory_space<vmem>>[vector<16xi32>, vector<16xi32>], vector<16xf32>,
      %gather3A_1508 = arith.constant 2 : i32
      %gather3A_1509 = arith.constant 0 : i32
      %gather3A_1510 = arith.constant 0 : i32
      %gather3A_1511 = tpu.memref_slice %arg11[%gather3A_1508, %gather3A_1509, %gather3A_1510] : memref<8x32x128xf32, #tpu.memory_space<vmem>> -> memref<1x32x128xf32, #tpu.memory_space<vmem>>
      %gather3A_1512 = tpu.memref_squeeze %gather3A_1511 : memref<1x32x128xf32, #tpu.memory_space<vmem>> -> memref<32x128xf32, #tpu.memory_space<vmem>>
      %gather3A_1513 = tpu.vector_load_idx %gather3A_1512[%add3A_10, %broadcast_in_dim3A_1496] : memref<32x128xf32, #tpu.memory_space<vmem>>[vector<16xi32>, vector<16xi32>], vector<16xf32>,
      %gather3A_1514 = arith.constant 2 : i32
      %gather3A_1515 = arith.constant 0 : i32
      %gather3A_1516 = arith.constant 0 : i32
      %gather3A_1517 = tpu.memref_slice %arg12[%gather3A_1514, %gather3A_1515, %gather3A_1516] : memref<8x32x128xf32, #tpu.memory_space<vmem>> -> memref<1x32x128xf32, #tpu.memory_space<vmem>>
      %gather3A_1518 = tpu.memref_squeeze %gather3A_1517 : memref<1x32x128xf32, #tpu.memory_space<vmem>> -> memref<32x128xf32, #tpu.memory_space<vmem>>
      %gather3A_1519 = tpu.vector_load_idx %gather3A_1518[%iota3A, %broadcast_in_dim3A_1501] : memref<32x128xf32, #tpu.memory_space<vmem>>[vector<16xi32>, vector<16xi32>], vector<16xf32>,
      %gather3A_1520 = arith.constant 2 : i32
      %gather3A_1521 = arith.constant 0 : i32
      %gather3A_1522 = arith.constant 0 : i32
      %gather3A_1523 = tpu.memref_slice %arg12[%gather3A_1520, %gather3A_1521, %gather3A_1522] : memref<8x32x128xf32, #tpu.memory_space<vmem>> -> memref<1x32x128xf32, #tpu.memory_space<vmem>>
      %gather3A_1524 = tpu.memref_squeeze %gather3A_1523 : memref<1x32x128xf32, #tpu.memory_space<vmem>> -> memref<32x128xf32, #tpu.memory_space<vmem>>
      %gather3A_1525 = tpu.vector_load_idx %gather3A_1524[%add3A_10, %broadcast_in_dim3A_1501] : memref<32x128xf32, #tpu.memory_space<vmem>>[vector<16xi32>, vector<16xi32>], vector<16xf32>,
      %mul3A_1526 = arith.mulf %gather3A_1519, %get3A_5 : vector<16xf32>
      %mul3A_1527 = arith.mulf %gather3A_1507, %mul3A_1526 : vector<16xf32>
      %mul3A_1528 = arith.mulf %gather3A_1525, %get3A_7 : vector<16xf32>
      %mul3A_1529 = arith.mulf %gather3A_1513, %mul3A_1528 : vector<16xf32>
      %add3A_1530 = arith.addf %mul3A_1527, %mul3A_1529 : vector<16xf32>
      %eq3A_1531 = arith.constant 10 : i32
      %eq3A_1532 = vector.broadcast %eq3A_1531 : i32 to vector<16xi32>
      %eq3A_1533 = arith.cmpi eq, %iota3A, %eq3A_1532 : vector<16xi32>
      %reduce_sum3A_1534 = arith.constant true
      %reduce_sum3A_1535 = vector.broadcast %reduce_sum3A_1534 : i1 to vector<16xi1>
      %reduce_sum3A_1536 = tpu.scan <sum>, %add3A_1530 masked %reduce_sum3A_1535 : vector<16xf32>, vector<16xi1> -> vector<16xf32>
      %reduce_sum3A_1537 = vector.extract %reduce_sum3A_1536[15] : f32 from vector<16xf32>
      %add3A_1538 = vector.broadcast %reduce_sum3A_1537 : f32 to vector<16xf32>
      %add3A_1539 = arith.addf %get3A_3, %add3A_1538 : vector<16xf32>
      %select_n3A_1540 = arith.select %eq3A_1533, %add3A_1539, %select_n3A_1456 : vector<16xi1>, vector<16xf32>
      %lt3A_1541 = arith.constant 31 : i32
      %lt3A_1542 = arith.cmpi slt, %scan3A_334, %lt3A_1541 : i32
      %convert_element_type3A_1543 = arith.extui %lt3A_1542 : i1 to i32
      %cond3A_1544 = arith.constant 0 : i32
      %cond3A_1545 = arith.cmpi ne, %convert_element_type3A_1543, %cond3A_1544 : i32
      scf.if %cond3A_1545 {
        %slice3A_1969 = vector.extract_strided_slice %get3A_349 {offsets = [2], sizes = [1], strides = [1]} : vector<16xi32> to vector<1xi32>
        %squeeze3A_1970 = vector.extract %slice3A_1969[0] : i32 from vector<1xi32>
        %slice3A_1971 = vector.extract_strided_slice %get3A_351 {offsets = [2], sizes = [1], strides = [1]} : vector<16xi32> to vector<1xi32>
        %squeeze3A_1972 = vector.extract %slice3A_1971[0] : i32 from vector<1xi32>
        %shift_right_arithmetic3A_1973 = arith.constant 7 : i32
        %shift_right_arithmetic3A_1974 = arith.shrsi %squeeze3A_1970, %shift_right_arithmetic3A_1973 : i32
        %shift_left3A_1975 = arith.constant 7 : i32
        %shift_left3A_1976 = arith.shli %shift_right_arithmetic3A_1974, %shift_left3A_1975 : i32
        %multiple_of3A_1977 = tpu.assume_multiple %shift_left3A_1976, 128 : i32
        %shift_right_arithmetic3A_1978 = arith.constant 7 : i32
        %shift_right_arithmetic3A_1979 = arith.shrsi %squeeze3A_1972, %shift_right_arithmetic3A_1978 : i32
        %shift_left3A_1980 = arith.constant 7 : i32
        %shift_left3A_1981 = arith.shli %shift_right_arithmetic3A_1979, %shift_left3A_1980 : i32
        %multiple_of3A_1982 = tpu.assume_multiple %shift_left3A_1981, 128 : i32
        %dma_start3A_1983 = arith.constant 2 : i32
        %dma_start3A_1984 = arith.constant 0 : i32
        %dma_start3A_1985 = arith.constant 0 : i32
        %dma_start3A_1986 = tpu.memref_slice %arg11[%dma_start3A_1983, %dma_start3A_1984, %dma_start3A_1985] : memref<8x32x128xf32, #tpu.memory_space<vmem>> -> memref<1x32x128xf32, #tpu.memory_space<vmem>>
        %dma_start3A_1987 = tpu.memref_squeeze %dma_start3A_1986 : memref<1x32x128xf32, #tpu.memory_space<vmem>> -> memref<32x128xf32, #tpu.memory_space<vmem>>
        %dma_start3A_1988 = arith.constant 0 : i32
        %dma_start3A_1989 = tpu.memref_slice %arg4[%dma_start3A_1988, %multiple_of3A_1977] : memref<32x1000000xf32, #tpu.memory_space<hbm>> -> memref<32x128xf32, #tpu.memory_space<hbm>>
        %dma_start3A_1990 = arith.constant 0 : i32
        %dma_start3A_1991 = arith.constant 0 : i32
        %dma_start3A_1992 = tpu.memref_slice %arg11[%dma_start3A_1983, %dma_start3A_1990, %dma_start3A_1991] : memref<8x32x128xf32, #tpu.memory_space<vmem>> -> memref<1x32x128xf32, #tpu.memory_space<vmem>>
        %dma_start3A_1993 = tpu.memref_squeeze %dma_start3A_1992 : memref<1x32x128xf32, #tpu.memory_space<vmem>> -> memref<32x128xf32, #tpu.memory_space<vmem>>
        %dma_start3A_1994 = arith.constant 0 : i32
        %dma_start3A_1995 = tpu.memref_slice %arg4[%dma_start3A_1994, %multiple_of3A_1977] : memref<32x1000000xf32, #tpu.memory_space<hbm>> -> memref<32x128xf32, #tpu.memory_space<hbm>>
        tpu.enqueue_dma source(%dma_start3A_1995 : memref<32x128xf32, #tpu.memory_space<hbm>>) target(%dma_start3A_1993 : memref<32x128xf32, #tpu.memory_space<vmem>>) target_semaphore(%arg18 : memref<!tpu.dma_semaphore, #tpu.memory_space<semaphore_mem>>)
        %dma_start3A_1996 = arith.constant 2 : i32
        %dma_start3A_1997 = arith.constant 0 : i32
        %dma_start3A_1998 = arith.constant 0 : i32
        %dma_start3A_1999 = tpu.memref_slice %arg12[%dma_start3A_1996, %dma_start3A_1997, %dma_start3A_1998] : memref<8x32x128xf32, #tpu.memory_space<vmem>> -> memref<1x32x128xf32, #tpu.memory_space<vmem>>
        %dma_start3A_2000 = tpu.memref_squeeze %dma_start3A_1999 : memref<1x32x128xf32, #tpu.memory_space<vmem>> -> memref<32x128xf32, #tpu.memory_space<vmem>>
        %dma_start3A_2001 = arith.constant 0 : i32
        %dma_start3A_2002 = tpu.memref_slice %arg5[%dma_start3A_2001, %multiple_of3A_1982] : memref<32x1000000xf32, #tpu.memory_space<hbm>> -> memref<32x128xf32, #tpu.memory_space<hbm>>
        %dma_start3A_2003 = arith.constant 0 : i32
        %dma_start3A_2004 = arith.constant 0 : i32
        %dma_start3A_2005 = tpu.memref_slice %arg12[%dma_start3A_1996, %dma_start3A_2003, %dma_start3A_2004] : memref<8x32x128xf32, #tpu.memory_space<vmem>> -> memref<1x32x128xf32, #tpu.memory_space<vmem>>
        %dma_start3A_2006 = tpu.memref_squeeze %dma_start3A_2005 : memref<1x32x128xf32, #tpu.memory_space<vmem>> -> memref<32x128xf32, #tpu.memory_space<vmem>>
        %dma_start3A_2007 = arith.constant 0 : i32
        %dma_start3A_2008 = tpu.memref_slice %arg5[%dma_start3A_2007, %multiple_of3A_1982] : memref<32x1000000xf32, #tpu.memory_space<hbm>> -> memref<32x128xf32, #tpu.memory_space<hbm>>
        tpu.enqueue_dma source(%dma_start3A_2008 : memref<32x128xf32, #tpu.memory_space<hbm>>) target(%dma_start3A_2006 : memref<32x128xf32, #tpu.memory_space<vmem>>) target_semaphore(%arg26 : memref<!tpu.dma_semaphore, #tpu.memory_space<semaphore_mem>>)
      } else {
      }
      %dma_wait3A_1546 = arith.constant 3 : i32
      %dma_wait3A_1547 = arith.constant 0 : i32
      %dma_wait3A_1548 = arith.constant 0 : i32
      %dma_wait3A_1549 = tpu.memref_slice %arg11[%dma_wait3A_1546, %dma_wait3A_1547, %dma_wait3A_1548] : memref<8x32x128xf32, #tpu.memory_space<vmem>> -> memref<1x32x128xf32, #tpu.memory_space<vmem>>
      %dma_wait3A_1550 = tpu.memref_squeeze %dma_wait3A_1549 : memref<1x32x128xf32, #tpu.memory_space<vmem>> -> memref<32x128xf32, #tpu.memory_space<vmem>>
      %dma_wait3A_1551 = arith.constant 0 : i32
      %dma_wait3A_1552 = arith.constant 0 : i32
      %dma_wait3A_1553 = tpu.memref_slice %arg4[%dma_wait3A_1551, %dma_wait3A_1552] : memref<32x1000000xf32, #tpu.memory_space<hbm>> -> memref<32x128xf32, #tpu.memory_space<hbm>>
      %dma_wait3A_1554 = arith.constant 0 : i32
      %dma_wait3A_1555 = arith.constant 0 : i32
      %dma_wait3A_1556 = tpu.memref_slice %arg11[%dma_wait3A_1546, %dma_wait3A_1554, %dma_wait3A_1555] : memref<8x32x128xf32, #tpu.memory_space<vmem>> -> memref<1x32x128xf32, #tpu.memory_space<vmem>>
      %dma_wait3A_1557 = tpu.memref_squeeze %dma_wait3A_1556 : memref<1x32x128xf32, #tpu.memory_space<vmem>> -> memref<32x128xf32, #tpu.memory_space<vmem>>
      %dma_wait3A_1558 = arith.constant 0 : i32
      %dma_wait3A_1559 = arith.constant 0 : i32
      %dma_wait3A_1560 = tpu.memref_slice %arg4[%dma_wait3A_1558, %dma_wait3A_1559] : memref<32x1000000xf32, #tpu.memory_space<hbm>> -> memref<32x128xf32, #tpu.memory_space<hbm>>
      tpu.wait_dma2 semaphore(%arg19 : memref<!tpu.dma_semaphore, #tpu.memory_space<semaphore_mem>>) src(%dma_wait3A_1560 : memref<32x128xf32, #tpu.memory_space<hbm>>) dst(%dma_wait3A_1557 : memref<32x128xf32, #tpu.memory_space<vmem>>)
      %dma_wait3A_1561 = arith.constant 3 : i32
      %dma_wait3A_1562 = arith.constant 0 : i32
      %dma_wait3A_1563 = arith.constant 0 : i32
      %dma_wait3A_1564 = tpu.memref_slice %arg12[%dma_wait3A_1561, %dma_wait3A_1562, %dma_wait3A_1563] : memref<8x32x128xf32, #tpu.memory_space<vmem>> -> memref<1x32x128xf32, #tpu.memory_space<vmem>>
      %dma_wait3A_1565 = tpu.memref_squeeze %dma_wait3A_1564 : memref<1x32x128xf32, #tpu.memory_space<vmem>> -> memref<32x128xf32, #tpu.memory_space<vmem>>
      %dma_wait3A_1566 = arith.constant 0 : i32
      %dma_wait3A_1567 = arith.constant 0 : i32
      %dma_wait3A_1568 = tpu.memref_slice %arg5[%dma_wait3A_1566, %dma_wait3A_1567] : memref<32x1000000xf32, #tpu.memory_space<hbm>> -> memref<32x128xf32, #tpu.memory_space<hbm>>
      %dma_wait3A_1569 = arith.constant 0 : i32
      %dma_wait3A_1570 = arith.constant 0 : i32
      %dma_wait3A_1571 = tpu.memref_slice %arg12[%dma_wait3A_1561, %dma_wait3A_1569, %dma_wait3A_1570] : memref<8x32x128xf32, #tpu.memory_space<vmem>> -> memref<1x32x128xf32, #tpu.memory_space<vmem>>
      %dma_wait3A_1572 = tpu.memref_squeeze %dma_wait3A_1571 : memref<1x32x128xf32, #tpu.memory_space<vmem>> -> memref<32x128xf32, #tpu.memory_space<vmem>>
      %dma_wait3A_1573 = arith.constant 0 : i32
      %dma_wait3A_1574 = arith.constant 0 : i32
      %dma_wait3A_1575 = tpu.memref_slice %arg5[%dma_wait3A_1573, %dma_wait3A_1574] : memref<32x1000000xf32, #tpu.memory_space<hbm>> -> memref<32x128xf32, #tpu.memory_space<hbm>>
      tpu.wait_dma2 semaphore(%arg27 : memref<!tpu.dma_semaphore, #tpu.memory_space<semaphore_mem>>) src(%dma_wait3A_1575 : memref<32x128xf32, #tpu.memory_space<hbm>>) dst(%dma_wait3A_1572 : memref<32x128xf32, #tpu.memory_space<vmem>>)
      %slice3A_1576 = vector.extract_strided_slice %get3A_338 {offsets = [11], sizes = [1], strides = [1]} : vector<16xi32> to vector<1xi32>
      %squeeze3A_1577 = vector.extract %slice3A_1576[0] : i32 from vector<1xi32>
      %and3A_1578 = arith.constant 127 : i32
      %and3A_1579 = arith.andi %squeeze3A_1577, %and3A_1578 : i32
      %broadcast_in_dim3A_1580 = vector.broadcast %and3A_1579 : i32 to vector<16xi32>
      %slice3A_1581 = vector.extract_strided_slice %get3A_342 {offsets = [11], sizes = [1], strides = [1]} : vector<16xi32> to vector<1xi32>
      %squeeze3A_1582 = vector.extract %slice3A_1581[0] : i32 from vector<1xi32>
      %and3A_1583 = arith.constant 127 : i32
      %and3A_1584 = arith.andi %squeeze3A_1582, %and3A_1583 : i32
      %broadcast_in_dim3A_1585 = vector.broadcast %and3A_1584 : i32 to vector<16xi32>
      %gather3A_1586 = arith.constant 3 : i32
      %gather3A_1587 = arith.constant 0 : i32
      %gather3A_1588 = arith.constant 0 : i32
      %gather3A_1589 = tpu.memref_slice %arg11[%gather3A_1586, %gather3A_1587, %gather3A_1588] : memref<8x32x128xf32, #tpu.memory_space<vmem>> -> memref<1x32x128xf32, #tpu.memory_space<vmem>>
      %gather3A_1590 = tpu.memref_squeeze %gather3A_1589 : memref<1x32x128xf32, #tpu.memory_space<vmem>> -> memref<32x128xf32, #tpu.memory_space<vmem>>
      %gather3A_1591 = tpu.vector_load_idx %gather3A_1590[%iota3A, %broadcast_in_dim3A_1580] : memref<32x128xf32, #tpu.memory_space<vmem>>[vector<16xi32>, vector<16xi32>], vector<16xf32>,
      %gather3A_1592 = arith.constant 3 : i32
      %gather3A_1593 = arith.constant 0 : i32
      %gather3A_1594 = arith.constant 0 : i32
      %gather3A_1595 = tpu.memref_slice %arg11[%gather3A_1592, %gather3A_1593, %gather3A_1594] : memref<8x32x128xf32, #tpu.memory_space<vmem>> -> memref<1x32x128xf32, #tpu.memory_space<vmem>>
      %gather3A_1596 = tpu.memref_squeeze %gather3A_1595 : memref<1x32x128xf32, #tpu.memory_space<vmem>> -> memref<32x128xf32, #tpu.memory_space<vmem>>
      %gather3A_1597 = tpu.vector_load_idx %gather3A_1596[%add3A_10, %broadcast_in_dim3A_1580] : memref<32x128xf32, #tpu.memory_space<vmem>>[vector<16xi32>, vector<16xi32>], vector<16xf32>,
      %gather3A_1598 = arith.constant 3 : i32
      %gather3A_1599 = arith.constant 0 : i32
      %gather3A_1600 = arith.constant 0 : i32
      %gather3A_1601 = tpu.memref_slice %arg12[%gather3A_1598, %gather3A_1599, %gather3A_1600] : memref<8x32x128xf32, #tpu.memory_space<vmem>> -> memref<1x32x128xf32, #tpu.memory_space<vmem>>
      %gather3A_1602 = tpu.memref_squeeze %gather3A_1601 : memref<1x32x128xf32, #tpu.memory_space<vmem>> -> memref<32x128xf32, #tpu.memory_space<vmem>>
      %gather3A_1603 = tpu.vector_load_idx %gather3A_1602[%iota3A, %broadcast_in_dim3A_1585] : memref<32x128xf32, #tpu.memory_space<vmem>>[vector<16xi32>, vector<16xi32>], vector<16xf32>,
      %gather3A_1604 = arith.constant 3 : i32
      %gather3A_1605 = arith.constant 0 : i32
      %gather3A_1606 = arith.constant 0 : i32
      %gather3A_1607 = tpu.memref_slice %arg12[%gather3A_1604, %gather3A_1605, %gather3A_1606] : memref<8x32x128xf32, #tpu.memory_space<vmem>> -> memref<1x32x128xf32, #tpu.memory_space<vmem>>
      %gather3A_1608 = tpu.memref_squeeze %gather3A_1607 : memref<1x32x128xf32, #tpu.memory_space<vmem>> -> memref<32x128xf32, #tpu.memory_space<vmem>>
      %gather3A_1609 = tpu.vector_load_idx %gather3A_1608[%add3A_10, %broadcast_in_dim3A_1585] : memref<32x128xf32, #tpu.memory_space<vmem>>[vector<16xi32>, vector<16xi32>], vector<16xf32>,
      %mul3A_1610 = arith.mulf %gather3A_1603, %get3A_5 : vector<16xf32>
      %mul3A_1611 = arith.mulf %gather3A_1591, %mul3A_1610 : vector<16xf32>
      %mul3A_1612 = arith.mulf %gather3A_1609, %get3A_7 : vector<16xf32>
      %mul3A_1613 = arith.mulf %gather3A_1597, %mul3A_1612 : vector<16xf32>
      %add3A_1614 = arith.addf %mul3A_1611, %mul3A_1613 : vector<16xf32>
      %eq3A_1615 = arith.constant 11 : i32
      %eq3A_1616 = vector.broadcast %eq3A_1615 : i32 to vector<16xi32>
      %eq3A_1617 = arith.cmpi eq, %iota3A, %eq3A_1616 : vector<16xi32>
      %reduce_sum3A_1618 = arith.constant true
      %reduce_sum3A_1619 = vector.broadcast %reduce_sum3A_1618 : i1 to vector<16xi1>
      %reduce_sum3A_1620 = tpu.scan <sum>, %add3A_1614 masked %reduce_sum3A_1619 : vector<16xf32>, vector<16xi1> -> vector<16xf32>
      %reduce_sum3A_1621 = vector.extract %reduce_sum3A_1620[15] : f32 from vector<16xf32>
      %add3A_1622 = vector.broadcast %reduce_sum3A_1621 : f32 to vector<16xf32>
      %add3A_1623 = arith.addf %get3A_3, %add3A_1622 : vector<16xf32>
      %select_n3A_1624 = arith.select %eq3A_1617, %add3A_1623, %select_n3A_1540 : vector<16xi1>, vector<16xf32>
      %lt3A_1625 = arith.constant 31 : i32
      %lt3A_1626 = arith.cmpi slt, %scan3A_334, %lt3A_1625 : i32
      %convert_element_type3A_1627 = arith.extui %lt3A_1626 : i1 to i32
      %cond3A_1628 = arith.constant 0 : i32
      %cond3A_1629 = arith.cmpi ne, %convert_element_type3A_1627, %cond3A_1628 : i32
      scf.if %cond3A_1629 {
        %slice3A_1969 = vector.extract_strided_slice %get3A_349 {offsets = [3], sizes = [1], strides = [1]} : vector<16xi32> to vector<1xi32>
        %squeeze3A_1970 = vector.extract %slice3A_1969[0] : i32 from vector<1xi32>
        %slice3A_1971 = vector.extract_strided_slice %get3A_351 {offsets = [3], sizes = [1], strides = [1]} : vector<16xi32> to vector<1xi32>
        %squeeze3A_1972 = vector.extract %slice3A_1971[0] : i32 from vector<1xi32>
        %shift_right_arithmetic3A_1973 = arith.constant 7 : i32
        %shift_right_arithmetic3A_1974 = arith.shrsi %squeeze3A_1970, %shift_right_arithmetic3A_1973 : i32
        %shift_left3A_1975 = arith.constant 7 : i32
        %shift_left3A_1976 = arith.shli %shift_right_arithmetic3A_1974, %shift_left3A_1975 : i32
        %multiple_of3A_1977 = tpu.assume_multiple %shift_left3A_1976, 128 : i32
        %shift_right_arithmetic3A_1978 = arith.constant 7 : i32
        %shift_right_arithmetic3A_1979 = arith.shrsi %squeeze3A_1972, %shift_right_arithmetic3A_1978 : i32
        %shift_left3A_1980 = arith.constant 7 : i32
        %shift_left3A_1981 = arith.shli %shift_right_arithmetic3A_1979, %shift_left3A_1980 : i32
        %multiple_of3A_1982 = tpu.assume_multiple %shift_left3A_1981, 128 : i32
        %dma_start3A_1983 = arith.constant 3 : i32
        %dma_start3A_1984 = arith.constant 0 : i32
        %dma_start3A_1985 = arith.constant 0 : i32
        %dma_start3A_1986 = tpu.memref_slice %arg11[%dma_start3A_1983, %dma_start3A_1984, %dma_start3A_1985] : memref<8x32x128xf32, #tpu.memory_space<vmem>> -> memref<1x32x128xf32, #tpu.memory_space<vmem>>
        %dma_start3A_1987 = tpu.memref_squeeze %dma_start3A_1986 : memref<1x32x128xf32, #tpu.memory_space<vmem>> -> memref<32x128xf32, #tpu.memory_space<vmem>>
        %dma_start3A_1988 = arith.constant 0 : i32
        %dma_start3A_1989 = tpu.memref_slice %arg4[%dma_start3A_1988, %multiple_of3A_1977] : memref<32x1000000xf32, #tpu.memory_space<hbm>> -> memref<32x128xf32, #tpu.memory_space<hbm>>
        %dma_start3A_1990 = arith.constant 0 : i32
        %dma_start3A_1991 = arith.constant 0 : i32
        %dma_start3A_1992 = tpu.memref_slice %arg11[%dma_start3A_1983, %dma_start3A_1990, %dma_start3A_1991] : memref<8x32x128xf32, #tpu.memory_space<vmem>> -> memref<1x32x128xf32, #tpu.memory_space<vmem>>
        %dma_start3A_1993 = tpu.memref_squeeze %dma_start3A_1992 : memref<1x32x128xf32, #tpu.memory_space<vmem>> -> memref<32x128xf32, #tpu.memory_space<vmem>>
        %dma_start3A_1994 = arith.constant 0 : i32
        %dma_start3A_1995 = tpu.memref_slice %arg4[%dma_start3A_1994, %multiple_of3A_1977] : memref<32x1000000xf32, #tpu.memory_space<hbm>> -> memref<32x128xf32, #tpu.memory_space<hbm>>
        tpu.enqueue_dma source(%dma_start3A_1995 : memref<32x128xf32, #tpu.memory_space<hbm>>) target(%dma_start3A_1993 : memref<32x128xf32, #tpu.memory_space<vmem>>) target_semaphore(%arg19 : memref<!tpu.dma_semaphore, #tpu.memory_space<semaphore_mem>>)
        %dma_start3A_1996 = arith.constant 3 : i32
        %dma_start3A_1997 = arith.constant 0 : i32
        %dma_start3A_1998 = arith.constant 0 : i32
        %dma_start3A_1999 = tpu.memref_slice %arg12[%dma_start3A_1996, %dma_start3A_1997, %dma_start3A_1998] : memref<8x32x128xf32, #tpu.memory_space<vmem>> -> memref<1x32x128xf32, #tpu.memory_space<vmem>>
        %dma_start3A_2000 = tpu.memref_squeeze %dma_start3A_1999 : memref<1x32x128xf32, #tpu.memory_space<vmem>> -> memref<32x128xf32, #tpu.memory_space<vmem>>
        %dma_start3A_2001 = arith.constant 0 : i32
        %dma_start3A_2002 = tpu.memref_slice %arg5[%dma_start3A_2001, %multiple_of3A_1982] : memref<32x1000000xf32, #tpu.memory_space<hbm>> -> memref<32x128xf32, #tpu.memory_space<hbm>>
        %dma_start3A_2003 = arith.constant 0 : i32
        %dma_start3A_2004 = arith.constant 0 : i32
        %dma_start3A_2005 = tpu.memref_slice %arg12[%dma_start3A_1996, %dma_start3A_2003, %dma_start3A_2004] : memref<8x32x128xf32, #tpu.memory_space<vmem>> -> memref<1x32x128xf32, #tpu.memory_space<vmem>>
        %dma_start3A_2006 = tpu.memref_squeeze %dma_start3A_2005 : memref<1x32x128xf32, #tpu.memory_space<vmem>> -> memref<32x128xf32, #tpu.memory_space<vmem>>
        %dma_start3A_2007 = arith.constant 0 : i32
        %dma_start3A_2008 = tpu.memref_slice %arg5[%dma_start3A_2007, %multiple_of3A_1982] : memref<32x1000000xf32, #tpu.memory_space<hbm>> -> memref<32x128xf32, #tpu.memory_space<hbm>>
        tpu.enqueue_dma source(%dma_start3A_2008 : memref<32x128xf32, #tpu.memory_space<hbm>>) target(%dma_start3A_2006 : memref<32x128xf32, #tpu.memory_space<vmem>>) target_semaphore(%arg27 : memref<!tpu.dma_semaphore, #tpu.memory_space<semaphore_mem>>)
      } else {
      }
      %dma_wait3A_1630 = arith.constant 4 : i32
      %dma_wait3A_1631 = arith.constant 0 : i32
      %dma_wait3A_1632 = arith.constant 0 : i32
      %dma_wait3A_1633 = tpu.memref_slice %arg11[%dma_wait3A_1630, %dma_wait3A_1631, %dma_wait3A_1632] : memref<8x32x128xf32, #tpu.memory_space<vmem>> -> memref<1x32x128xf32, #tpu.memory_space<vmem>>
      %dma_wait3A_1634 = tpu.memref_squeeze %dma_wait3A_1633 : memref<1x32x128xf32, #tpu.memory_space<vmem>> -> memref<32x128xf32, #tpu.memory_space<vmem>>
      %dma_wait3A_1635 = arith.constant 0 : i32
      %dma_wait3A_1636 = arith.constant 0 : i32
      %dma_wait3A_1637 = tpu.memref_slice %arg4[%dma_wait3A_1635, %dma_wait3A_1636] : memref<32x1000000xf32, #tpu.memory_space<hbm>> -> memref<32x128xf32, #tpu.memory_space<hbm>>
      %dma_wait3A_1638 = arith.constant 0 : i32
      %dma_wait3A_1639 = arith.constant 0 : i32
      %dma_wait3A_1640 = tpu.memref_slice %arg11[%dma_wait3A_1630, %dma_wait3A_1638, %dma_wait3A_1639] : memref<8x32x128xf32, #tpu.memory_space<vmem>> -> memref<1x32x128xf32, #tpu.memory_space<vmem>>
      %dma_wait3A_1641 = tpu.memref_squeeze %dma_wait3A_1640 : memref<1x32x128xf32, #tpu.memory_space<vmem>> -> memref<32x128xf32, #tpu.memory_space<vmem>>
      %dma_wait3A_1642 = arith.constant 0 : i32
      %dma_wait3A_1643 = arith.constant 0 : i32
      %dma_wait3A_1644 = tpu.memref_slice %arg4[%dma_wait3A_1642, %dma_wait3A_1643] : memref<32x1000000xf32, #tpu.memory_space<hbm>> -> memref<32x128xf32, #tpu.memory_space<hbm>>
      tpu.wait_dma2 semaphore(%arg20 : memref<!tpu.dma_semaphore, #tpu.memory_space<semaphore_mem>>) src(%dma_wait3A_1644 : memref<32x128xf32, #tpu.memory_space<hbm>>) dst(%dma_wait3A_1641 : memref<32x128xf32, #tpu.memory_space<vmem>>)
      %dma_wait3A_1645 = arith.constant 4 : i32
      %dma_wait3A_1646 = arith.constant 0 : i32
      %dma_wait3A_1647 = arith.constant 0 : i32
      %dma_wait3A_1648 = tpu.memref_slice %arg12[%dma_wait3A_1645, %dma_wait3A_1646, %dma_wait3A_1647] : memref<8x32x128xf32, #tpu.memory_space<vmem>> -> memref<1x32x128xf32, #tpu.memory_space<vmem>>
      %dma_wait3A_1649 = tpu.memref_squeeze %dma_wait3A_1648 : memref<1x32x128xf32, #tpu.memory_space<vmem>> -> memref<32x128xf32, #tpu.memory_space<vmem>>
      %dma_wait3A_1650 = arith.constant 0 : i32
      %dma_wait3A_1651 = arith.constant 0 : i32
      %dma_wait3A_1652 = tpu.memref_slice %arg5[%dma_wait3A_1650, %dma_wait3A_1651] : memref<32x1000000xf32, #tpu.memory_space<hbm>> -> memref<32x128xf32, #tpu.memory_space<hbm>>
      %dma_wait3A_1653 = arith.constant 0 : i32
      %dma_wait3A_1654 = arith.constant 0 : i32
      %dma_wait3A_1655 = tpu.memref_slice %arg12[%dma_wait3A_1645, %dma_wait3A_1653, %dma_wait3A_1654] : memref<8x32x128xf32, #tpu.memory_space<vmem>> -> memref<1x32x128xf32, #tpu.memory_space<vmem>>
      %dma_wait3A_1656 = tpu.memref_squeeze %dma_wait3A_1655 : memref<1x32x128xf32, #tpu.memory_space<vmem>> -> memref<32x128xf32, #tpu.memory_space<vmem>>
      %dma_wait3A_1657 = arith.constant 0 : i32
      %dma_wait3A_1658 = arith.constant 0 : i32
      %dma_wait3A_1659 = tpu.memref_slice %arg5[%dma_wait3A_1657, %dma_wait3A_1658] : memref<32x1000000xf32, #tpu.memory_space<hbm>> -> memref<32x128xf32, #tpu.memory_space<hbm>>
      tpu.wait_dma2 semaphore(%arg28 : memref<!tpu.dma_semaphore, #tpu.memory_space<semaphore_mem>>) src(%dma_wait3A_1659 : memref<32x128xf32, #tpu.memory_space<hbm>>) dst(%dma_wait3A_1656 : memref<32x128xf32, #tpu.memory_space<vmem>>)
      %slice3A_1660 = vector.extract_strided_slice %get3A_338 {offsets = [12], sizes = [1], strides = [1]} : vector<16xi32> to vector<1xi32>
      %squeeze3A_1661 = vector.extract %slice3A_1660[0] : i32 from vector<1xi32>
      %and3A_1662 = arith.constant 127 : i32
      %and3A_1663 = arith.andi %squeeze3A_1661, %and3A_1662 : i32
      %broadcast_in_dim3A_1664 = vector.broadcast %and3A_1663 : i32 to vector<16xi32>
      %slice3A_1665 = vector.extract_strided_slice %get3A_342 {offsets = [12], sizes = [1], strides = [1]} : vector<16xi32> to vector<1xi32>
      %squeeze3A_1666 = vector.extract %slice3A_1665[0] : i32 from vector<1xi32>
      %and3A_1667 = arith.constant 127 : i32
      %and3A_1668 = arith.andi %squeeze3A_1666, %and3A_1667 : i32
      %broadcast_in_dim3A_1669 = vector.broadcast %and3A_1668 : i32 to vector<16xi32>
      %gather3A_1670 = arith.constant 4 : i32
      %gather3A_1671 = arith.constant 0 : i32
      %gather3A_1672 = arith.constant 0 : i32
      %gather3A_1673 = tpu.memref_slice %arg11[%gather3A_1670, %gather3A_1671, %gather3A_1672] : memref<8x32x128xf32, #tpu.memory_space<vmem>> -> memref<1x32x128xf32, #tpu.memory_space<vmem>>
      %gather3A_1674 = tpu.memref_squeeze %gather3A_1673 : memref<1x32x128xf32, #tpu.memory_space<vmem>> -> memref<32x128xf32, #tpu.memory_space<vmem>>
      %gather3A_1675 = tpu.vector_load_idx %gather3A_1674[%iota3A, %broadcast_in_dim3A_1664] : memref<32x128xf32, #tpu.memory_space<vmem>>[vector<16xi32>, vector<16xi32>], vector<16xf32>,
      %gather3A_1676 = arith.constant 4 : i32
      %gather3A_1677 = arith.constant 0 : i32
      %gather3A_1678 = arith.constant 0 : i32
      %gather3A_1679 = tpu.memref_slice %arg11[%gather3A_1676, %gather3A_1677, %gather3A_1678] : memref<8x32x128xf32, #tpu.memory_space<vmem>> -> memref<1x32x128xf32, #tpu.memory_space<vmem>>
      %gather3A_1680 = tpu.memref_squeeze %gather3A_1679 : memref<1x32x128xf32, #tpu.memory_space<vmem>> -> memref<32x128xf32, #tpu.memory_space<vmem>>
      %gather3A_1681 = tpu.vector_load_idx %gather3A_1680[%add3A_10, %broadcast_in_dim3A_1664] : memref<32x128xf32, #tpu.memory_space<vmem>>[vector<16xi32>, vector<16xi32>], vector<16xf32>,
      %gather3A_1682 = arith.constant 4 : i32
      %gather3A_1683 = arith.constant 0 : i32
      %gather3A_1684 = arith.constant 0 : i32
      %gather3A_1685 = tpu.memref_slice %arg12[%gather3A_1682, %gather3A_1683, %gather3A_1684] : memref<8x32x128xf32, #tpu.memory_space<vmem>> -> memref<1x32x128xf32, #tpu.memory_space<vmem>>
      %gather3A_1686 = tpu.memref_squeeze %gather3A_1685 : memref<1x32x128xf32, #tpu.memory_space<vmem>> -> memref<32x128xf32, #tpu.memory_space<vmem>>
      %gather3A_1687 = tpu.vector_load_idx %gather3A_1686[%iota3A, %broadcast_in_dim3A_1669] : memref<32x128xf32, #tpu.memory_space<vmem>>[vector<16xi32>, vector<16xi32>], vector<16xf32>,
      %gather3A_1688 = arith.constant 4 : i32
      %gather3A_1689 = arith.constant 0 : i32
      %gather3A_1690 = arith.constant 0 : i32
      %gather3A_1691 = tpu.memref_slice %arg12[%gather3A_1688, %gather3A_1689, %gather3A_1690] : memref<8x32x128xf32, #tpu.memory_space<vmem>> -> memref<1x32x128xf32, #tpu.memory_space<vmem>>
      %gather3A_1692 = tpu.memref_squeeze %gather3A_1691 : memref<1x32x128xf32, #tpu.memory_space<vmem>> -> memref<32x128xf32, #tpu.memory_space<vmem>>
      %gather3A_1693 = tpu.vector_load_idx %gather3A_1692[%add3A_10, %broadcast_in_dim3A_1669] : memref<32x128xf32, #tpu.memory_space<vmem>>[vector<16xi32>, vector<16xi32>], vector<16xf32>,
      %mul3A_1694 = arith.mulf %gather3A_1687, %get3A_5 : vector<16xf32>
      %mul3A_1695 = arith.mulf %gather3A_1675, %mul3A_1694 : vector<16xf32>
      %mul3A_1696 = arith.mulf %gather3A_1693, %get3A_7 : vector<16xf32>
      %mul3A_1697 = arith.mulf %gather3A_1681, %mul3A_1696 : vector<16xf32>
      %add3A_1698 = arith.addf %mul3A_1695, %mul3A_1697 : vector<16xf32>
      %eq3A_1699 = arith.constant 12 : i32
      %eq3A_1700 = vector.broadcast %eq3A_1699 : i32 to vector<16xi32>
      %eq3A_1701 = arith.cmpi eq, %iota3A, %eq3A_1700 : vector<16xi32>
      %reduce_sum3A_1702 = arith.constant true
      %reduce_sum3A_1703 = vector.broadcast %reduce_sum3A_1702 : i1 to vector<16xi1>
      %reduce_sum3A_1704 = tpu.scan <sum>, %add3A_1698 masked %reduce_sum3A_1703 : vector<16xf32>, vector<16xi1> -> vector<16xf32>
      %reduce_sum3A_1705 = vector.extract %reduce_sum3A_1704[15] : f32 from vector<16xf32>
      %add3A_1706 = vector.broadcast %reduce_sum3A_1705 : f32 to vector<16xf32>
      %add3A_1707 = arith.addf %get3A_3, %add3A_1706 : vector<16xf32>
      %select_n3A_1708 = arith.select %eq3A_1701, %add3A_1707, %select_n3A_1624 : vector<16xi1>, vector<16xf32>
      %lt3A_1709 = arith.constant 31 : i32
      %lt3A_1710 = arith.cmpi slt, %scan3A_334, %lt3A_1709 : i32
      %convert_element_type3A_1711 = arith.extui %lt3A_1710 : i1 to i32
      %cond3A_1712 = arith.constant 0 : i32
      %cond3A_1713 = arith.cmpi ne, %convert_element_type3A_1711, %cond3A_1712 : i32
      scf.if %cond3A_1713 {
        %slice3A_1969 = vector.extract_strided_slice %get3A_349 {offsets = [4], sizes = [1], strides = [1]} : vector<16xi32> to vector<1xi32>
        %squeeze3A_1970 = vector.extract %slice3A_1969[0] : i32 from vector<1xi32>
        %slice3A_1971 = vector.extract_strided_slice %get3A_351 {offsets = [4], sizes = [1], strides = [1]} : vector<16xi32> to vector<1xi32>
        %squeeze3A_1972 = vector.extract %slice3A_1971[0] : i32 from vector<1xi32>
        %shift_right_arithmetic3A_1973 = arith.constant 7 : i32
        %shift_right_arithmetic3A_1974 = arith.shrsi %squeeze3A_1970, %shift_right_arithmetic3A_1973 : i32
        %shift_left3A_1975 = arith.constant 7 : i32
        %shift_left3A_1976 = arith.shli %shift_right_arithmetic3A_1974, %shift_left3A_1975 : i32
        %multiple_of3A_1977 = tpu.assume_multiple %shift_left3A_1976, 128 : i32
        %shift_right_arithmetic3A_1978 = arith.constant 7 : i32
        %shift_right_arithmetic3A_1979 = arith.shrsi %squeeze3A_1972, %shift_right_arithmetic3A_1978 : i32
        %shift_left3A_1980 = arith.constant 7 : i32
        %shift_left3A_1981 = arith.shli %shift_right_arithmetic3A_1979, %shift_left3A_1980 : i32
        %multiple_of3A_1982 = tpu.assume_multiple %shift_left3A_1981, 128 : i32
        %dma_start3A_1983 = arith.constant 4 : i32
        %dma_start3A_1984 = arith.constant 0 : i32
        %dma_start3A_1985 = arith.constant 0 : i32
        %dma_start3A_1986 = tpu.memref_slice %arg11[%dma_start3A_1983, %dma_start3A_1984, %dma_start3A_1985] : memref<8x32x128xf32, #tpu.memory_space<vmem>> -> memref<1x32x128xf32, #tpu.memory_space<vmem>>
        %dma_start3A_1987 = tpu.memref_squeeze %dma_start3A_1986 : memref<1x32x128xf32, #tpu.memory_space<vmem>> -> memref<32x128xf32, #tpu.memory_space<vmem>>
        %dma_start3A_1988 = arith.constant 0 : i32
        %dma_start3A_1989 = tpu.memref_slice %arg4[%dma_start3A_1988, %multiple_of3A_1977] : memref<32x1000000xf32, #tpu.memory_space<hbm>> -> memref<32x128xf32, #tpu.memory_space<hbm>>
        %dma_start3A_1990 = arith.constant 0 : i32
        %dma_start3A_1991 = arith.constant 0 : i32
        %dma_start3A_1992 = tpu.memref_slice %arg11[%dma_start3A_1983, %dma_start3A_1990, %dma_start3A_1991] : memref<8x32x128xf32, #tpu.memory_space<vmem>> -> memref<1x32x128xf32, #tpu.memory_space<vmem>>
        %dma_start3A_1993 = tpu.memref_squeeze %dma_start3A_1992 : memref<1x32x128xf32, #tpu.memory_space<vmem>> -> memref<32x128xf32, #tpu.memory_space<vmem>>
        %dma_start3A_1994 = arith.constant 0 : i32
        %dma_start3A_1995 = tpu.memref_slice %arg4[%dma_start3A_1994, %multiple_of3A_1977] : memref<32x1000000xf32, #tpu.memory_space<hbm>> -> memref<32x128xf32, #tpu.memory_space<hbm>>
        tpu.enqueue_dma source(%dma_start3A_1995 : memref<32x128xf32, #tpu.memory_space<hbm>>) target(%dma_start3A_1993 : memref<32x128xf32, #tpu.memory_space<vmem>>) target_semaphore(%arg20 : memref<!tpu.dma_semaphore, #tpu.memory_space<semaphore_mem>>)
        %dma_start3A_1996 = arith.constant 4 : i32
        %dma_start3A_1997 = arith.constant 0 : i32
        %dma_start3A_1998 = arith.constant 0 : i32
        %dma_start3A_1999 = tpu.memref_slice %arg12[%dma_start3A_1996, %dma_start3A_1997, %dma_start3A_1998] : memref<8x32x128xf32, #tpu.memory_space<vmem>> -> memref<1x32x128xf32, #tpu.memory_space<vmem>>
        %dma_start3A_2000 = tpu.memref_squeeze %dma_start3A_1999 : memref<1x32x128xf32, #tpu.memory_space<vmem>> -> memref<32x128xf32, #tpu.memory_space<vmem>>
        %dma_start3A_2001 = arith.constant 0 : i32
        %dma_start3A_2002 = tpu.memref_slice %arg5[%dma_start3A_2001, %multiple_of3A_1982] : memref<32x1000000xf32, #tpu.memory_space<hbm>> -> memref<32x128xf32, #tpu.memory_space<hbm>>
        %dma_start3A_2003 = arith.constant 0 : i32
        %dma_start3A_2004 = arith.constant 0 : i32
        %dma_start3A_2005 = tpu.memref_slice %arg12[%dma_start3A_1996, %dma_start3A_2003, %dma_start3A_2004] : memref<8x32x128xf32, #tpu.memory_space<vmem>> -> memref<1x32x128xf32, #tpu.memory_space<vmem>>
        %dma_start3A_2006 = tpu.memref_squeeze %dma_start3A_2005 : memref<1x32x128xf32, #tpu.memory_space<vmem>> -> memref<32x128xf32, #tpu.memory_space<vmem>>
        %dma_start3A_2007 = arith.constant 0 : i32
        %dma_start3A_2008 = tpu.memref_slice %arg5[%dma_start3A_2007, %multiple_of3A_1982] : memref<32x1000000xf32, #tpu.memory_space<hbm>> -> memref<32x128xf32, #tpu.memory_space<hbm>>
        tpu.enqueue_dma source(%dma_start3A_2008 : memref<32x128xf32, #tpu.memory_space<hbm>>) target(%dma_start3A_2006 : memref<32x128xf32, #tpu.memory_space<vmem>>) target_semaphore(%arg28 : memref<!tpu.dma_semaphore, #tpu.memory_space<semaphore_mem>>)
      } else {
      }
      %dma_wait3A_1714 = arith.constant 5 : i32
      %dma_wait3A_1715 = arith.constant 0 : i32
      %dma_wait3A_1716 = arith.constant 0 : i32
      %dma_wait3A_1717 = tpu.memref_slice %arg11[%dma_wait3A_1714, %dma_wait3A_1715, %dma_wait3A_1716] : memref<8x32x128xf32, #tpu.memory_space<vmem>> -> memref<1x32x128xf32, #tpu.memory_space<vmem>>
      %dma_wait3A_1718 = tpu.memref_squeeze %dma_wait3A_1717 : memref<1x32x128xf32, #tpu.memory_space<vmem>> -> memref<32x128xf32, #tpu.memory_space<vmem>>
      %dma_wait3A_1719 = arith.constant 0 : i32
      %dma_wait3A_1720 = arith.constant 0 : i32
      %dma_wait3A_1721 = tpu.memref_slice %arg4[%dma_wait3A_1719, %dma_wait3A_1720] : memref<32x1000000xf32, #tpu.memory_space<hbm>> -> memref<32x128xf32, #tpu.memory_space<hbm>>
      %dma_wait3A_1722 = arith.constant 0 : i32
      %dma_wait3A_1723 = arith.constant 0 : i32
      %dma_wait3A_1724 = tpu.memref_slice %arg11[%dma_wait3A_1714, %dma_wait3A_1722, %dma_wait3A_1723] : memref<8x32x128xf32, #tpu.memory_space<vmem>> -> memref<1x32x128xf32, #tpu.memory_space<vmem>>
      %dma_wait3A_1725 = tpu.memref_squeeze %dma_wait3A_1724 : memref<1x32x128xf32, #tpu.memory_space<vmem>> -> memref<32x128xf32, #tpu.memory_space<vmem>>
      %dma_wait3A_1726 = arith.constant 0 : i32
      %dma_wait3A_1727 = arith.constant 0 : i32
      %dma_wait3A_1728 = tpu.memref_slice %arg4[%dma_wait3A_1726, %dma_wait3A_1727] : memref<32x1000000xf32, #tpu.memory_space<hbm>> -> memref<32x128xf32, #tpu.memory_space<hbm>>
      tpu.wait_dma2 semaphore(%arg21 : memref<!tpu.dma_semaphore, #tpu.memory_space<semaphore_mem>>) src(%dma_wait3A_1728 : memref<32x128xf32, #tpu.memory_space<hbm>>) dst(%dma_wait3A_1725 : memref<32x128xf32, #tpu.memory_space<vmem>>)
      %dma_wait3A_1729 = arith.constant 5 : i32
      %dma_wait3A_1730 = arith.constant 0 : i32
      %dma_wait3A_1731 = arith.constant 0 : i32
      %dma_wait3A_1732 = tpu.memref_slice %arg12[%dma_wait3A_1729, %dma_wait3A_1730, %dma_wait3A_1731] : memref<8x32x128xf32, #tpu.memory_space<vmem>> -> memref<1x32x128xf32, #tpu.memory_space<vmem>>
      %dma_wait3A_1733 = tpu.memref_squeeze %dma_wait3A_1732 : memref<1x32x128xf32, #tpu.memory_space<vmem>> -> memref<32x128xf32, #tpu.memory_space<vmem>>
      %dma_wait3A_1734 = arith.constant 0 : i32
      %dma_wait3A_1735 = arith.constant 0 : i32
      %dma_wait3A_1736 = tpu.memref_slice %arg5[%dma_wait3A_1734, %dma_wait3A_1735] : memref<32x1000000xf32, #tpu.memory_space<hbm>> -> memref<32x128xf32, #tpu.memory_space<hbm>>
      %dma_wait3A_1737 = arith.constant 0 : i32
      %dma_wait3A_1738 = arith.constant 0 : i32
      %dma_wait3A_1739 = tpu.memref_slice %arg12[%dma_wait3A_1729, %dma_wait3A_1737, %dma_wait3A_1738] : memref<8x32x128xf32, #tpu.memory_space<vmem>> -> memref<1x32x128xf32, #tpu.memory_space<vmem>>
      %dma_wait3A_1740 = tpu.memref_squeeze %dma_wait3A_1739 : memref<1x32x128xf32, #tpu.memory_space<vmem>> -> memref<32x128xf32, #tpu.memory_space<vmem>>
      %dma_wait3A_1741 = arith.constant 0 : i32
      %dma_wait3A_1742 = arith.constant 0 : i32
      %dma_wait3A_1743 = tpu.memref_slice %arg5[%dma_wait3A_1741, %dma_wait3A_1742] : memref<32x1000000xf32, #tpu.memory_space<hbm>> -> memref<32x128xf32, #tpu.memory_space<hbm>>
      tpu.wait_dma2 semaphore(%arg29 : memref<!tpu.dma_semaphore, #tpu.memory_space<semaphore_mem>>) src(%dma_wait3A_1743 : memref<32x128xf32, #tpu.memory_space<hbm>>) dst(%dma_wait3A_1740 : memref<32x128xf32, #tpu.memory_space<vmem>>)
      %slice3A_1744 = vector.extract_strided_slice %get3A_338 {offsets = [13], sizes = [1], strides = [1]} : vector<16xi32> to vector<1xi32>
      %squeeze3A_1745 = vector.extract %slice3A_1744[0] : i32 from vector<1xi32>
      %and3A_1746 = arith.constant 127 : i32
      %and3A_1747 = arith.andi %squeeze3A_1745, %and3A_1746 : i32
      %broadcast_in_dim3A_1748 = vector.broadcast %and3A_1747 : i32 to vector<16xi32>
      %slice3A_1749 = vector.extract_strided_slice %get3A_342 {offsets = [13], sizes = [1], strides = [1]} : vector<16xi32> to vector<1xi32>
      %squeeze3A_1750 = vector.extract %slice3A_1749[0] : i32 from vector<1xi32>
      %and3A_1751 = arith.constant 127 : i32
      %and3A_1752 = arith.andi %squeeze3A_1750, %and3A_1751 : i32
      %broadcast_in_dim3A_1753 = vector.broadcast %and3A_1752 : i32 to vector<16xi32>
      %gather3A_1754 = arith.constant 5 : i32
      %gather3A_1755 = arith.constant 0 : i32
      %gather3A_1756 = arith.constant 0 : i32
      %gather3A_1757 = tpu.memref_slice %arg11[%gather3A_1754, %gather3A_1755, %gather3A_1756] : memref<8x32x128xf32, #tpu.memory_space<vmem>> -> memref<1x32x128xf32, #tpu.memory_space<vmem>>
      %gather3A_1758 = tpu.memref_squeeze %gather3A_1757 : memref<1x32x128xf32, #tpu.memory_space<vmem>> -> memref<32x128xf32, #tpu.memory_space<vmem>>
      %gather3A_1759 = tpu.vector_load_idx %gather3A_1758[%iota3A, %broadcast_in_dim3A_1748] : memref<32x128xf32, #tpu.memory_space<vmem>>[vector<16xi32>, vector<16xi32>], vector<16xf32>,
      %gather3A_1760 = arith.constant 5 : i32
      %gather3A_1761 = arith.constant 0 : i32
      %gather3A_1762 = arith.constant 0 : i32
      %gather3A_1763 = tpu.memref_slice %arg11[%gather3A_1760, %gather3A_1761, %gather3A_1762] : memref<8x32x128xf32, #tpu.memory_space<vmem>> -> memref<1x32x128xf32, #tpu.memory_space<vmem>>
      %gather3A_1764 = tpu.memref_squeeze %gather3A_1763 : memref<1x32x128xf32, #tpu.memory_space<vmem>> -> memref<32x128xf32, #tpu.memory_space<vmem>>
      %gather3A_1765 = tpu.vector_load_idx %gather3A_1764[%add3A_10, %broadcast_in_dim3A_1748] : memref<32x128xf32, #tpu.memory_space<vmem>>[vector<16xi32>, vector<16xi32>], vector<16xf32>,
      %gather3A_1766 = arith.constant 5 : i32
      %gather3A_1767 = arith.constant 0 : i32
      %gather3A_1768 = arith.constant 0 : i32
      %gather3A_1769 = tpu.memref_slice %arg12[%gather3A_1766, %gather3A_1767, %gather3A_1768] : memref<8x32x128xf32, #tpu.memory_space<vmem>> -> memref<1x32x128xf32, #tpu.memory_space<vmem>>
      %gather3A_1770 = tpu.memref_squeeze %gather3A_1769 : memref<1x32x128xf32, #tpu.memory_space<vmem>> -> memref<32x128xf32, #tpu.memory_space<vmem>>
      %gather3A_1771 = tpu.vector_load_idx %gather3A_1770[%iota3A, %broadcast_in_dim3A_1753] : memref<32x128xf32, #tpu.memory_space<vmem>>[vector<16xi32>, vector<16xi32>], vector<16xf32>,
      %gather3A_1772 = arith.constant 5 : i32
      %gather3A_1773 = arith.constant 0 : i32
      %gather3A_1774 = arith.constant 0 : i32
      %gather3A_1775 = tpu.memref_slice %arg12[%gather3A_1772, %gather3A_1773, %gather3A_1774] : memref<8x32x128xf32, #tpu.memory_space<vmem>> -> memref<1x32x128xf32, #tpu.memory_space<vmem>>
      %gather3A_1776 = tpu.memref_squeeze %gather3A_1775 : memref<1x32x128xf32, #tpu.memory_space<vmem>> -> memref<32x128xf32, #tpu.memory_space<vmem>>
      %gather3A_1777 = tpu.vector_load_idx %gather3A_1776[%add3A_10, %broadcast_in_dim3A_1753] : memref<32x128xf32, #tpu.memory_space<vmem>>[vector<16xi32>, vector<16xi32>], vector<16xf32>,
      %mul3A_1778 = arith.mulf %gather3A_1771, %get3A_5 : vector<16xf32>
      %mul3A_1779 = arith.mulf %gather3A_1759, %mul3A_1778 : vector<16xf32>
      %mul3A_1780 = arith.mulf %gather3A_1777, %get3A_7 : vector<16xf32>
      %mul3A_1781 = arith.mulf %gather3A_1765, %mul3A_1780 : vector<16xf32>
      %add3A_1782 = arith.addf %mul3A_1779, %mul3A_1781 : vector<16xf32>
      %eq3A_1783 = arith.constant 13 : i32
      %eq3A_1784 = vector.broadcast %eq3A_1783 : i32 to vector<16xi32>
      %eq3A_1785 = arith.cmpi eq, %iota3A, %eq3A_1784 : vector<16xi32>
      %reduce_sum3A_1786 = arith.constant true
      %reduce_sum3A_1787 = vector.broadcast %reduce_sum3A_1786 : i1 to vector<16xi1>
      %reduce_sum3A_1788 = tpu.scan <sum>, %add3A_1782 masked %reduce_sum3A_1787 : vector<16xf32>, vector<16xi1> -> vector<16xf32>
      %reduce_sum3A_1789 = vector.extract %reduce_sum3A_1788[15] : f32 from vector<16xf32>
      %add3A_1790 = vector.broadcast %reduce_sum3A_1789 : f32 to vector<16xf32>
      %add3A_1791 = arith.addf %get3A_3, %add3A_1790 : vector<16xf32>
      %select_n3A_1792 = arith.select %eq3A_1785, %add3A_1791, %select_n3A_1708 : vector<16xi1>, vector<16xf32>
      %lt3A_1793 = arith.constant 31 : i32
      %lt3A_1794 = arith.cmpi slt, %scan3A_334, %lt3A_1793 : i32
      %convert_element_type3A_1795 = arith.extui %lt3A_1794 : i1 to i32
      %cond3A_1796 = arith.constant 0 : i32
      %cond3A_1797 = arith.cmpi ne, %convert_element_type3A_1795, %cond3A_1796 : i32
      scf.if %cond3A_1797 {
        %slice3A_1969 = vector.extract_strided_slice %get3A_349 {offsets = [5], sizes = [1], strides = [1]} : vector<16xi32> to vector<1xi32>
        %squeeze3A_1970 = vector.extract %slice3A_1969[0] : i32 from vector<1xi32>
        %slice3A_1971 = vector.extract_strided_slice %get3A_351 {offsets = [5], sizes = [1], strides = [1]} : vector<16xi32> to vector<1xi32>
        %squeeze3A_1972 = vector.extract %slice3A_1971[0] : i32 from vector<1xi32>
        %shift_right_arithmetic3A_1973 = arith.constant 7 : i32
        %shift_right_arithmetic3A_1974 = arith.shrsi %squeeze3A_1970, %shift_right_arithmetic3A_1973 : i32
        %shift_left3A_1975 = arith.constant 7 : i32
        %shift_left3A_1976 = arith.shli %shift_right_arithmetic3A_1974, %shift_left3A_1975 : i32
        %multiple_of3A_1977 = tpu.assume_multiple %shift_left3A_1976, 128 : i32
        %shift_right_arithmetic3A_1978 = arith.constant 7 : i32
        %shift_right_arithmetic3A_1979 = arith.shrsi %squeeze3A_1972, %shift_right_arithmetic3A_1978 : i32
        %shift_left3A_1980 = arith.constant 7 : i32
        %shift_left3A_1981 = arith.shli %shift_right_arithmetic3A_1979, %shift_left3A_1980 : i32
        %multiple_of3A_1982 = tpu.assume_multiple %shift_left3A_1981, 128 : i32
        %dma_start3A_1983 = arith.constant 5 : i32
        %dma_start3A_1984 = arith.constant 0 : i32
        %dma_start3A_1985 = arith.constant 0 : i32
        %dma_start3A_1986 = tpu.memref_slice %arg11[%dma_start3A_1983, %dma_start3A_1984, %dma_start3A_1985] : memref<8x32x128xf32, #tpu.memory_space<vmem>> -> memref<1x32x128xf32, #tpu.memory_space<vmem>>
        %dma_start3A_1987 = tpu.memref_squeeze %dma_start3A_1986 : memref<1x32x128xf32, #tpu.memory_space<vmem>> -> memref<32x128xf32, #tpu.memory_space<vmem>>
        %dma_start3A_1988 = arith.constant 0 : i32
        %dma_start3A_1989 = tpu.memref_slice %arg4[%dma_start3A_1988, %multiple_of3A_1977] : memref<32x1000000xf32, #tpu.memory_space<hbm>> -> memref<32x128xf32, #tpu.memory_space<hbm>>
        %dma_start3A_1990 = arith.constant 0 : i32
        %dma_start3A_1991 = arith.constant 0 : i32
        %dma_start3A_1992 = tpu.memref_slice %arg11[%dma_start3A_1983, %dma_start3A_1990, %dma_start3A_1991] : memref<8x32x128xf32, #tpu.memory_space<vmem>> -> memref<1x32x128xf32, #tpu.memory_space<vmem>>
        %dma_start3A_1993 = tpu.memref_squeeze %dma_start3A_1992 : memref<1x32x128xf32, #tpu.memory_space<vmem>> -> memref<32x128xf32, #tpu.memory_space<vmem>>
        %dma_start3A_1994 = arith.constant 0 : i32
        %dma_start3A_1995 = tpu.memref_slice %arg4[%dma_start3A_1994, %multiple_of3A_1977] : memref<32x1000000xf32, #tpu.memory_space<hbm>> -> memref<32x128xf32, #tpu.memory_space<hbm>>
        tpu.enqueue_dma source(%dma_start3A_1995 : memref<32x128xf32, #tpu.memory_space<hbm>>) target(%dma_start3A_1993 : memref<32x128xf32, #tpu.memory_space<vmem>>) target_semaphore(%arg21 : memref<!tpu.dma_semaphore, #tpu.memory_space<semaphore_mem>>)
        %dma_start3A_1996 = arith.constant 5 : i32
        %dma_start3A_1997 = arith.constant 0 : i32
        %dma_start3A_1998 = arith.constant 0 : i32
        %dma_start3A_1999 = tpu.memref_slice %arg12[%dma_start3A_1996, %dma_start3A_1997, %dma_start3A_1998] : memref<8x32x128xf32, #tpu.memory_space<vmem>> -> memref<1x32x128xf32, #tpu.memory_space<vmem>>
        %dma_start3A_2000 = tpu.memref_squeeze %dma_start3A_1999 : memref<1x32x128xf32, #tpu.memory_space<vmem>> -> memref<32x128xf32, #tpu.memory_space<vmem>>
        %dma_start3A_2001 = arith.constant 0 : i32
        %dma_start3A_2002 = tpu.memref_slice %arg5[%dma_start3A_2001, %multiple_of3A_1982] : memref<32x1000000xf32, #tpu.memory_space<hbm>> -> memref<32x128xf32, #tpu.memory_space<hbm>>
        %dma_start3A_2003 = arith.constant 0 : i32
        %dma_start3A_2004 = arith.constant 0 : i32
        %dma_start3A_2005 = tpu.memref_slice %arg12[%dma_start3A_1996, %dma_start3A_2003, %dma_start3A_2004] : memref<8x32x128xf32, #tpu.memory_space<vmem>> -> memref<1x32x128xf32, #tpu.memory_space<vmem>>
        %dma_start3A_2006 = tpu.memref_squeeze %dma_start3A_2005 : memref<1x32x128xf32, #tpu.memory_space<vmem>> -> memref<32x128xf32, #tpu.memory_space<vmem>>
        %dma_start3A_2007 = arith.constant 0 : i32
        %dma_start3A_2008 = tpu.memref_slice %arg5[%dma_start3A_2007, %multiple_of3A_1982] : memref<32x1000000xf32, #tpu.memory_space<hbm>> -> memref<32x128xf32, #tpu.memory_space<hbm>>
        tpu.enqueue_dma source(%dma_start3A_2008 : memref<32x128xf32, #tpu.memory_space<hbm>>) target(%dma_start3A_2006 : memref<32x128xf32, #tpu.memory_space<vmem>>) target_semaphore(%arg29 : memref<!tpu.dma_semaphore, #tpu.memory_space<semaphore_mem>>)
      } else {
      }
      %dma_wait3A_1798 = arith.constant 6 : i32
      %dma_wait3A_1799 = arith.constant 0 : i32
      %dma_wait3A_1800 = arith.constant 0 : i32
      %dma_wait3A_1801 = tpu.memref_slice %arg11[%dma_wait3A_1798, %dma_wait3A_1799, %dma_wait3A_1800] : memref<8x32x128xf32, #tpu.memory_space<vmem>> -> memref<1x32x128xf32, #tpu.memory_space<vmem>>
      %dma_wait3A_1802 = tpu.memref_squeeze %dma_wait3A_1801 : memref<1x32x128xf32, #tpu.memory_space<vmem>> -> memref<32x128xf32, #tpu.memory_space<vmem>>
      %dma_wait3A_1803 = arith.constant 0 : i32
      %dma_wait3A_1804 = arith.constant 0 : i32
      %dma_wait3A_1805 = tpu.memref_slice %arg4[%dma_wait3A_1803, %dma_wait3A_1804] : memref<32x1000000xf32, #tpu.memory_space<hbm>> -> memref<32x128xf32, #tpu.memory_space<hbm>>
      %dma_wait3A_1806 = arith.constant 0 : i32
      %dma_wait3A_1807 = arith.constant 0 : i32
      %dma_wait3A_1808 = tpu.memref_slice %arg11[%dma_wait3A_1798, %dma_wait3A_1806, %dma_wait3A_1807] : memref<8x32x128xf32, #tpu.memory_space<vmem>> -> memref<1x32x128xf32, #tpu.memory_space<vmem>>
      %dma_wait3A_1809 = tpu.memref_squeeze %dma_wait3A_1808 : memref<1x32x128xf32, #tpu.memory_space<vmem>> -> memref<32x128xf32, #tpu.memory_space<vmem>>
      %dma_wait3A_1810 = arith.constant 0 : i32
      %dma_wait3A_1811 = arith.constant 0 : i32
      %dma_wait3A_1812 = tpu.memref_slice %arg4[%dma_wait3A_1810, %dma_wait3A_1811] : memref<32x1000000xf32, #tpu.memory_space<hbm>> -> memref<32x128xf32, #tpu.memory_space<hbm>>
      tpu.wait_dma2 semaphore(%arg22 : memref<!tpu.dma_semaphore, #tpu.memory_space<semaphore_mem>>) src(%dma_wait3A_1812 : memref<32x128xf32, #tpu.memory_space<hbm>>) dst(%dma_wait3A_1809 : memref<32x128xf32, #tpu.memory_space<vmem>>)
      %dma_wait3A_1813 = arith.constant 6 : i32
      %dma_wait3A_1814 = arith.constant 0 : i32
      %dma_wait3A_1815 = arith.constant 0 : i32
      %dma_wait3A_1816 = tpu.memref_slice %arg12[%dma_wait3A_1813, %dma_wait3A_1814, %dma_wait3A_1815] : memref<8x32x128xf32, #tpu.memory_space<vmem>> -> memref<1x32x128xf32, #tpu.memory_space<vmem>>
      %dma_wait3A_1817 = tpu.memref_squeeze %dma_wait3A_1816 : memref<1x32x128xf32, #tpu.memory_space<vmem>> -> memref<32x128xf32, #tpu.memory_space<vmem>>
      %dma_wait3A_1818 = arith.constant 0 : i32
      %dma_wait3A_1819 = arith.constant 0 : i32
      %dma_wait3A_1820 = tpu.memref_slice %arg5[%dma_wait3A_1818, %dma_wait3A_1819] : memref<32x1000000xf32, #tpu.memory_space<hbm>> -> memref<32x128xf32, #tpu.memory_space<hbm>>
      %dma_wait3A_1821 = arith.constant 0 : i32
      %dma_wait3A_1822 = arith.constant 0 : i32
      %dma_wait3A_1823 = tpu.memref_slice %arg12[%dma_wait3A_1813, %dma_wait3A_1821, %dma_wait3A_1822] : memref<8x32x128xf32, #tpu.memory_space<vmem>> -> memref<1x32x128xf32, #tpu.memory_space<vmem>>
      %dma_wait3A_1824 = tpu.memref_squeeze %dma_wait3A_1823 : memref<1x32x128xf32, #tpu.memory_space<vmem>> -> memref<32x128xf32, #tpu.memory_space<vmem>>
      %dma_wait3A_1825 = arith.constant 0 : i32
      %dma_wait3A_1826 = arith.constant 0 : i32
      %dma_wait3A_1827 = tpu.memref_slice %arg5[%dma_wait3A_1825, %dma_wait3A_1826] : memref<32x1000000xf32, #tpu.memory_space<hbm>> -> memref<32x128xf32, #tpu.memory_space<hbm>>
      tpu.wait_dma2 semaphore(%arg30 : memref<!tpu.dma_semaphore, #tpu.memory_space<semaphore_mem>>) src(%dma_wait3A_1827 : memref<32x128xf32, #tpu.memory_space<hbm>>) dst(%dma_wait3A_1824 : memref<32x128xf32, #tpu.memory_space<vmem>>)
      %slice3A_1828 = vector.extract_strided_slice %get3A_338 {offsets = [14], sizes = [1], strides = [1]} : vector<16xi32> to vector<1xi32>
      %squeeze3A_1829 = vector.extract %slice3A_1828[0] : i32 from vector<1xi32>
      %and3A_1830 = arith.constant 127 : i32
      %and3A_1831 = arith.andi %squeeze3A_1829, %and3A_1830 : i32
      %broadcast_in_dim3A_1832 = vector.broadcast %and3A_1831 : i32 to vector<16xi32>
      %slice3A_1833 = vector.extract_strided_slice %get3A_342 {offsets = [14], sizes = [1], strides = [1]} : vector<16xi32> to vector<1xi32>
      %squeeze3A_1834 = vector.extract %slice3A_1833[0] : i32 from vector<1xi32>
      %and3A_1835 = arith.constant 127 : i32
      %and3A_1836 = arith.andi %squeeze3A_1834, %and3A_1835 : i32
      %broadcast_in_dim3A_1837 = vector.broadcast %and3A_1836 : i32 to vector<16xi32>
      %gather3A_1838 = arith.constant 6 : i32
      %gather3A_1839 = arith.constant 0 : i32
      %gather3A_1840 = arith.constant 0 : i32
      %gather3A_1841 = tpu.memref_slice %arg11[%gather3A_1838, %gather3A_1839, %gather3A_1840] : memref<8x32x128xf32, #tpu.memory_space<vmem>> -> memref<1x32x128xf32, #tpu.memory_space<vmem>>
      %gather3A_1842 = tpu.memref_squeeze %gather3A_1841 : memref<1x32x128xf32, #tpu.memory_space<vmem>> -> memref<32x128xf32, #tpu.memory_space<vmem>>
      %gather3A_1843 = tpu.vector_load_idx %gather3A_1842[%iota3A, %broadcast_in_dim3A_1832] : memref<32x128xf32, #tpu.memory_space<vmem>>[vector<16xi32>, vector<16xi32>], vector<16xf32>,
      %gather3A_1844 = arith.constant 6 : i32
      %gather3A_1845 = arith.constant 0 : i32
      %gather3A_1846 = arith.constant 0 : i32
      %gather3A_1847 = tpu.memref_slice %arg11[%gather3A_1844, %gather3A_1845, %gather3A_1846] : memref<8x32x128xf32, #tpu.memory_space<vmem>> -> memref<1x32x128xf32, #tpu.memory_space<vmem>>
      %gather3A_1848 = tpu.memref_squeeze %gather3A_1847 : memref<1x32x128xf32, #tpu.memory_space<vmem>> -> memref<32x128xf32, #tpu.memory_space<vmem>>
      %gather3A_1849 = tpu.vector_load_idx %gather3A_1848[%add3A_10, %broadcast_in_dim3A_1832] : memref<32x128xf32, #tpu.memory_space<vmem>>[vector<16xi32>, vector<16xi32>], vector<16xf32>,
      %gather3A_1850 = arith.constant 6 : i32
      %gather3A_1851 = arith.constant 0 : i32
      %gather3A_1852 = arith.constant 0 : i32
      %gather3A_1853 = tpu.memref_slice %arg12[%gather3A_1850, %gather3A_1851, %gather3A_1852] : memref<8x32x128xf32, #tpu.memory_space<vmem>> -> memref<1x32x128xf32, #tpu.memory_space<vmem>>
      %gather3A_1854 = tpu.memref_squeeze %gather3A_1853 : memref<1x32x128xf32, #tpu.memory_space<vmem>> -> memref<32x128xf32, #tpu.memory_space<vmem>>
      %gather3A_1855 = tpu.vector_load_idx %gather3A_1854[%iota3A, %broadcast_in_dim3A_1837] : memref<32x128xf32, #tpu.memory_space<vmem>>[vector<16xi32>, vector<16xi32>], vector<16xf32>,
      %gather3A_1856 = arith.constant 6 : i32
      %gather3A_1857 = arith.constant 0 : i32
      %gather3A_1858 = arith.constant 0 : i32
      %gather3A_1859 = tpu.memref_slice %arg12[%gather3A_1856, %gather3A_1857, %gather3A_1858] : memref<8x32x128xf32, #tpu.memory_space<vmem>> -> memref<1x32x128xf32, #tpu.memory_space<vmem>>
      %gather3A_1860 = tpu.memref_squeeze %gather3A_1859 : memref<1x32x128xf32, #tpu.memory_space<vmem>> -> memref<32x128xf32, #tpu.memory_space<vmem>>
      %gather3A_1861 = tpu.vector_load_idx %gather3A_1860[%add3A_10, %broadcast_in_dim3A_1837] : memref<32x128xf32, #tpu.memory_space<vmem>>[vector<16xi32>, vector<16xi32>], vector<16xf32>,
      %mul3A_1862 = arith.mulf %gather3A_1855, %get3A_5 : vector<16xf32>
      %mul3A_1863 = arith.mulf %gather3A_1843, %mul3A_1862 : vector<16xf32>
      %mul3A_1864 = arith.mulf %gather3A_1861, %get3A_7 : vector<16xf32>
      %mul3A_1865 = arith.mulf %gather3A_1849, %mul3A_1864 : vector<16xf32>
      %add3A_1866 = arith.addf %mul3A_1863, %mul3A_1865 : vector<16xf32>
      %eq3A_1867 = arith.constant 14 : i32
      %eq3A_1868 = vector.broadcast %eq3A_1867 : i32 to vector<16xi32>
      %eq3A_1869 = arith.cmpi eq, %iota3A, %eq3A_1868 : vector<16xi32>
      %reduce_sum3A_1870 = arith.constant true
      %reduce_sum3A_1871 = vector.broadcast %reduce_sum3A_1870 : i1 to vector<16xi1>
      %reduce_sum3A_1872 = tpu.scan <sum>, %add3A_1866 masked %reduce_sum3A_1871 : vector<16xf32>, vector<16xi1> -> vector<16xf32>
      %reduce_sum3A_1873 = vector.extract %reduce_sum3A_1872[15] : f32 from vector<16xf32>
      %add3A_1874 = vector.broadcast %reduce_sum3A_1873 : f32 to vector<16xf32>
      %add3A_1875 = arith.addf %get3A_3, %add3A_1874 : vector<16xf32>
      %select_n3A_1876 = arith.select %eq3A_1869, %add3A_1875, %select_n3A_1792 : vector<16xi1>, vector<16xf32>
      %lt3A_1877 = arith.constant 31 : i32
      %lt3A_1878 = arith.cmpi slt, %scan3A_334, %lt3A_1877 : i32
      %convert_element_type3A_1879 = arith.extui %lt3A_1878 : i1 to i32
      %cond3A_1880 = arith.constant 0 : i32
      %cond3A_1881 = arith.cmpi ne, %convert_element_type3A_1879, %cond3A_1880 : i32
      scf.if %cond3A_1881 {
        %slice3A_1969 = vector.extract_strided_slice %get3A_349 {offsets = [6], sizes = [1], strides = [1]} : vector<16xi32> to vector<1xi32>
        %squeeze3A_1970 = vector.extract %slice3A_1969[0] : i32 from vector<1xi32>
        %slice3A_1971 = vector.extract_strided_slice %get3A_351 {offsets = [6], sizes = [1], strides = [1]} : vector<16xi32> to vector<1xi32>
        %squeeze3A_1972 = vector.extract %slice3A_1971[0] : i32 from vector<1xi32>
        %shift_right_arithmetic3A_1973 = arith.constant 7 : i32
        %shift_right_arithmetic3A_1974 = arith.shrsi %squeeze3A_1970, %shift_right_arithmetic3A_1973 : i32
        %shift_left3A_1975 = arith.constant 7 : i32
        %shift_left3A_1976 = arith.shli %shift_right_arithmetic3A_1974, %shift_left3A_1975 : i32
        %multiple_of3A_1977 = tpu.assume_multiple %shift_left3A_1976, 128 : i32
        %shift_right_arithmetic3A_1978 = arith.constant 7 : i32
        %shift_right_arithmetic3A_1979 = arith.shrsi %squeeze3A_1972, %shift_right_arithmetic3A_1978 : i32
        %shift_left3A_1980 = arith.constant 7 : i32
        %shift_left3A_1981 = arith.shli %shift_right_arithmetic3A_1979, %shift_left3A_1980 : i32
        %multiple_of3A_1982 = tpu.assume_multiple %shift_left3A_1981, 128 : i32
        %dma_start3A_1983 = arith.constant 6 : i32
        %dma_start3A_1984 = arith.constant 0 : i32
        %dma_start3A_1985 = arith.constant 0 : i32
        %dma_start3A_1986 = tpu.memref_slice %arg11[%dma_start3A_1983, %dma_start3A_1984, %dma_start3A_1985] : memref<8x32x128xf32, #tpu.memory_space<vmem>> -> memref<1x32x128xf32, #tpu.memory_space<vmem>>
        %dma_start3A_1987 = tpu.memref_squeeze %dma_start3A_1986 : memref<1x32x128xf32, #tpu.memory_space<vmem>> -> memref<32x128xf32, #tpu.memory_space<vmem>>
        %dma_start3A_1988 = arith.constant 0 : i32
        %dma_start3A_1989 = tpu.memref_slice %arg4[%dma_start3A_1988, %multiple_of3A_1977] : memref<32x1000000xf32, #tpu.memory_space<hbm>> -> memref<32x128xf32, #tpu.memory_space<hbm>>
        %dma_start3A_1990 = arith.constant 0 : i32
        %dma_start3A_1991 = arith.constant 0 : i32
        %dma_start3A_1992 = tpu.memref_slice %arg11[%dma_start3A_1983, %dma_start3A_1990, %dma_start3A_1991] : memref<8x32x128xf32, #tpu.memory_space<vmem>> -> memref<1x32x128xf32, #tpu.memory_space<vmem>>
        %dma_start3A_1993 = tpu.memref_squeeze %dma_start3A_1992 : memref<1x32x128xf32, #tpu.memory_space<vmem>> -> memref<32x128xf32, #tpu.memory_space<vmem>>
        %dma_start3A_1994 = arith.constant 0 : i32
        %dma_start3A_1995 = tpu.memref_slice %arg4[%dma_start3A_1994, %multiple_of3A_1977] : memref<32x1000000xf32, #tpu.memory_space<hbm>> -> memref<32x128xf32, #tpu.memory_space<hbm>>
        tpu.enqueue_dma source(%dma_start3A_1995 : memref<32x128xf32, #tpu.memory_space<hbm>>) target(%dma_start3A_1993 : memref<32x128xf32, #tpu.memory_space<vmem>>) target_semaphore(%arg22 : memref<!tpu.dma_semaphore, #tpu.memory_space<semaphore_mem>>)
        %dma_start3A_1996 = arith.constant 6 : i32
        %dma_start3A_1997 = arith.constant 0 : i32
        %dma_start3A_1998 = arith.constant 0 : i32
        %dma_start3A_1999 = tpu.memref_slice %arg12[%dma_start3A_1996, %dma_start3A_1997, %dma_start3A_1998] : memref<8x32x128xf32, #tpu.memory_space<vmem>> -> memref<1x32x128xf32, #tpu.memory_space<vmem>>
        %dma_start3A_2000 = tpu.memref_squeeze %dma_start3A_1999 : memref<1x32x128xf32, #tpu.memory_space<vmem>> -> memref<32x128xf32, #tpu.memory_space<vmem>>
        %dma_start3A_2001 = arith.constant 0 : i32
        %dma_start3A_2002 = tpu.memref_slice %arg5[%dma_start3A_2001, %multiple_of3A_1982] : memref<32x1000000xf32, #tpu.memory_space<hbm>> -> memref<32x128xf32, #tpu.memory_space<hbm>>
        %dma_start3A_2003 = arith.constant 0 : i32
        %dma_start3A_2004 = arith.constant 0 : i32
        %dma_start3A_2005 = tpu.memref_slice %arg12[%dma_start3A_1996, %dma_start3A_2003, %dma_start3A_2004] : memref<8x32x128xf32, #tpu.memory_space<vmem>> -> memref<1x32x128xf32, #tpu.memory_space<vmem>>
        %dma_start3A_2006 = tpu.memref_squeeze %dma_start3A_2005 : memref<1x32x128xf32, #tpu.memory_space<vmem>> -> memref<32x128xf32, #tpu.memory_space<vmem>>
        %dma_start3A_2007 = arith.constant 0 : i32
        %dma_start3A_2008 = tpu.memref_slice %arg5[%dma_start3A_2007, %multiple_of3A_1982] : memref<32x1000000xf32, #tpu.memory_space<hbm>> -> memref<32x128xf32, #tpu.memory_space<hbm>>
        tpu.enqueue_dma source(%dma_start3A_2008 : memref<32x128xf32, #tpu.memory_space<hbm>>) target(%dma_start3A_2006 : memref<32x128xf32, #tpu.memory_space<vmem>>) target_semaphore(%arg30 : memref<!tpu.dma_semaphore, #tpu.memory_space<semaphore_mem>>)
      } else {
      }
      %dma_wait3A_1882 = arith.constant 7 : i32
      %dma_wait3A_1883 = arith.constant 0 : i32
      %dma_wait3A_1884 = arith.constant 0 : i32
      %dma_wait3A_1885 = tpu.memref_slice %arg11[%dma_wait3A_1882, %dma_wait3A_1883, %dma_wait3A_1884] : memref<8x32x128xf32, #tpu.memory_space<vmem>> -> memref<1x32x128xf32, #tpu.memory_space<vmem>>
      %dma_wait3A_1886 = tpu.memref_squeeze %dma_wait3A_1885 : memref<1x32x128xf32, #tpu.memory_space<vmem>> -> memref<32x128xf32, #tpu.memory_space<vmem>>
      %dma_wait3A_1887 = arith.constant 0 : i32
      %dma_wait3A_1888 = arith.constant 0 : i32
      %dma_wait3A_1889 = tpu.memref_slice %arg4[%dma_wait3A_1887, %dma_wait3A_1888] : memref<32x1000000xf32, #tpu.memory_space<hbm>> -> memref<32x128xf32, #tpu.memory_space<hbm>>
      %dma_wait3A_1890 = arith.constant 0 : i32
      %dma_wait3A_1891 = arith.constant 0 : i32
      %dma_wait3A_1892 = tpu.memref_slice %arg11[%dma_wait3A_1882, %dma_wait3A_1890, %dma_wait3A_1891] : memref<8x32x128xf32, #tpu.memory_space<vmem>> -> memref<1x32x128xf32, #tpu.memory_space<vmem>>
      %dma_wait3A_1893 = tpu.memref_squeeze %dma_wait3A_1892 : memref<1x32x128xf32, #tpu.memory_space<vmem>> -> memref<32x128xf32, #tpu.memory_space<vmem>>
      %dma_wait3A_1894 = arith.constant 0 : i32
      %dma_wait3A_1895 = arith.constant 0 : i32
      %dma_wait3A_1896 = tpu.memref_slice %arg4[%dma_wait3A_1894, %dma_wait3A_1895] : memref<32x1000000xf32, #tpu.memory_space<hbm>> -> memref<32x128xf32, #tpu.memory_space<hbm>>
      tpu.wait_dma2 semaphore(%arg23 : memref<!tpu.dma_semaphore, #tpu.memory_space<semaphore_mem>>) src(%dma_wait3A_1896 : memref<32x128xf32, #tpu.memory_space<hbm>>) dst(%dma_wait3A_1893 : memref<32x128xf32, #tpu.memory_space<vmem>>)
      %dma_wait3A_1897 = arith.constant 7 : i32
      %dma_wait3A_1898 = arith.constant 0 : i32
      %dma_wait3A_1899 = arith.constant 0 : i32
      %dma_wait3A_1900 = tpu.memref_slice %arg12[%dma_wait3A_1897, %dma_wait3A_1898, %dma_wait3A_1899] : memref<8x32x128xf32, #tpu.memory_space<vmem>> -> memref<1x32x128xf32, #tpu.memory_space<vmem>>
      %dma_wait3A_1901 = tpu.memref_squeeze %dma_wait3A_1900 : memref<1x32x128xf32, #tpu.memory_space<vmem>> -> memref<32x128xf32, #tpu.memory_space<vmem>>
      %dma_wait3A_1902 = arith.constant 0 : i32
      %dma_wait3A_1903 = arith.constant 0 : i32
      %dma_wait3A_1904 = tpu.memref_slice %arg5[%dma_wait3A_1902, %dma_wait3A_1903] : memref<32x1000000xf32, #tpu.memory_space<hbm>> -> memref<32x128xf32, #tpu.memory_space<hbm>>
      %dma_wait3A_1905 = arith.constant 0 : i32
      %dma_wait3A_1906 = arith.constant 0 : i32
      %dma_wait3A_1907 = tpu.memref_slice %arg12[%dma_wait3A_1897, %dma_wait3A_1905, %dma_wait3A_1906] : memref<8x32x128xf32, #tpu.memory_space<vmem>> -> memref<1x32x128xf32, #tpu.memory_space<vmem>>
      %dma_wait3A_1908 = tpu.memref_squeeze %dma_wait3A_1907 : memref<1x32x128xf32, #tpu.memory_space<vmem>> -> memref<32x128xf32, #tpu.memory_space<vmem>>
      %dma_wait3A_1909 = arith.constant 0 : i32
      %dma_wait3A_1910 = arith.constant 0 : i32
      %dma_wait3A_1911 = tpu.memref_slice %arg5[%dma_wait3A_1909, %dma_wait3A_1910] : memref<32x1000000xf32, #tpu.memory_space<hbm>> -> memref<32x128xf32, #tpu.memory_space<hbm>>
      tpu.wait_dma2 semaphore(%arg31 : memref<!tpu.dma_semaphore, #tpu.memory_space<semaphore_mem>>) src(%dma_wait3A_1911 : memref<32x128xf32, #tpu.memory_space<hbm>>) dst(%dma_wait3A_1908 : memref<32x128xf32, #tpu.memory_space<vmem>>)
      %slice3A_1912 = vector.extract_strided_slice %get3A_338 {offsets = [15], sizes = [1], strides = [1]} : vector<16xi32> to vector<1xi32>
      %squeeze3A_1913 = vector.extract %slice3A_1912[0] : i32 from vector<1xi32>
      %and3A_1914 = arith.constant 127 : i32
      %and3A_1915 = arith.andi %squeeze3A_1913, %and3A_1914 : i32
      %broadcast_in_dim3A_1916 = vector.broadcast %and3A_1915 : i32 to vector<16xi32>
      %slice3A_1917 = vector.extract_strided_slice %get3A_342 {offsets = [15], sizes = [1], strides = [1]} : vector<16xi32> to vector<1xi32>
      %squeeze3A_1918 = vector.extract %slice3A_1917[0] : i32 from vector<1xi32>
      %and3A_1919 = arith.constant 127 : i32
      %and3A_1920 = arith.andi %squeeze3A_1918, %and3A_1919 : i32
      %broadcast_in_dim3A_1921 = vector.broadcast %and3A_1920 : i32 to vector<16xi32>
      %gather3A_1922 = arith.constant 7 : i32
      %gather3A_1923 = arith.constant 0 : i32
      %gather3A_1924 = arith.constant 0 : i32
      %gather3A_1925 = tpu.memref_slice %arg11[%gather3A_1922, %gather3A_1923, %gather3A_1924] : memref<8x32x128xf32, #tpu.memory_space<vmem>> -> memref<1x32x128xf32, #tpu.memory_space<vmem>>
      %gather3A_1926 = tpu.memref_squeeze %gather3A_1925 : memref<1x32x128xf32, #tpu.memory_space<vmem>> -> memref<32x128xf32, #tpu.memory_space<vmem>>
      %gather3A_1927 = tpu.vector_load_idx %gather3A_1926[%iota3A, %broadcast_in_dim3A_1916] : memref<32x128xf32, #tpu.memory_space<vmem>>[vector<16xi32>, vector<16xi32>], vector<16xf32>,
      %gather3A_1928 = arith.constant 7 : i32
      %gather3A_1929 = arith.constant 0 : i32
      %gather3A_1930 = arith.constant 0 : i32
      %gather3A_1931 = tpu.memref_slice %arg11[%gather3A_1928, %gather3A_1929, %gather3A_1930] : memref<8x32x128xf32, #tpu.memory_space<vmem>> -> memref<1x32x128xf32, #tpu.memory_space<vmem>>
      %gather3A_1932 = tpu.memref_squeeze %gather3A_1931 : memref<1x32x128xf32, #tpu.memory_space<vmem>> -> memref<32x128xf32, #tpu.memory_space<vmem>>
      %gather3A_1933 = tpu.vector_load_idx %gather3A_1932[%add3A_10, %broadcast_in_dim3A_1916] : memref<32x128xf32, #tpu.memory_space<vmem>>[vector<16xi32>, vector<16xi32>], vector<16xf32>,
      %gather3A_1934 = arith.constant 7 : i32
      %gather3A_1935 = arith.constant 0 : i32
      %gather3A_1936 = arith.constant 0 : i32
      %gather3A_1937 = tpu.memref_slice %arg12[%gather3A_1934, %gather3A_1935, %gather3A_1936] : memref<8x32x128xf32, #tpu.memory_space<vmem>> -> memref<1x32x128xf32, #tpu.memory_space<vmem>>
      %gather3A_1938 = tpu.memref_squeeze %gather3A_1937 : memref<1x32x128xf32, #tpu.memory_space<vmem>> -> memref<32x128xf32, #tpu.memory_space<vmem>>
      %gather3A_1939 = tpu.vector_load_idx %gather3A_1938[%iota3A, %broadcast_in_dim3A_1921] : memref<32x128xf32, #tpu.memory_space<vmem>>[vector<16xi32>, vector<16xi32>], vector<16xf32>,
      %gather3A_1940 = arith.constant 7 : i32
      %gather3A_1941 = arith.constant 0 : i32
      %gather3A_1942 = arith.constant 0 : i32
      %gather3A_1943 = tpu.memref_slice %arg12[%gather3A_1940, %gather3A_1941, %gather3A_1942] : memref<8x32x128xf32, #tpu.memory_space<vmem>> -> memref<1x32x128xf32, #tpu.memory_space<vmem>>
      %gather3A_1944 = tpu.memref_squeeze %gather3A_1943 : memref<1x32x128xf32, #tpu.memory_space<vmem>> -> memref<32x128xf32, #tpu.memory_space<vmem>>
      %gather3A_1945 = tpu.vector_load_idx %gather3A_1944[%add3A_10, %broadcast_in_dim3A_1921] : memref<32x128xf32, #tpu.memory_space<vmem>>[vector<16xi32>, vector<16xi32>], vector<16xf32>,
      %mul3A_1946 = arith.mulf %gather3A_1939, %get3A_5 : vector<16xf32>
      %mul3A_1947 = arith.mulf %gather3A_1927, %mul3A_1946 : vector<16xf32>
      %mul3A_1948 = arith.mulf %gather3A_1945, %get3A_7 : vector<16xf32>
      %mul3A_1949 = arith.mulf %gather3A_1933, %mul3A_1948 : vector<16xf32>
      %add3A_1950 = arith.addf %mul3A_1947, %mul3A_1949 : vector<16xf32>
      %eq3A_1951 = arith.constant 15 : i32
      %eq3A_1952 = vector.broadcast %eq3A_1951 : i32 to vector<16xi32>
      %eq3A_1953 = arith.cmpi eq, %iota3A, %eq3A_1952 : vector<16xi32>
      %reduce_sum3A_1954 = arith.constant true
      %reduce_sum3A_1955 = vector.broadcast %reduce_sum3A_1954 : i1 to vector<16xi1>
      %reduce_sum3A_1956 = tpu.scan <sum>, %add3A_1950 masked %reduce_sum3A_1955 : vector<16xf32>, vector<16xi1> -> vector<16xf32>
      %reduce_sum3A_1957 = vector.extract %reduce_sum3A_1956[15] : f32 from vector<16xf32>
      %add3A_1958 = vector.broadcast %reduce_sum3A_1957 : f32 to vector<16xf32>
      %add3A_1959 = arith.addf %get3A_3, %add3A_1958 : vector<16xf32>
      %select_n3A_1960 = arith.select %eq3A_1953, %add3A_1959, %select_n3A_1876 : vector<16xi1>, vector<16xf32>
      %lt3A_1961 = arith.constant 31 : i32
      %lt3A_1962 = arith.cmpi slt, %scan3A_334, %lt3A_1961 : i32
      %convert_element_type3A_1963 = arith.extui %lt3A_1962 : i1 to i32
      %cond3A_1964 = arith.constant 0 : i32
      %cond3A_1965 = arith.cmpi ne, %convert_element_type3A_1963, %cond3A_1964 : i32
      scf.if %cond3A_1965 {
        %slice3A_1969 = vector.extract_strided_slice %get3A_349 {offsets = [7], sizes = [1], strides = [1]} : vector<16xi32> to vector<1xi32>
        %squeeze3A_1970 = vector.extract %slice3A_1969[0] : i32 from vector<1xi32>
        %slice3A_1971 = vector.extract_strided_slice %get3A_351 {offsets = [7], sizes = [1], strides = [1]} : vector<16xi32> to vector<1xi32>
        %squeeze3A_1972 = vector.extract %slice3A_1971[0] : i32 from vector<1xi32>
        %shift_right_arithmetic3A_1973 = arith.constant 7 : i32
        %shift_right_arithmetic3A_1974 = arith.shrsi %squeeze3A_1970, %shift_right_arithmetic3A_1973 : i32
        %shift_left3A_1975 = arith.constant 7 : i32
        %shift_left3A_1976 = arith.shli %shift_right_arithmetic3A_1974, %shift_left3A_1975 : i32
        %multiple_of3A_1977 = tpu.assume_multiple %shift_left3A_1976, 128 : i32
        %shift_right_arithmetic3A_1978 = arith.constant 7 : i32
        %shift_right_arithmetic3A_1979 = arith.shrsi %squeeze3A_1972, %shift_right_arithmetic3A_1978 : i32
        %shift_left3A_1980 = arith.constant 7 : i32
        %shift_left3A_1981 = arith.shli %shift_right_arithmetic3A_1979, %shift_left3A_1980 : i32
        %multiple_of3A_1982 = tpu.assume_multiple %shift_left3A_1981, 128 : i32
        %dma_start3A_1983 = arith.constant 7 : i32
        %dma_start3A_1984 = arith.constant 0 : i32
        %dma_start3A_1985 = arith.constant 0 : i32
        %dma_start3A_1986 = tpu.memref_slice %arg11[%dma_start3A_1983, %dma_start3A_1984, %dma_start3A_1985] : memref<8x32x128xf32, #tpu.memory_space<vmem>> -> memref<1x32x128xf32, #tpu.memory_space<vmem>>
        %dma_start3A_1987 = tpu.memref_squeeze %dma_start3A_1986 : memref<1x32x128xf32, #tpu.memory_space<vmem>> -> memref<32x128xf32, #tpu.memory_space<vmem>>
        %dma_start3A_1988 = arith.constant 0 : i32
        %dma_start3A_1989 = tpu.memref_slice %arg4[%dma_start3A_1988, %multiple_of3A_1977] : memref<32x1000000xf32, #tpu.memory_space<hbm>> -> memref<32x128xf32, #tpu.memory_space<hbm>>
        %dma_start3A_1990 = arith.constant 0 : i32
        %dma_start3A_1991 = arith.constant 0 : i32
        %dma_start3A_1992 = tpu.memref_slice %arg11[%dma_start3A_1983, %dma_start3A_1990, %dma_start3A_1991] : memref<8x32x128xf32, #tpu.memory_space<vmem>> -> memref<1x32x128xf32, #tpu.memory_space<vmem>>
        %dma_start3A_1993 = tpu.memref_squeeze %dma_start3A_1992 : memref<1x32x128xf32, #tpu.memory_space<vmem>> -> memref<32x128xf32, #tpu.memory_space<vmem>>
        %dma_start3A_1994 = arith.constant 0 : i32
        %dma_start3A_1995 = tpu.memref_slice %arg4[%dma_start3A_1994, %multiple_of3A_1977] : memref<32x1000000xf32, #tpu.memory_space<hbm>> -> memref<32x128xf32, #tpu.memory_space<hbm>>
        tpu.enqueue_dma source(%dma_start3A_1995 : memref<32x128xf32, #tpu.memory_space<hbm>>) target(%dma_start3A_1993 : memref<32x128xf32, #tpu.memory_space<vmem>>) target_semaphore(%arg23 : memref<!tpu.dma_semaphore, #tpu.memory_space<semaphore_mem>>)
        %dma_start3A_1996 = arith.constant 7 : i32
        %dma_start3A_1997 = arith.constant 0 : i32
        %dma_start3A_1998 = arith.constant 0 : i32
        %dma_start3A_1999 = tpu.memref_slice %arg12[%dma_start3A_1996, %dma_start3A_1997, %dma_start3A_1998] : memref<8x32x128xf32, #tpu.memory_space<vmem>> -> memref<1x32x128xf32, #tpu.memory_space<vmem>>
        %dma_start3A_2000 = tpu.memref_squeeze %dma_start3A_1999 : memref<1x32x128xf32, #tpu.memory_space<vmem>> -> memref<32x128xf32, #tpu.memory_space<vmem>>
        %dma_start3A_2001 = arith.constant 0 : i32
        %dma_start3A_2002 = tpu.memref_slice %arg5[%dma_start3A_2001, %multiple_of3A_1982] : memref<32x1000000xf32, #tpu.memory_space<hbm>> -> memref<32x128xf32, #tpu.memory_space<hbm>>
        %dma_start3A_2003 = arith.constant 0 : i32
        %dma_start3A_2004 = arith.constant 0 : i32
        %dma_start3A_2005 = tpu.memref_slice %arg12[%dma_start3A_1996, %dma_start3A_2003, %dma_start3A_2004] : memref<8x32x128xf32, #tpu.memory_space<vmem>> -> memref<1x32x128xf32, #tpu.memory_space<vmem>>
        %dma_start3A_2006 = tpu.memref_squeeze %dma_start3A_2005 : memref<1x32x128xf32, #tpu.memory_space<vmem>> -> memref<32x128xf32, #tpu.memory_space<vmem>>
        %dma_start3A_2007 = arith.constant 0 : i32
        %dma_start3A_2008 = tpu.memref_slice %arg5[%dma_start3A_2007, %multiple_of3A_1982] : memref<32x1000000xf32, #tpu.memory_space<hbm>> -> memref<32x128xf32, #tpu.memory_space<hbm>>
        tpu.enqueue_dma source(%dma_start3A_2008 : memref<32x128xf32, #tpu.memory_space<hbm>>) target(%dma_start3A_2006 : memref<32x128xf32, #tpu.memory_space<vmem>>) target_semaphore(%arg31 : memref<!tpu.dma_semaphore, #tpu.memory_space<semaphore_mem>>)
      } else {
      }
      %mul3A_1966 = arith.constant 16 : i32
      %mul3A_1967 = arith.muli %scan3A_334, %mul3A_1966 : i32
      %swap3A = arith.index_cast %mul3A_1967 : i32 to index
      %swap3A_1968 = tpu.vector_load %arg15[%swap3A] {strides = array<i32>} : memref<512xf32, #tpu.memory_space<vmem>>, vector<16xf32>,
      tpu.vector_store %arg15[%swap3A], %select_n3A_1960 {strides = array<i32>} : memref<512xf32, #tpu.memory_space<vmem>>, vector<16xf32>,
    }
    %scan3A_333 = arith.constant 32 : i32
    "tpu.region"() ({
      %run_scoped3A = tpu.sem_alloc : memref<!tpu.dma_semaphore, #tpu.memory_space<semaphore_mem>>
      %dma_start3A_334 = tpu.memref_slice %arg8[%mul3A_2] : memref<16384xf32, #tpu.memory_space<hbm>> -> memref<512xf32, #tpu.memory_space<hbm>>
      %dma_start3A_335 = tpu.memref_slice %arg8[%mul3A_2] : memref<16384xf32, #tpu.memory_space<hbm>> -> memref<512xf32, #tpu.memory_space<hbm>>
      tpu.enqueue_dma source(%arg15 : memref<512xf32, #tpu.memory_space<vmem>>) target(%dma_start3A_335 : memref<512xf32, #tpu.memory_space<hbm>>) target_semaphore(%run_scoped3A : memref<!tpu.dma_semaphore, #tpu.memory_space<semaphore_mem>>)
      %dma_wait3A = tpu.memref_slice %arg8[%mul3A_2] : memref<16384xf32, #tpu.memory_space<hbm>> -> memref<512xf32, #tpu.memory_space<hbm>>
      %dma_wait3A_336 = tpu.memref_slice %arg8[%mul3A_2] : memref<16384xf32, #tpu.memory_space<hbm>> -> memref<512xf32, #tpu.memory_space<hbm>>
      tpu.wait_dma2 semaphore(%run_scoped3A : memref<!tpu.dma_semaphore, #tpu.memory_space<semaphore_mem>>) src(%arg15 : memref<512xf32, #tpu.memory_space<vmem>>) dst(%dma_wait3A_336 : memref<512xf32, #tpu.memory_space<hbm>>)
      tpu.yield
    }) : () -> ()
    return
  }
}

</mosaic_0001>

<sc_bundles>
// kernel: kernel.3.cloned.1.call-start
scs
__scs_entry_jumppad:
0x0: {  	(pc) =	sbr.rel $0x88, $3  }
0x1: {  	(tag) =	ssettag $0x0;
	lr =	simm.s32 $0x1  }
0x2: {  	[smem:$0x3F9B] =	sst lr;
	_ =	strace $0xD0000000  }
0x3: {  	_ = 	snop  }
0x4: {  	_ = 	snop  }
0x5: {  	_ = 	snop  }
0x6: {  	_ = 	snop  }
0x7: {  	_ = 	snop  }
__scs_overlays_trampoline_lowered:
0x8: {  	[smem:$0x3FAA] =	sst s0  }
0x9: {  	[smem:$0x3FAB] =	sst s1  }
0xa: {  	[smem:$0x3FAC] =	sst s2  }
0xb: {  	[smem:$0x3FAD] =	sst s3  }
0xc: {  	[smem:$0x3FAE] =	sst s4  }
0xd: {  	[smem:$0x3FAF] =	sst s5  }
0xe: {  	[smem:$0x3FB0] =	sst s6  }
0xf: {  	[smem:$0x3FB1] =	sst s7  }
0x10: {  	[smem:$0x3FB2] =	sst s8  }
0x11: {  	[smem:$0x3FB3] =	sst s9;
	s0 =	simm.s32 @!p0 $0x0  }
0x12: {  	s1 =	sld [smem:$0x3F99];
	s0 =	simm.s32 @p0 $0x1  }
0x13: {  	[smem:$0x3FB4] =	sst s0;
	s0 =	simm.s32 @!p1 $0x0  }
0x14: {  	s2 =	sld [smem:$0x3F98];
	s0 =	simm.s32 @p1 $0x1  }
0x15: {  	[smem:$0x3FB5] =	sst s0;
	s0 =	simm.s32 @!p2 $0x0  }
0x16: {  	s3 =	sld [smem:$0x3FDB];
	s0 =	simm.s32 @p2 $0x1  }
0x17: {  	s4 =	simm.s32 $0x1BF5;
	[smem:$0x3FB7] =	sst s0  }
0x18: {  	s0 =	sld [smem:$0x3F9A];
	_ =	swait.ge [sflag:s4], $0x0  }
0x19: {  	s7 =	sld [smem:$0x3F9B]  }
0x1a: {  	s8 =	sadd.s32 $0xFFFFE003, lr  }
0x1b: {  	s9 =	sadd.s32 $0xFFFFFEF7, lr;
	s5 =	simm.s32 $0xFFFFFFFF;
	p2 =	slt.u32 s8, $0xFFFFF086  }
0x1c: {  	p1 =	slt.u32 s9, $0xF7A;
	s5 =	simm.s32 @!p2 $0x0  }
0x1d: {  	s5 =	simm.s32 @p1 $0x1;
	p0 =	seq.s32 s7, s2  }
0x1e: {  	s7 =	smul.u32 @!p0 $0xF7A, s2;
	p2 =	seq.s32 @!p0 s5, $0x0  }
0x1f: {  	s9 =	smul.u32 $0xF7A, s1;
	s8 =	simm.s32 @!p0 $0x1BF5;
	p2 =	por !p2, p0  }
0x20: {  	[sflag:s8] =	ssyncset.s32 @!p0 $0xFFFFF086;
	s6 =	sadd.s32 @!p0 s3, s7;
	s7 =	simm.s32 @!p0 $0x108  }
0x21: {  	s3 =	sadd.s32 s3, s9;
	s6 =	sadd.s32 @!p0 $0x88, s6;
	s7 =	simm.s32 @p2 $0x1082  }
0x22: {  	[simem:s7], [sflag:s8] =	dma.local @!p0 [hbm:s6], $0xF7A  }
0x23: {  	s9 =	sor.u32 $0xD0000000, s2;
	s6 =	simm.s32 $0x108;
	_ =	swait.ge @!p0 [sflag:s8], $0x0  }
0x24: {  	s3 =	sadd.s32 $0x88, s3;
	s6 =	simm.s32 @!p1 $0x1082;
	[sflag:s4] =	ssyncset.s32 $0xFFFFF086  }
0x25: {  	[simem:s6], [sflag:s4] =	dma.local [hbm:s3], $0xF7A  }
0x26: {  	[smem:$0x3F9B] =	sst s1;
	(tag) =	ssettag s2;
	_ =	strace s9  }
0x27: {  	s1 =	sld [smem:$0x3FAB]  }
0x28: {  	s2 =	sld [smem:$0x3FAC]  }
0x29: {  	s4 =	sld [smem:$0x3FAE]  }
0x2a: {  	p0 =	seq.s32 s5, $0x0;
	s5 =	sld [smem:$0x3FAF]  }
0x2b: {  	s6 =	sld [smem:$0x3FB0]  }
0x2c: {  	s7 =	sld [smem:$0x3FB1]  }
0x2d: {  	s3 =	simm.s32 $0x108;
	s8 =	sld [smem:$0x3FB2]  }
0x2e: {  	s3 =	simm.s32 @!p0 $0x1082;
	s9 =	sld [smem:$0x3FB3]  }
0x2f: {  	lr =	sadd.s32 s0, s3;
	s0 =	sld [smem:$0x3FAA]  }
0x30: {  	s3 =	sld [smem:$0x3FAD]  }
0x31: {  	[smem:$0x3FB6] =	sst s10  }
0x32: {  	s10 =	sld [smem:$0x3FB4];
	_ =	sdelay $0x3  }
0x33: {  	p0 =	seq.s32 s10, $0x1;
	s10 =	sld [smem:$0x3FB6];
	_ =	sdelay $0x3  }
0x34: {  	[smem:$0x3FB6] =	sst s10  }
0x35: {  	s10 =	sld [smem:$0x3FB5];
	_ =	sdelay $0x3  }
0x36: {  	p1 =	seq.s32 s10, $0x1;
	s10 =	sld [smem:$0x3FB6];
	_ =	sdelay $0x3  }
0x37: {  	[smem:$0x3FB6] =	sst s10  }
0x38: {  	s10 =	sld [smem:$0x3FB7]  }
0x39: {  	_ = 	snop;
	(pc) =	sbr.ind lr, $3  }
0x3a: {  	_ = 	snop  }
0x3b: {  	_ = 	snop  }
0x3c: {  	p2 =	seq.s32 s10, $0x1;
	s10 =	sld [smem:$0x3FB6]  }
0x3d: {  	_ =	shalt  }
0x3e: {  	_ =	shalt  }
0x3f: {  	_ =	shalt  }
0x40: {  	_ =	shalt  }
0x41: {  	_ =	shalt  }
0x42: {  	_ =	shalt  }
0x43: {  	_ =	shalt  }
0x44: {  	_ =	shalt  }
0x45: {  	_ =	shalt  }
0x46: {  	_ =	shalt  }
0x47: {  	_ =	shalt  }
0x48: {  	_ =	shalt  }
0x49: {  	_ =	shalt  }
0x4a: {  	_ =	shalt  }
0x4b: {  	_ =	shalt  }
0x4c: {  	_ =	shalt  }
0x4d: {  	_ =	shalt  }
0x4e: {  	_ =	shalt  }
0x4f: {  	_ =	shalt  }
0x50: {  	_ =	shalt  }
0x51: {  	_ =	shalt  }
0x52: {  	_ =	shalt  }
0x53: {  	_ =	shalt  }
0x54: {  	_ =	shalt  }
0x55: {  	_ =	shalt  }
0x56: {  	_ =	shalt  }
0x57: {  	_ =	shalt  }
0x58: {  	_ =	shalt  }
0x59: {  	_ =	shalt  }
0x5a: {  	_ =	shalt  }
0x5b: {  	_ =	shalt  }
0x5c: {  	_ =	shalt  }
0x5d: {  	_ =	shalt  }
0x5e: {  	_ =	shalt  }
0x5f: {  	_ =	shalt  }
0x60: {  	_ =	shalt  }
0x61: {  	_ =	shalt  }
0x62: {  	_ =	shalt  }
0x63: {  	_ =	shalt  }
0x64: {  	_ =	shalt  }
0x65: {  	_ =	shalt  }
0x66: {  	_ =	shalt  }
0x67: {  	_ =	shalt  }
0x68: {  	_ =	shalt  }
0x69: {  	_ =	shalt  }
0x6a: {  	_ =	shalt  }
0x6b: {  	_ =	shalt  }
0x6c: {  	_ =	shalt  }
0x6d: {  	_ =	shalt  }
0x6e: {  	_ =	shalt  }
0x6f: {  	_ =	shalt  }
0x70: {  	_ =	shalt  }
0x71: {  	_ =	shalt  }
0x72: {  	_ =	shalt  }
0x73: {  	_ =	shalt  }
0x74: {  	_ =	shalt  }
0x75: {  	_ =	shalt  }
0x76: {  	_ =	shalt  }
0x77: {  	_ =	shalt  }
0x78: {  	_ =	shalt  }
0x79: {  	_ =	shalt  }
0x7a: {  	_ =	shalt  }
0x7b: {  	_ =	shalt  }
0x7c: {  	_ =	shalt  }
0x7d: {  	_ =	shalt  }
0x7e: {  	_ =	shalt  }
0x7f: {  	_ =	shalt  }
0x80: {  	_ =	shalt  }
0x81: {  	_ =	shalt  }
0x82: {  	_ =	shalt  }
0x83: {  	_ =	shalt  }
0x84: {  	_ =	shalt  }
0x85: {  	_ =	shalt  }
0x86: {  	_ =	shalt  }
0x87: {  	_ =	shalt  }
.Lfunc_end0:
.L_simem_size_0:
called_computation_lowered:
.L_overlay_start_0:
0x88: {  	s2 =	sld [smem:$0x3FD9]  }
0x89: {  	s3 =	sld [smem:$0x3FFE];
	_ =	sdelay $0x1  }
0x8a: {  	s1 =	srdreg.scid  }
0x8b: {  	s0 =	sand.u32 $0x1, s1  }
0x8c: {  	s17 =	sshll.u32 s0, $0xA;
	s2 =	sadd.s32 s3, s2  }
0x8d: {  	s2 =	sadd.s32 s2, s17  }
0x8e: {  	[smem:$0x3FC2] =	sst s2  }
0x8f: {  	_ = 	snop  }
0x90: {  	s2 =	sld [smem:$0x3FC9]  }
0x91: {  	s18 =	sld [smem:$0x3FC8]  }
0x92: {  	s4 =	sld [smem:$0x3FC7]  }
0x93: {  	s5 =	sld [smem:$0x3FC6]  }
0x94: {  	s6 =	sld [smem:$0x3FC5]  }
0x95: {  	s7 =	sld [smem:$0x3FD0];
	(tm) =	ssettm $0x1  }
0x96: {  	s8 =	sld [smem:$0x3FFB];
	_ =	sdelay $0x3  }
0x97: {  	_ =	strace s8  }
0x98: {  	s8 =	sld [smem:$0x3FFC];
	_ =	sdelay $0x3  }
0x99: {  	_ =	strace s8  }
0x9a: {  	s8 =	sld [smem:$0x3FFD];
	_ =	sdelay $0x3  }
0x9b: {  	_ =	strace s8  }
0x9c: {  	_ =	strace $0x8FFFFFFF  }
0x9d: {  	s19 =	sld [smem:$0x3FDB];
	_ =	sdelay $0x1  }
0x9e: {  	s9 =	simm.s32 $_scs_section_size  }
0x9f: {  	s10 =	simm.s32 $_size__tile_overlayer_lowered;
	s11 =	simm.s32 $_tile_overlayer_lowered  }
0xa0: {  	s22 =	simm.s32 $0x1BFF;
	s21 =	sshll.u32 s11, $0x1;
	s8 =	sadd.s32 s9, s19  }
0xa1: {  	s12 =	simm.s32 $0x0;
	s20 =	sshll.u32 s10, $0x1;
	s10 =	sadd.s32 s21, s8  }
0xa2: {  	[timem:s12], [sflag:s22] =	dma.local [hbm:s10], s20  }
0xa3: {  	_ =	swait.ge [sflag:s22], s20  }
0xa4: {  	s9 =	ssub.s32 $0x0, s20;
	[sflag:s22] =	ssyncset.done $0x0  }
0xa5: {  	[sflag:s22] =	ssyncadd.s32 s9;
	_ =	sdelay $0x1  }
0xa6: {  	s23 =	simm.s32 $0x1B8B  }
0xa7: {  	_ =	swait.ge [sflag:s23], $0x1  }
0xa8: {  	[sflag:s23] =	ssyncset.done $0x0  }
0xa9: {  	s25 =	simm.s32 $0x1B8E;
	s24 =	sld [smem:$0x3FFE];
	[sflag:s23] =	ssyncadd.s32 $0xFFFFFFFF  }
0xaa: {  	s26 =	simm.s32 $execute0_lowered;
	[smem:$0x3FD2] =	sst s25  }
0xab: {  	s10 =	sshll.u32 s26, $0x1;
	_ =	strace $0x80000046;
	[dreg:$0x1] =	wrdreg $0xFFFFFFFF  }
0xac: {  	s28 =	simm.s32 $_size_execute0_lowered;
	s8 =	sadd.s32 s8, s10;
	[dreg:$0x0] =	wrdreg $0x0  }
0xad: {  	s10 =	sshll.u32 s28, $0x1;
	[dreg:$0x2] =	wrdreg s8  }
0xae: {  	[dreg:$0x3] =	wrdreg s10  }
0xaf: {  	[dreg:$0x4] =	wrdreg $0xC0  }
0xb0: {  	_ =	task [dreg:s12], $0x5FFFF  }
0xb1: {  	[dreg:$0x1] =	wrdreg $0xFFFFFFFF  }
0xb2: {  	[dreg:$0x0] =	wrdreg $0x60  }
0xb3: {  	[dreg:$0x2] =	wrdreg s2  }
0xb4: {  	[dreg:$0x3] =	wrdreg s18  }
0xb5: {  	[dreg:$0x4] =	wrdreg s4  }
0xb6: {  	[dreg:$0x5] =	wrdreg s5  }
0xb7: {  	[dreg:$0x6] =	wrdreg s6  }
0xb8: {  	[dreg:$0x7] =	wrdreg s24  }
0xb9: {  	[dreg:$0x8] =	wrdreg s7  }
0xba: {  	[dreg:$0x9] =	wrdreg $0x9  }
0xbb: {  	_ =	task.clear_ibuf [dreg:s12], $0xAFFFF;
	_ =	strace $0x90000046  }
0xbc: {  	s29 =	simm.s32 $0x9;
	_ =	strace $0x80000048  }
0xbd: {  	_ =	swait.ge [sflag:s29], $0x1  }
0xbe: {  	[sflag:s29] =	ssyncadd.s32 $0xFFFFFFFF  }
0xbf: {  	_ =	strace $0x90000048  }
0xc0: {  	_ =	sfence  }
0xc1: {  	s30 =	sld [smem:$0x0];
	_ =	sdelay $0x2  }
0xc2: {  	s31 =	sshll.u32 s1, $0xD;
	s1 =	sshrl.u32 s1, $0x2  }
0xc3: {  	s3 =	sand.u32 $0x4000, s31;
	s1 =	sadd.s32 s1, s30  }
0xc4: {  	s0 =	sor.u32 s3, s0;
	s1 =	sshll.u32 s1, $0x11  }
0xc5: {  	s0 =	sor.u32 s1, s0  }
0xc6: {  	s0 =	sadd.s32 $0x8F2B, s0  }
0xc7: {  	[sflag:s0] =	ssyncadd.remote.s32 $0x1  }
0xc8: {  	_ =	sfence.sel $0xFFFF  }
0xc9: {  	[dreg:$0x0] =	wrdreg $0xFFFFFFFF;
	(pc) =	sbr.abs _section_cstart, $3  }
0xca: {  	[dreg:$0x1] =	wrdreg $0xFFFFFFFF  }
0xcb: {  	_ =	task.clear_ibuf [dreg:s12], $0x2FFFF;
	_ =	strace $0x9FFFFFFF  }
0xcc: {  	(tm) =	ssettm $0x7FFFFFFF  }
0xcd: {  	_ =	shalt  }
tec
execute0_lowered:
.L_overlay_start_1:
0x0: {  	(tag) =	ssettag $0x1  }
0x1: {  	s0 =	rddreg [dreg:$0x0]  }
0x2: {  	s3 =	rddreg [dreg:$0x1]  }
0x3: {  	s16 =	rddreg [dreg:$0x2]  }
0x4: {  	s2 =	rddreg [dreg:$0x3]  }
0x5: {  	s4 =	rddreg [dreg:$0x5]  }
0x6: {  	s5 =	rddreg [dreg:$0x6];
	s10 =	simm.s32 $0x0;
	s6 =	srdreg.scid  }
0x7: {  	s9 =	stileid.u32;
	s14 =	simm.s32 $0x7A1400;
	s15 =	simm.s32 $0x400  }
0x8: {  	s19 =	simm.s32 $0x1400;
	s22 =	simm.s32 $0x2400;
	s17 =	simm.s32 $0xA400  }
0x9: {  	s31 =	simm.s32 $0x3400;
	s18 =	simm.s32 $0xB400;
	s11 =	simm.s32 $0x4400  }
0xa: {  	s20 =	simm.s32 $0x5400;
	s23 =	simm.s32 $0xD400;
	s1 =	simm.s32 $0x0  }
0xb: {  	s28 =	simm.s32 $0xD;
	s29 =	simm.s32 $0x6;
	s13 =	simm.s32 $0xF  }
0xc: {  	s12 =	simm.s32 $0x10;
	[smem:$0x7FF] =	sst s10;
	s6 =	sand.u32 $0x1, s6  }
0xd: {  	s9 =	sshll.u32 s9, $0x7;
	s4 =	sadd.s32 $0x400, s4;
	s7 =	ssub.s32 $0x2, s6  }
0xe: {  	_ =	strace $0x80000047;
	s6 =	sshll.u32 s6, $0x6;
	s8 =	sshrl.u32 s7, $0x1  }
0xf: {  	v0 =	vlaneseq.u32;
	vm0 =	vmmov $0x1;
	vm1 =	vmmov $0x3;
	[dreg:$0x8] =	wrdreg s4;
	s6 =	sor.u32 s6, s9;
	s24 =	ssub.s32 s7, s8  }
.Ltmp0:
0x10: {  	vm2 =	vmmov $0x7;
	vm3 =	vmmov $0xf;
	vm4 =	vmmov $0x1f;
	s0 =	sadd.s32 s0, s6;
	s25 =	sadd.s32 s3, s6;
	(pc) =	sbr.rel .LBB2_1-.Ltmp0, $4  }
0x11: {  	vm5 =	vmmov $0x3f;
	vm6 =	vmmov $0x7f;
	vm7 =	vmmov $0xff;
	s26 =	sadd.s32 s5, s6;
	s3 =	simm.s32 $0x11;
	[dreg:$0x9] =	wrdreg s0  }
0x12: {  	vm8 =	vmmov $0x1ff;
	vm9 =	vmmov $0x3ff;
	v0 =	vmul.u32 $0x80, v0;
	s8 =	simm.s32 $0x6400;
	s6 =	simm.s32 $0xE400;
	[dreg:$0xa] =	wrdreg s25  }
0x13: {  	vm10 =	vmmov $0x7ff;
	vm11 =	vmmov $0xfff;
	vm12 =	vmmov $0x1fff;
	s5 =	simm.s32 $0xF400;
	[dreg:$0xb] =	wrdreg s26;
	s30 =	smax.u32 s24, $0x1  }
0x14: {  	vm13 =	vmmov $0x3fff;
	vm14 =	vmmov $0x7fff;
	v1 =	vor.u32 $0x800, v0;
	s24 =	simm.s32 $0xC400;
	s26 =	simm.s32 $0x5;
	[dreg:$0xc] =	wrdreg s30  }
.LBB2_3:
0x15: {  	s0 =	rddreg [dreg:$0xf]  }
0x16: {  	[tilespmem:s0+$0x0] =	vst v7  }
.LBB2_5:
0x17: {  	s10 =	simm.s32 $0x0  }
0x18: {  	s0 =	rddreg [dreg:$0xb];
	s1 =	simm.s32 $0x10500;
	s3 =	simm.s32 $0x11  }
0x19: {  	[hbm4b:s0+s10] =	stream.linear.scatter [tilespmem:s1], [sflag:$0x11], $0x200, $0x38;
	[tilespmem:$0x10700] =	vst v63  }
0x1a: {  	_ =	swait.ge [sflag:s3], $0x200  }
0x1b: {  	s25 =	rddreg [dreg:$0xd]  }
0x1c: {  	s30 =	rddreg [dreg:$0xc];
	s1 =	sadd.s32 $0x1, s25  }
0x1d: {  	p0 =	sne.s32 s1, s30  }
.Ltmp1:
0x1e: {  	_ = 	snop;
	(pc) =	sbr.rel @!p0 .LBB2_6-.Ltmp1, $3  }
0x1f: {  	_ =	sdelay $0x1  }
0x20: {  	[sflag:s3] =	ssyncset.done $0x0  }
0x21: {  	[sflag:s3] =	ssyncadd.s32 $0xFFFFFE00  }
.LBB2_1:
0x22: {  	[dreg:$0xd] =	wrdreg s1  }
0x23: {  	s0 =	rddreg [dreg:$0x9]  }
0x24: {  	[tilespmem:s10], [sflag:$0x11] =	stream.linear.gather [hbm4b:s0+s10], $0x200, $0x38;
	[tilespmem:$0x10700] =	vst v63  }
0x25: {  	_ =	swait.ge [sflag:s3], $0x200  }
0x26: {  	[sflag:s3] =	ssyncset.done $0x0  }
0x27: {  	s7 =	simm.s32 $0x200;
	s21 =	rddreg [dreg:$0xa];
	[sflag:s3] =	ssyncadd.s32 $0xFFFFFE00  }
0x28: {  	[tilespmem:s7], [sflag:$0x11] =	stream.linear.gather [hbm4b:s21+s10], $0x200, $0x38;
	[tilespmem:$0x10700] =	vst v63  }
0x29: {  	_ =	swait.ge [sflag:s3], $0x200  }
0x2a: {  	[sflag:s3] =	ssyncset.done $0x0  }
0x2b: {  	[sflag:s3] =	ssyncadd.s32 $0xFFFFFE00  }
0x2c: {  	s4 =	simm.s32 $0x10400;
	s25 =	rddreg [dreg:$0x4]  }
0x2d: {  	[tilespmem:s4], [sflag:$0x11] =	stream.linear.gather [hbm4b:s25+s10], $0x80, $0x38;
	[tilespmem:$0x10700] =	vst v63  }
0x2e: {  	_ =	swait.ge [sflag:s3], $0x80  }
0x2f: {  	[sflag:s3] =	ssyncset.done $0x0  }
0x30: {  	s1 =	simm.s32 $0x10480;
	s30 =	rddreg [dreg:$0x8];
	[sflag:s3] =	ssyncadd.s32 $0xFFFFFF80  }
0x31: {  	[tilespmem:s1], [sflag:$0x11] =	stream.linear.gather [hbm4b:s30+s10], $0x80, $0x38;
	[tilespmem:$0x10700] =	vst v63  }
0x32: {  	_ =	swait.ge [sflag:s3], $0x80  }
0x33: {  	[sflag:s3] =	ssyncset.done $0x0  }
0x34: {  	[sflag:s3] =	ssyncadd.s32 $0xFFFFFF80  }
0x35: {  	v5 =	vld [tilespmem:$0x0]  }
0x36: {  	v6 =	vld [tilespmem:$0x200];
	_ =	sdelay $0x3  }
0x37: {  	(v2sf) =	vpush v5, $0x0  }
0x38: {  	(v2sf) =	vpush v6, $0x0;
	_ =	sdelay $0x7  }
0x39: {  	(v2sf) =	vpush v5, $0x1  }
0x3a: {  	(v2sf) =	vpush v6, $0x1;
	_ =	sdelay $0x4  }
0x3b: {  	s4 =	spop (v2sf);
	(v2sf) =	vpush v5, $0x2  }
0x3c: {  	s9 =	spop (v2sf);
	(v2sf) =	vpush v6, $0x2;
	_ =	sdelay $0x4  }
0x3d: {  	v2 =	vld [tilespmem:$0x10480];
	s0 =	sand.u32 $0xFFFFF80, s4  }
0x3e: {  	v3 =	vld [tilespmem:$0x10400];
	s0 =	sadd.s32 s16, s0;
	(v2sf) =	vpush v5, $0x3  }
0x3f: {  	v4 =	vld [tilespmem:$0x10410];
	[tilespmem:s15], [sflag:$0x1] =	stream.strided.gather [hbm4b:s0+s15], $0x1000, s14, s15, $0x38  }
0x40: {  	s21 =	spop (v2sf);
	s0 =	sand.u32 $0xFFFFF80, s9  }
0x41: {  	s10 =	simm.s32 $0x8400;
	s25 =	spop (v2sf);
	(v2sf) =	vpush v6, $0x3;
	s0 =	sadd.s32 s2, s0  }
0x42: {  	[tilespmem:s10], [sflag:$0x9] =	stream.strided.gather [hbm4b:s0+s15], $0x1000, s14, s15, $0x38;
	[tilespmem:$0x10700] =	vst v63  }
0x43: {  	s0 =	sand.u32 $0xFFFFF80, s21  }
0x44: {  	s0 =	sadd.s32 s16, s0  }
0x45: {  	[tilespmem:s19], [sflag:$0x2] =	stream.strided.gather [hbm4b:s0+s15], $0x1000, s14, s15, $0x38;
	[tilespmem:$0x10700] =	vst v63  }
0x46: {  	s0 =	sand.u32 $0xFFFFF80, s25;
	s1 =	spop (v2sf);
	(v2sf) =	vpush v5, $0x4  }
0x47: {  	s30 =	simm.s32 $0x9400;
	s0 =	sadd.s32 s2, s0;
	s3 =	spop (v2sf);
	(v2sf) =	vpush v6, $0x4  }
0x48: {  	[tilespmem:s30], [sflag:$0xA] =	stream.strided.gather [hbm4b:s0+s15], $0x1000, s14, s15, $0x38;
	[tilespmem:$0x10700] =	vst v63  }
0x49: {  	s0 =	sand.u32 $0xFFFFF80, s1  }
0x4a: {  	s0 =	sadd.s32 s16, s0;
	(v2sf) =	vpush v5, $0x5  }
0x4b: {  	[tilespmem:s22], [sflag:$0x3] =	stream.strided.gather [hbm4b:s0+s15], $0x1000, s14, s15, $0x38;
	[tilespmem:$0x10700] =	vst v63  }
0x4c: {  	s0 =	sand.u32 $0xFFFFF80, s3  }
0x4d: {  	s4 =	spop (v2sf);
	s0 =	sadd.s32 s2, s0  }
0x4e: {  	(v2sf) =	vpush v6, $0x5;
	[tilespmem:s17], [sflag:$0xB] =	stream.strided.gather [hbm4b:s0+s15], $0x1000, s14, s15, $0x38;
	[tilespmem:$0x10700] =	vst v63  }
0x4f: {  	s0 =	sand.u32 $0xFFFFF80, s4  }
0x50: {  	s9 =	spop (v2sf);
	(v2sf) =	vpush v5, $0x6;
	s0 =	sadd.s32 s16, s0  }
0x51: {  	[tilespmem:s31], [sflag:$0x4] =	stream.strided.gather [hbm4b:s0+s15], $0x1000, s14, s15, $0x38;
	[tilespmem:$0x10700] =	vst v63  }
0x52: {  	s0 =	sand.u32 $0xFFFFF80, s9  }
0x53: {  	s0 =	sadd.s32 s2, s0  }
0x54: {  	[tilespmem:s18], [sflag:$0xC] =	stream.strided.gather [hbm4b:s0+s15], $0x1000, s14, s15, $0x38;
	[tilespmem:$0x10700] =	vst v63  }
0x55: {  	s10 =	spop (v2sf);
	(v2sf) =	vpush v6, $0x6  }
0x56: {  	s0 =	sand.u32 $0xFFFFF80, s10;
	s17 =	spop (v2sf);
	(v2sf) =	vpush v5, $0x7  }
0x57: {  	s0 =	sadd.s32 s16, s0  }
0x58: {  	[tilespmem:s11], [sflag:$0x5] =	stream.strided.gather [hbm4b:s0+s15], $0x1000, s14, s15, $0x38;
	[tilespmem:$0x10700] =	vst v63  }
0x59: {  	s18 =	spop (v2sf);
	(v2sf) =	vpush v6, $0x7;
	s0 =	sand.u32 $0xFFFFF80, s17  }
0x5a: {  	s0 =	sadd.s32 s2, s0  }
0x5b: {  	[tilespmem:s24], [sflag:$0xD] =	stream.strided.gather [hbm4b:s0+s15], $0x1000, s14, s15, $0x38;
	[tilespmem:$0x10700] =	vst v63  }
0x5c: {  	s0 =	sand.u32 $0xFFFFF80, s18  }
0x5d: {  	s19 =	spop (v2sf);
	s0 =	sadd.s32 s16, s0  }
0x5e: {  	[tilespmem:s20], [sflag:$0x6] =	stream.strided.gather [hbm4b:s0+s15], $0x1000, s14, s15, $0x38;
	[tilespmem:$0x10700] =	vst v63  }
0x5f: {  	s21 =	spop (v2sf);
	s20 =	sand.u32 $0xFFFFF80, s19  }
0x60: {  	s22 =	sand.u32 $0xFFFFF80, s21;
	s0 =	sadd.s32 s2, s20  }
0x61: {  	[tilespmem:s23], [sflag:$0xE] =	stream.strided.gather [hbm4b:s0+s15], $0x1000, s14, s15, $0x38;
	[tilespmem:$0x10700] =	vst v63  }
0x62: {  	s0 =	sadd.s32 s16, s22  }
0x63: {  	[tilespmem:s8], [sflag:$0x7] =	stream.strided.gather [hbm4b:s0+s15], $0x1000, s14, s15, $0x38;
	[tilespmem:$0x10700] =	vst v63  }
0x64: {  	s23 =	spop (v2sf)  }
0x65: {  	s24 =	sand.u32 $0xFFFFF80, s23;
	s25 =	spop (v2sf)  }
0x66: {  	s0 =	sadd.s32 s2, s24;
	s30 =	sand.u32 $0xFFFFF80, s25  }
0x67: {  	[tilespmem:s6], [sflag:$0xF] =	stream.strided.gather [hbm4b:s0+s15], $0x1000, s14, s15, $0x38;
	[tilespmem:$0x10700] =	vst v63  }
0x68: {  	s10 =	simm.s32 $0x7400;
	s31 =	spop (v2sf);
	s0 =	sadd.s32 s16, s30  }
0x69: {  	[tilespmem:s10], [sflag:$0x8] =	stream.strided.gather [hbm4b:s0+s15], $0x1000, s14, s15, $0x38;
	[tilespmem:$0x10700] =	vst v63  }
0x6a: {  	s0 =	sand.u32 $0xFFFFF80, s31  }
0x6b: {  	s0 =	sadd.s32 s2, s0  }
0x6c: {  	[tilespmem:s5], [sflag:$0x10] =	stream.strided.gather [hbm4b:s0+s15], $0x1000, s14, s15, $0x38;
	[tilespmem:$0x10700] =	vst v63  }
0x6d: {  	s1 =	simm.s32 $0x0;
	s21 =	simm.s32 $0xFFFFFFE0;
	s0 =	simm.s32 $0x10500  }
.LBB2_2:
0x6e: {  	s5 =	sadd.s32 $0x21, s21  }
0x6f: {  	[dreg:$0xf] =	wrdreg s0;
	v15 =	vld [tilespmem:s1+$0x0];
	s0 =	smin.u32 s5, $0x1F  }
0x70: {  	[dreg:$0x10] =	wrdreg s1;
	v14 =	vld [tilespmem:s7+$0x0];
	s0 =	sshll.u32 s0, $0x4  }
0x71: {  	[dreg:$0xe] =	wrdreg s7;
	s4 =	simm.s32 $0x1;
	v5 =	vld [tilespmem:s0+$0x0]  }
0x72: {  	v6 =	vld [tilespmem:s0+$0x200];
	_ =	swait.ge [sflag:s4], $0x1000  }
0x73: {  	[sflag:s4] =	ssyncset.done $0x0  }
0x74: {  	s25 =	simm.s32 $0x9;
	[sflag:s4] =	ssyncadd.s32 $0xFFFFF000  }
0x75: {  	_ =	swait.ge [sflag:s25], $0x1000  }
0x76: {  	(v2sf) =	vpush v15, $0x0  }
0x77: {  	(v2sf) =	vpush v14, $0x0;
	_ =	sdelay $0xd  }
0x78: {  	s6 =	spop (v2sf)  }
0x79: {  	s3 =	spop (v2sf)  }
0x7a: {  	s3 =	sand.u32 $0x7F, s3  }
0x7b: {  	v7 =	vor.u32 s3, v0  }
0x7c: {  	s0 =	sand.u32 $0x7F, s6;
	v8 =	vor.u32 s3, v1  }
0x7d: {  	v9 =	vor.u32 s0, v0  }
0x7e: {  	[sflag:s25] =	ssyncset.done $0x0;
	v10 =	vor.u32 s0, v1  }
0x7f: {  	s7 =	simm.s32 $0x8400;
	[sflag:s25] =	ssyncadd.s32 $0xFFFFF000  }
0x80: {  	v7 =	vld.idx.msk [tilespmem:v7+s7+$0x0], $0xffff  }
0x81: {  	v8 =	vld.idx.msk [tilespmem:v8+s7+$0x0], $0xffff  }
0x82: {  	(v2sf) =	vpush v15, $0x8;
	v9 =	vld.idx.msk [tilespmem:v9+s15+$0x0], $0xffff  }
0x83: {  	(v2sf) =	vpush v14, $0x8;
	v10 =	vld.idx.msk [tilespmem:v10+s15+$0x0], $0xffff;
	_ =	sdelay $0x2  }
0x84: {  	v7 =	vmul.f32 v7, v3;
	v8 =	vmul.f32 v8, v4;
	_ =	sdelay $0x1  }
0x85: {  	v7 =	vmul.f32 v7, v9;
	v8 =	vmul.f32 v8, v10;
	_ =	sdelay $0x1  }
0x86: {  	v7 =	vadd.f32 v8, v7;
	_ =	sdelay $0x1  }
0x87: {  	(xrf2) =	vadd.scan.msk.f32 $0xffff, v7;
	_ =	sdelay $0x4  }
0x88: {  	s9 =	spop (v2sf)  }
0x89: {  	s0 =	sand.u32 $0xFFFFF80, s9;
	s5 =	spop (v2sf)  }
0x8a: {  	s8 =	simm.s32 $0x8400;
	s0 =	sadd.s32 s16, s0;
	s11 =	sand.u32 $0xFFFFF80, s5  }
0x8b: {  	[tilespmem:s15], [sflag:$0x1] =	stream.strided.gather [hbm4b:s0+s15], $0x1000, s14, s15, $0x38;
	[tilespmem:$0x10700] =	vst v63  }
0x8c: {  	s22 =	simm.s32 $0x2;
	[dreg:$0x11] =	wrdreg s9;
	s0 =	sadd.s32 s2, s11  }
0x8d: {  	[tilespmem:s8], [sflag:$0x9] =	stream.strided.gather [hbm4b:s0+s15], $0x1000, s14, s15, $0x38;
	v7, _, _ =	vpop (xrf2);
	[tilespmem:$0x10700] =	vst v63  }
0x8e: {  	_ =	swait.ge [sflag:s22], $0x1000  }
0x8f: {  	[sflag:s22] =	ssyncset.done $0x0  }
0x90: {  	s19 =	simm.s32 $0xA;
	[sflag:s22] =	ssyncadd.s32 $0xFFFFF000  }
0x91: {  	_ =	swait.ge [sflag:s19], $0x1000  }
0x92: {  	(v2sf) =	vpush v15, $0x1  }
0x93: {  	(v2sf) =	vpush v14, $0x1;
	_ =	sdelay $0xd  }
0x94: {  	s17 =	spop (v2sf)  }
0x95: {  	s18 =	spop (v2sf)  }
0x96: {  	s3 =	sand.u32 $0x7F, s18  }
0x97: {  	v8 =	vor.u32 s3, v0  }
0x98: {  	s0 =	sand.u32 $0x7F, s17;
	v38 =	vor.u32 s3, v1  }
0x99: {  	v39 =	vor.u32 s0, v0  }
0x9a: {  	[sflag:s19] =	ssyncset.done $0x0;
	v11 =	vor.u32 s0, v1  }
0x9b: {  	s20 =	simm.s32 $0x9400;
	[sflag:s19] =	ssyncadd.s32 $0xFFFFF000  }
0x9c: {  	v8 =	vld.idx.msk [tilespmem:v8+s20+$0x0], $0xffff  }
0x9d: {  	s24 =	simm.s32 $0x1400;
	v9 =	vld.idx.msk [tilespmem:v38+s20+$0x0], $0xffff  }
0x9e: {  	(v2sf) =	vpush v15, $0x9;
	v10 =	vld.idx.msk [tilespmem:v39+s24+$0x0], $0xffff  }
0x9f: {  	(v2sf) =	vpush v14, $0x9;
	v11 =	vld.idx.msk [tilespmem:v11+s24+$0x0], $0xffff;
	_ =	sdelay $0x2  }
0xa0: {  	v8 =	vmul.f32 v8, v3;
	v9 =	vmul.f32 v9, v4;
	_ =	sdelay $0x1  }
0xa1: {  	v8 =	vmul.f32 v8, v10;
	v9 =	vmul.f32 v9, v11;
	_ =	sdelay $0x1  }
0xa2: {  	v8 =	vadd.f32 v9, v8;
	_ =	sdelay $0x1  }
0xa3: {  	(xrf2) =	vadd.scan.msk.f32 $0xffff, v8;
	_ =	sdelay $0x4  }
0xa4: {  	s23 =	simm.s32 $0x9400;
	s7 =	spop (v2sf)  }
0xa5: {  	s30 =	simm.s32 $0x1400;
	s0 =	sand.u32 $0xFFFFF80, s7;
	s6 =	spop (v2sf)  }
0xa6: {  	[dreg:$0x12] =	wrdreg s7;
	s0 =	sadd.s32 s16, s0;
	s8 =	sand.u32 $0xFFFFF80, s6  }
0xa7: {  	[tilespmem:s30], [sflag:$0x2] =	stream.strided.gather [hbm4b:s0+s15], $0x1000, s14, s15, $0x38;
	[tilespmem:$0x10700] =	vst v63  }
0xa8: {  	s17 =	simm.s32 $0x3;
	[dreg:$0x16] =	wrdreg s6;
	s0 =	sadd.s32 s2, s8  }
0xa9: {  	[tilespmem:s23], [sflag:$0xA] =	stream.strided.gather [hbm4b:s0+s15], $0x1000, s14, s15, $0x38;
	v8, _, _ =	vpop (xrf2);
	[tilespmem:$0x10700] =	vst v63  }
0xaa: {  	_ =	swait.ge [sflag:s17], $0x1000  }
0xab: {  	[sflag:s17] =	ssyncset.done $0x0  }
0xac: {  	s20 =	simm.s32 $0xB;
	[sflag:s17] =	ssyncadd.s32 $0xFFFFF000  }
0xad: {  	_ =	swait.ge [sflag:s20], $0x1000  }
0xae: {  	(v2sf) =	vpush v15, $0x2  }
0xaf: {  	(v2sf) =	vpush v14, $0x2;
	_ =	sdelay $0xd  }
0xb0: {  	s9 =	spop (v2sf)  }
0xb1: {  	s11 =	spop (v2sf)  }
0xb2: {  	s3 =	sand.u32 $0x7F, s11  }
0xb3: {  	v40 =	vor.u32 s3, v0  }
0xb4: {  	s0 =	sand.u32 $0x7F, s9;
	v41 =	vor.u32 s3, v1  }
0xb5: {  	v42 =	vor.u32 s0, v0  }
0xb6: {  	[sflag:s20] =	ssyncset.done $0x0;
	v12 =	vor.u32 s0, v1  }
0xb7: {  	s18 =	simm.s32 $0xA400;
	[sflag:s20] =	ssyncadd.s32 $0xFFFFF000  }
0xb8: {  	v9 =	vld.idx.msk [tilespmem:v40+s18+$0x0], $0xffff  }
0xb9: {  	s24 =	simm.s32 $0x2400;
	v10 =	vld.idx.msk [tilespmem:v41+s18+$0x0], $0xffff  }
0xba: {  	(v2sf) =	vpush v15, $0xA;
	v11 =	vld.idx.msk [tilespmem:v42+s24+$0x0], $0xffff  }
0xbb: {  	(v2sf) =	vpush v14, $0xA;
	v12 =	vld.idx.msk [tilespmem:v12+s24+$0x0], $0xffff;
	_ =	sdelay $0x2  }
0xbc: {  	v9 =	vmul.f32 v9, v3;
	v10 =	vmul.f32 v10, v4;
	_ =	sdelay $0x1  }
0xbd: {  	v9 =	vmul.f32 v9, v11;
	v10 =	vmul.f32 v10, v12;
	_ =	sdelay $0x1  }
0xbe: {  	v9 =	vadd.f32 v10, v9;
	_ =	sdelay $0x1  }
0xbf: {  	(xrf2) =	vadd.scan.msk.f32 $0xffff, v9;
	_ =	sdelay $0x4  }
0xc0: {  	s30 =	simm.s32 $0x2400;
	s6 =	spop (v2sf)  }
0xc1: {  	s23 =	simm.s32 $0xA400;
	s0 =	sand.u32 $0xFFFFF80, s6;
	s7 =	spop (v2sf)  }
0xc2: {  	[dreg:$0x13] =	wrdreg s6;
	s0 =	sadd.s32 s16, s0;
	s8 =	sand.u32 $0xFFFFF80, s7  }
0xc3: {  	[tilespmem:s30], [sflag:$0x3] =	stream.strided.gather [hbm4b:s0+s15], $0x1000, s14, s15, $0x38;
	[tilespmem:$0x10700] =	vst v63  }
0xc4: {  	s18 =	simm.s32 $0x4;
	[dreg:$0x18] =	wrdreg s7;
	s0 =	sadd.s32 s2, s8  }
0xc5: {  	[tilespmem:s23], [sflag:$0xB] =	stream.strided.gather [hbm4b:s0+s15], $0x1000, s14, s15, $0x38;
	v9, _, _ =	vpop (xrf2);
	[tilespmem:$0x10700] =	vst v63  }
0xc6: {  	_ =	swait.ge [sflag:s18], $0x1000  }
0xc7: {  	[sflag:s18] =	ssyncset.done $0x0  }
0xc8: {  	s24 =	simm.s32 $0xC;
	[sflag:s18] =	ssyncadd.s32 $0xFFFFF000  }
0xc9: {  	_ =	swait.ge [sflag:s24], $0x1000  }
0xca: {  	(v2sf) =	vpush v15, $0x3  }
0xcb: {  	(v2sf) =	vpush v14, $0x3;
	_ =	sdelay $0xd  }
0xcc: {  	s9 =	spop (v2sf)  }
0xcd: {  	s11 =	spop (v2sf)  }
0xce: {  	s3 =	sand.u32 $0x7F, s11  }
0xcf: {  	v43 =	vor.u32 s3, v0  }
0xd0: {  	s0 =	sand.u32 $0x7F, s9;
	v44 =	vor.u32 s3, v1  }
0xd1: {  	v45 =	vor.u32 s0, v0  }
0xd2: {  	[sflag:s24] =	ssyncset.done $0x0;
	v13 =	vor.u32 s0, v1  }
0xd3: {  	s23 =	simm.s32 $0xB400;
	[sflag:s24] =	ssyncadd.s32 $0xFFFFF000  }
0xd4: {  	v10 =	vld.idx.msk [tilespmem:v43+s23+$0x0], $0xffff  }
0xd5: {  	s3 =	simm.s32 $0x3400;
	v11 =	vld.idx.msk [tilespmem:v44+s23+$0x0], $0xffff  }
0xd6: {  	(v2sf) =	vpush v15, $0xB;
	v12 =	vld.idx.msk [tilespmem:v45+s3+$0x0], $0xffff  }
0xd7: {  	(v2sf) =	vpush v14, $0xB;
	v13 =	vld.idx.msk [tilespmem:v13+s3+$0x0], $0xffff;
	_ =	sdelay $0x2  }
0xd8: {  	v10 =	vmul.f32 v10, v3;
	v11 =	vmul.f32 v11, v4;
	_ =	sdelay $0x1  }
0xd9: {  	v10 =	vmul.f32 v10, v12;
	v11 =	vmul.f32 v11, v13;
	_ =	sdelay $0x1  }
0xda: {  	v10 =	vadd.f32 v11, v10;
	_ =	sdelay $0x1  }
0xdb: {  	(xrf2) =	vadd.scan.msk.f32 $0xffff, v10;
	_ =	sdelay $0x4  }
0xdc: {  	s7 =	spop (v2sf)  }
0xdd: {  	s0 =	sand.u32 $0xFFFFF80, s7;
	s31 =	spop (v2sf)  }
0xde: {  	s6 =	simm.s32 $0x3400;
	s0 =	sadd.s32 s16, s0;
	s8 =	sand.u32 $0xFFFFF80, s31  }
0xdf: {  	[tilespmem:s6], [sflag:$0x4] =	stream.strided.gather [hbm4b:s0+s15], $0x1000, s14, s15, $0x38;
	[tilespmem:$0x10700] =	vst v63  }
0xe0: {  	s30 =	simm.s32 $0xB400;
	[dreg:$0x14] =	wrdreg s7;
	s0 =	sadd.s32 s2, s8  }
0xe1: {  	[tilespmem:s30], [sflag:$0xC] =	stream.strided.gather [hbm4b:s0+s15], $0x1000, s14, s15, $0x38;
	v10, _, _ =	vpop (xrf2);
	[tilespmem:$0x10700] =	vst v63  }
0xe2: {  	_ =	swait.ge [sflag:s26], $0x1000  }
0xe3: {  	[sflag:s26] =	ssyncset.done $0x0  }
0xe4: {  	[sflag:s26] =	ssyncadd.s32 $0xFFFFF000  }
0xe5: {  	_ =	swait.ge [sflag:s28], $0x1000  }
0xe6: {  	(v2sf) =	vpush v15, $0x4  }
0xe7: {  	(v2sf) =	vpush v14, $0x4;
	_ =	sdelay $0xd  }
0xe8: {  	s9 =	spop (v2sf)  }
0xe9: {  	s11 =	spop (v2sf)  }
0xea: {  	s3 =	sand.u32 $0x7F, s11  }
0xeb: {  	v46 =	vor.u32 s3, v0  }
0xec: {  	s0 =	sand.u32 $0x7F, s9;
	v47 =	vor.u32 s3, v1  }
0xed: {  	v48 =	vor.u32 s0, v0  }
0xee: {  	[sflag:s28] =	ssyncset.done $0x0;
	v16 =	vor.u32 s0, v1  }
0xef: {  	s23 =	simm.s32 $0xC400;
	[sflag:s28] =	ssyncadd.s32 $0xFFFFF000  }
0xf0: {  	v11 =	vld.idx.msk [tilespmem:v46+s23+$0x0], $0xffff  }
0xf1: {  	s7 =	simm.s32 $0x4400;
	v12 =	vld.idx.msk [tilespmem:v47+s23+$0x0], $0xffff  }
0xf2: {  	(v2sf) =	vpush v15, $0xC;
	v13 =	vld.idx.msk [tilespmem:v48+s7+$0x0], $0xffff  }
0xf3: {  	(v2sf) =	vpush v14, $0xC;
	v16 =	vld.idx.msk [tilespmem:v16+s7+$0x0], $0xffff;
	_ =	sdelay $0x2  }
0xf4: {  	v11 =	vmul.f32 v11, v3;
	v12 =	vmul.f32 v12, v4;
	_ =	sdelay $0x1  }
0xf5: {  	v11 =	vmul.f32 v11, v13;
	v12 =	vmul.f32 v12, v16;
	_ =	sdelay $0x1  }
0xf6: {  	v11 =	vadd.f32 v12, v11;
	_ =	sdelay $0x1  }
0xf7: {  	(xrf2) =	vadd.scan.msk.f32 $0xffff, v11;
	_ =	sdelay $0x4  }
0xf8: {  	s9 =	spop (v2sf)  }
0xf9: {  	s11 =	sand.u32 $0xFFFFF80, s9;
	s0 =	spop (v2sf)  }
0xfa: {  	s8 =	simm.s32 $0x4400;
	s3 =	sadd.s32 s16, s11;
	s23 =	sand.u32 $0xFFFFF80, s0  }
0xfb: {  	[tilespmem:s8], [sflag:$0x5] =	stream.strided.gather [hbm4b:s3+s15], $0x1000, s14, s15, $0x38;
	[tilespmem:$0x10700] =	vst v63  }
0xfc: {  	s30 =	simm.s32 $0xC400;
	[dreg:$0x15] =	wrdreg s9;
	s3 =	sadd.s32 s2, s23  }
0xfd: {  	[tilespmem:s30], [sflag:$0xD] =	stream.strided.gather [hbm4b:s3+s15], $0x1000, s14, s15, $0x38;
	v11, _, _ =	vpop (xrf2);
	[tilespmem:$0x10700] =	vst v63  }
0xfe: {  	_ =	swait.ge [sflag:s29], $0x1000  }
0xff: {  	[sflag:s29] =	ssyncset.done $0x0  }
0x100: {  	s23 =	simm.s32 $0xE;
	[sflag:s29] =	ssyncadd.s32 $0xFFFFF000  }
0x101: {  	_ =	swait.ge [sflag:s23], $0x1000  }
0x102: {  	(v2sf) =	vpush v15, $0x5  }
0x103: {  	(v2sf) =	vpush v14, $0x5;
	_ =	sdelay $0xd  }
0x104: {  	s30 =	spop (v2sf)  }
0x105: {  	s1 =	spop (v2sf)  }
0x106: {  	s6 =	sand.u32 $0x7F, s1  }
0x107: {  	v49 =	vor.u32 s6, v0  }
0x108: {  	s3 =	sand.u32 $0x7F, s30;
	v50 =	vor.u32 s6, v1  }
0x109: {  	v51 =	vor.u32 s3, v0  }
0x10a: {  	[sflag:s23] =	ssyncset.done $0x0;
	v17 =	vor.u32 s3, v1  }
0x10b: {  	[sflag:s23] =	ssyncadd.s32 $0xFFFFF000;
	s6 =	simm.s32 $0xD400  }
0x10c: {  	v12 =	vld.idx.msk [tilespmem:v49+s6+$0x0], $0xffff  }
0x10d: {  	s7 =	simm.s32 $0x5400;
	(v2sf) =	vpush v15, $0xD;
	v13 =	vld.idx.msk [tilespmem:v50+s6+$0x0], $0xffff  }
0x10e: {  	(v2sf) =	vpush v14, $0xD;
	v16 =	vld.idx.msk [tilespmem:v51+s7+$0x0], $0xffff  }
0x10f: {  	v17 =	vld.idx.msk [tilespmem:v17+s7+$0x0], $0xffff;
	_ =	sdelay $0x2  }
0x110: {  	v12 =	vmul.f32 v12, v3;
	v13 =	vmul.f32 v13, v4;
	_ =	sdelay $0x1  }
0x111: {  	v12 =	vmul.f32 v12, v16;
	v13 =	vmul.f32 v13, v17;
	_ =	sdelay $0x1  }
0x112: {  	v12 =	vadd.f32 v13, v12;
	_ =	sdelay $0x1  }
0x113: {  	(xrf2) =	vadd.scan.msk.f32 $0xffff, v12;
	_ =	sdelay $0x3  }
0x114: {  	s9 =	spop (v2sf)  }
0x115: {  	s11 =	sand.u32 $0xFFFFF80, s9;
	s3 =	spop (v2sf)  }
0x116: {  	s8 =	simm.s32 $0x5400;
	s7 =	sadd.s32 s16, s11;
	s30 =	sand.u32 $0xFFFFF80, s3  }
0x117: {  	[tilespmem:s8], [sflag:$0x6] =	stream.strided.gather [hbm4b:s7+s15], $0x1000, s14, s15, $0x38;
	[tilespmem:$0x10700] =	vst v63  }
0x118: {  	s6 =	simm.s32 $0xD400;
	s7 =	sadd.s32 s2, s30  }
0x119: {  	[tilespmem:s6], [sflag:$0xE] =	stream.strided.gather [hbm4b:s7+s15], $0x1000, s14, s15, $0x38;
	[tilespmem:$0x10700] =	vst v63  }
0x11a: {  	[dreg:$0x17] =	wrdreg s9;
	s6 =	simm.s32 $0x7;
	v12, _, _ =	vpop (xrf2)  }
0x11b: {  	_ =	swait.ge [sflag:s6], $0x1000  }
0x11c: {  	[sflag:s6] =	ssyncset.done $0x0  }
0x11d: {  	[sflag:s6] =	ssyncadd.s32 $0xFFFFF000  }
0x11e: {  	_ =	swait.ge [sflag:s13], $0x1000  }
0x11f: {  	(v2sf) =	vpush v15, $0x6  }
0x120: {  	(v2sf) =	vpush v14, $0x6;
	_ =	sdelay $0xd  }
0x121: {  	s1 =	spop (v2sf)  }
0x122: {  	s8 =	spop (v2sf)  }
0x123: {  	s8 =	sand.u32 $0x7F, s8  }
0x124: {  	v52 =	vor.u32 s8, v0  }
0x125: {  	s7 =	sand.u32 $0x7F, s1;
	v53 =	vor.u32 s8, v1  }
0x126: {  	v54 =	vor.u32 s7, v0  }
0x127: {  	[sflag:s13] =	ssyncset.done $0x0;
	v18 =	vor.u32 s7, v1  }
0x128: {  	[sflag:s13] =	ssyncadd.s32 $0xFFFFF000;
	s7 =	simm.s32 $0xE400  }
0x129: {  	v13 =	vld.idx.msk [tilespmem:v52+s7+$0x0], $0xffff  }
0x12a: {  	(v2sf) =	vpush v15, $0xE;
	s8 =	simm.s32 $0x6400;
	v16 =	vld.idx.msk [tilespmem:v53+s7+$0x0], $0xffff  }
0x12b: {  	v17 =	vld.idx.msk [tilespmem:v54+s8+$0x0], $0xffff  }
0x12c: {  	(v2sf) =	vpush v14, $0xE;
	v18 =	vld.idx.msk [tilespmem:v18+s8+$0x0], $0xffff;
	_ =	sdelay $0x2  }
0x12d: {  	v13 =	vmul.f32 v13, v3;
	v16 =	vmul.f32 v16, v4;
	_ =	sdelay $0x1  }
0x12e: {  	v13 =	vmul.f32 v13, v17;
	v16 =	vmul.f32 v16, v18;
	_ =	sdelay $0x1  }
0x12f: {  	v13 =	vadd.f32 v16, v13;
	_ =	sdelay $0x1  }
0x130: {  	(xrf2) =	vadd.scan.msk.f32 $0xffff, v13;
	_ =	sdelay $0x3  }
0x131: {  	s30 =	spop (v2sf)  }
0x132: {  	s11 =	sand.u32 $0xFFFFF80, s30  }
0x133: {  	s1 =	simm.s32 $0x6400;
	s8 =	spop (v2sf);
	s7 =	sadd.s32 s16, s11  }
0x134: {  	[tilespmem:s1], [sflag:$0x7] =	stream.strided.gather [hbm4b:s7+s15], $0x1000, s14, s15, $0x38;
	[tilespmem:$0x10700] =	vst v63  }
0x135: {  	s1 =	sand.u32 $0xFFFFF80, s8  }
0x136: {  	s9 =	simm.s32 $0xE400;
	s7 =	sadd.s32 s2, s1;
	s1 =	simm.s32 $0x8  }
0x137: {  	[tilespmem:s9], [sflag:$0xF] =	stream.strided.gather [hbm4b:s7+s15], $0x1000, s14, s15, $0x38;
	v13, _, _ =	vpop (xrf2);
	[tilespmem:$0x10700] =	vst v63  }
0x138: {  	_ =	swait.ge [sflag:s1], $0x1000  }
0x139: {  	[sflag:s1] =	ssyncset.done $0x0  }
0x13a: {  	[sflag:s1] =	ssyncadd.s32 $0xFFFFF000  }
0x13b: {  	_ =	swait.ge [sflag:s12], $0x1000  }
0x13c: {  	(v2sf) =	vpush v15, $0x7  }
0x13d: {  	(v2sf) =	vpush v14, $0x7;
	_ =	sdelay $0xd  }
0x13e: {  	s7 =	spop (v2sf)  }
0x13f: {  	s11 =	spop (v2sf)  }
0x140: {  	s9 =	sand.u32 $0x7F, s11  }
0x141: {  	v55 =	vor.u32 s9, v0  }
0x142: {  	s7 =	sand.u32 $0x7F, s7;
	v56 =	vor.u32 s9, v1  }
0x143: {  	v57 =	vor.u32 s7, v0  }
0x144: {  	[sflag:s12] =	ssyncset.done $0x0;
	v19 =	vor.u32 s7, v1  }
0x145: {  	[sflag:s12] =	ssyncadd.s32 $0xFFFFF000;
	s11 =	simm.s32 $0xF400  }
0x146: {  	s9 =	simm.s32 $0xF400;
	v16 =	vld.idx.msk [tilespmem:v55+s11+$0x0], $0xffff  }
0x147: {  	(v2sf) =	vpush v15, $0xF;
	v17 =	vld.idx.msk [tilespmem:v56+s9+$0x0], $0xffff  }
0x148: {  	v58 =	vld.idx.msk [tilespmem:v57+s10+$0x0], $0xffff  }
0x149: {  	(v2sf) =	vpush v14, $0xF;
	v59 =	vld.idx.msk [tilespmem:v19+s10+$0x0], $0xffff;
	_ =	sdelay $0x2  }
0x14a: {  	v60 =	vmul.f32 v16, v3;
	v61 =	vmul.f32 v17, v4;
	_ =	sdelay $0x1  }
0x14b: {  	v14 =	vmul.f32 v60, v58;
	v62 =	vmul.f32 v61, v59;
	_ =	sdelay $0x1  }
0x14c: {  	v14 =	vadd.f32 v62, v14;
	_ =	sdelay $0x1  }
0x14d: {  	(xrf2) =	vadd.scan.msk.f32 $0xffff, v14;
	_ =	sdelay $0x3  }
0x14e: {  	s7 =	spop (v2sf)  }
0x14f: {  	s10 =	sand.u32 $0xFFFFF80, s7  }
0x150: {  	s11 =	simm.s32 $0x7400;
	s9 =	spop (v2sf);
	s10 =	sadd.s32 s16, s10  }
0x151: {  	[tilespmem:s11], [sflag:$0x8] =	stream.strided.gather [hbm4b:s10+s15], $0x1000, s14, s15, $0x38;
	[tilespmem:$0x10700] =	vst v63  }
0x152: {  	s11 =	sand.u32 $0xFFFFF80, s9  }
0x153: {  	s10 =	sadd.s32 s2, s11;
	s11 =	simm.s32 $0xF400  }
0x154: {  	[tilespmem:s11], [sflag:$0x10] =	stream.strided.gather [hbm4b:s10+s15], $0x1000, s14, s15, $0x38;
	v14, _, _ =	vpop (xrf2);
	[tilespmem:$0x10700] =	vst v63  }
0x155: {  	s5 =	sand.u32 $0x7F, s5;
	_ =	swait.ge [sflag:s4], $0x1000  }
0x156: {  	v63 =	vor.u32 s5, v0;
	[sflag:s4] =	ssyncset.done $0x0;
	s11 =	rddreg [dreg:$0x11]  }
0x157: {  	v21 =	vor.u32 s5, v1;
	[sflag:s4] =	ssyncadd.s32 $0xFFFFF000;
	s4 =	sand.u32 $0x7F, s11  }
0x158: {  	_ =	swait.ge [sflag:s25], $0x1000;
	v22 =	vor.u32 s4, v0  }
0x159: {  	v23 =	vor.u32 s4, v1;
	[sflag:s25] =	ssyncset.done $0x0  }
0x15a: {  	p0 =	seq.s32 s21, $0xFFFFFFFF;
	s5 =	simm.s32 $0x8400;
	[sflag:s25] =	ssyncadd.s32 $0xFFFFF000  }
0x15b: {  	(v2sf) =	vpush @!p0 v5, $0x0;
	v15 =	vld.idx.msk [tilespmem:v63+s5+$0x0], $0xffff  }
0x15c: {  	v16 =	vld.idx.msk [tilespmem:v21+s5+$0x0], $0xffff  }
0x15d: {  	v17 =	vld.idx.msk [tilespmem:v22+s15+$0x0], $0xffff  }
0x15e: {  	v18 =	vld.idx.msk [tilespmem:v23+s15+$0x0], $0xffff  }
0x15f: {  	(v2sf) =	vpush @!p0 v6, $0x0;
	_ =	sdelay $0x1  }
0x160: {  	v15 =	vmul.f32 v15, v3;
	v16 =	vmul.f32 v16, v4;
	_ =	sdelay $0x1  }
0x161: {  	v15 =	vmul.f32 v15, v17;
	v16 =	vmul.f32 v16, v18;
	_ =	sdelay $0x1  }
0x162: {  	v15 =	vadd.f32 v16, v15;
	_ =	sdelay $0x1  }
0x163: {  	(xrf2) =	vadd.scan.msk.f32 $0xffff, v15;
	_ =	sdelay $0x2  }
0x164: {  	s5 =	spop @!p0 (v2sf)  }
0x165: {  	s5 =	sand.u32 @!p0 $0xFFFFF80, s5  }
0x166: {  	s25 =	simm.s32 @!p0 $0x400;
	s10 =	sadd.s32 @!p0 s16, s5;
	s5 =	simm.s32 @!p0 $0x7A1400  }
0x167: {  	[tilespmem:s25], [sflag:$0x1] =	stream.strided.gather @!p0 [hbm4b:s10+s25], $0x1000, s5, s25, $0x38;
	[tilespmem:$0x10700] =	vst v63  }
0x168: {  	s10 =	spop @!p0 (v2sf)  }
0x169: {  	s10 =	sand.u32 @!p0 $0xFFFFF80, s10  }
0x16a: {  	s4 =	simm.s32 @!p0 $0x8400;
	s10 =	sadd.s32 @!p0 s2, s10  }
0x16b: {  	[tilespmem:s4], [sflag:$0x9] =	stream.strided.gather @!p0 [hbm4b:s10+s25], $0x1000, s5, s25, $0x38;
	v15, _, _ =	vpop (xrf2);
	[tilespmem:$0x10700] =	vst v63  }
0x16c: {  	_ =	swait.ge [sflag:s22], $0x1000  }
0x16d: {  	s10 =	rddreg [dreg:$0x16]  }
0x16e: {  	s4 =	sand.u32 $0x7F, s10  }
0x16f: {  	[sflag:s22] =	ssyncset.done $0x0;
	s11 =	rddreg [dreg:$0x12];
	v24 =	vor.u32 s4, v0  }
0x170: {  	[sflag:s22] =	ssyncadd.s32 $0xFFFFF000;
	s10 =	sand.u32 $0x7F, s11;
	v25 =	vor.u32 s4, v1  }
0x171: {  	_ =	swait.ge [sflag:s19], $0x1000;
	v26 =	vor.u32 s10, v0  }
0x172: {  	v27 =	vor.u32 s10, v1;
	[sflag:s19] =	ssyncset.done $0x0  }
0x173: {  	s22 =	simm.s32 $0x9400;
	[sflag:s19] =	ssyncadd.s32 $0xFFFFF000  }
0x174: {  	(v2sf) =	vpush @!p0 v5, $0x1;
	v16 =	vld.idx.msk [tilespmem:v24+s22+$0x0], $0xffff  }
0x175: {  	s10 =	simm.s32 $0x1400;
	v17 =	vld.idx.msk [tilespmem:v25+s22+$0x0], $0xffff  }
0x176: {  	v18 =	vld.idx.msk [tilespmem:v26+s10+$0x0], $0xffff  }
0x177: {  	v19 =	vld.idx.msk [tilespmem:v27+s10+$0x0], $0xffff  }
0x178: {  	(v2sf) =	vpush @!p0 v6, $0x1;
	_ =	sdelay $0x1  }
0x179: {  	v16 =	vmul.f32 v16, v3;
	v17 =	vmul.f32 v17, v4;
	_ =	sdelay $0x1  }
0x17a: {  	v16 =	vmul.f32 v16, v18;
	v17 =	vmul.f32 v17, v19;
	_ =	sdelay $0x1  }
0x17b: {  	v16 =	vadd.f32 v17, v16;
	_ =	sdelay $0x1  }
0x17c: {  	(xrf2) =	vadd.scan.msk.f32 $0xffff, v16;
	_ =	sdelay $0x2  }
0x17d: {  	s4 =	spop @!p0 (v2sf)  }
0x17e: {  	s4 =	sand.u32 @!p0 $0xFFFFF80, s4  }
0x17f: {  	s10 =	simm.s32 @!p0 $0x1400;
	s4 =	sadd.s32 @!p0 s16, s4  }
0x180: {  	[tilespmem:s10], [sflag:$0x2] =	stream.strided.gather @!p0 [hbm4b:s4+s25], $0x1000, s5, s25, $0x38;
	[tilespmem:$0x10700] =	vst v63  }
0x181: {  	s4 =	spop @!p0 (v2sf)  }
0x182: {  	s4 =	sand.u32 @!p0 $0xFFFFF80, s4  }
0x183: {  	s10 =	simm.s32 @!p0 $0x9400;
	s4 =	sadd.s32 @!p0 s2, s4  }
0x184: {  	[tilespmem:s10], [sflag:$0xA] =	stream.strided.gather @!p0 [hbm4b:s4+s25], $0x1000, s5, s25, $0x38;
	v16, _, _ =	vpop (xrf2);
	[tilespmem:$0x10700] =	vst v63  }
0x185: {  	_ =	swait.ge [sflag:s17], $0x1000  }
0x186: {  	s11 =	rddreg [dreg:$0x18]  }
0x187: {  	[sflag:s17] =	ssyncset.done $0x0;
	s4 =	sand.u32 $0x7F, s11  }
0x188: {  	[sflag:s17] =	ssyncadd.s32 $0xFFFFF000;
	s17 =	rddreg [dreg:$0x13];
	v28 =	vor.u32 s4, v0  }
0x189: {  	s10 =	sand.u32 $0x7F, s17;
	v29 =	vor.u32 s4, v1  }
0x18a: {  	_ =	swait.ge [sflag:s20], $0x1000;
	v30 =	vor.u32 s10, v0  }
0x18b: {  	[sflag:s20] =	ssyncset.done $0x0;
	v20 =	vor.u32 s10, v1  }
0x18c: {  	s22 =	simm.s32 $0xA400;
	[sflag:s20] =	ssyncadd.s32 $0xFFFFF000  }
0x18d: {  	(v2sf) =	vpush @!p0 v5, $0x2;
	v17 =	vld.idx.msk [tilespmem:v28+s22+$0x0], $0xffff  }
0x18e: {  	s10 =	simm.s32 $0x2400;
	v18 =	vld.idx.msk [tilespmem:v29+s22+$0x0], $0xffff  }
0x18f: {  	v19 =	vld.idx.msk [tilespmem:v30+s10+$0x0], $0xffff  }
0x190: {  	v20 =	vld.idx.msk [tilespmem:v20+s10+$0x0], $0xffff  }
0x191: {  	(v2sf) =	vpush @!p0 v6, $0x2;
	_ =	sdelay $0x1  }
0x192: {  	v17 =	vmul.f32 v17, v3;
	v18 =	vmul.f32 v18, v4;
	_ =	sdelay $0x1  }
0x193: {  	v17 =	vmul.f32 v17, v19;
	v18 =	vmul.f32 v18, v20;
	_ =	sdelay $0x1  }
0x194: {  	v17 =	vadd.f32 v18, v17;
	_ =	sdelay $0x1  }
0x195: {  	(xrf2) =	vadd.scan.msk.f32 $0xffff, v17;
	_ =	sdelay $0x2  }
0x196: {  	s4 =	spop @!p0 (v2sf)  }
0x197: {  	s4 =	sand.u32 @!p0 $0xFFFFF80, s4  }
0x198: {  	s10 =	simm.s32 @!p0 $0x2400;
	s4 =	sadd.s32 @!p0 s16, s4  }
0x199: {  	[tilespmem:s10], [sflag:$0x3] =	stream.strided.gather @!p0 [hbm4b:s4+s25], $0x1000, s5, s25, $0x38;
	[tilespmem:$0x10700] =	vst v63  }
0x19a: {  	s4 =	spop @!p0 (v2sf)  }
0x19b: {  	s4 =	sand.u32 @!p0 $0xFFFFF80, s4  }
0x19c: {  	s10 =	simm.s32 @!p0 $0xA400;
	s4 =	sadd.s32 @!p0 s2, s4  }
0x19d: {  	[tilespmem:s10], [sflag:$0xB] =	stream.strided.gather @!p0 [hbm4b:s4+s25], $0x1000, s5, s25, $0x38;
	v17, _, _ =	vpop (xrf2);
	[tilespmem:$0x10700] =	vst v63  }
0x19e: {  	s11 =	sand.u32 $0x7F, s31;
	_ =	swait.ge [sflag:s18], $0x1000  }
0x19f: {  	v31 =	vor.u32 s11, v0;
	[sflag:s18] =	ssyncset.done $0x0;
	s20 =	rddreg [dreg:$0x14]  }
0x1a0: {  	v32 =	vor.u32 s11, v1;
	[sflag:s18] =	ssyncadd.s32 $0xFFFFF000;
	s10 =	sand.u32 $0x7F, s20  }
0x1a1: {  	_ =	swait.ge [sflag:s24], $0x1000;
	v33 =	vor.u32 s10, v0  }
0x1a2: {  	v21 =	vor.u32 s10, v1;
	[sflag:s24] =	ssyncset.done $0x0  }
0x1a3: {  	s10 =	simm.s32 $0xB400;
	[sflag:s24] =	ssyncadd.s32 $0xFFFFF000  }
0x1a4: {  	(v2sf) =	vpush @!p0 v5, $0x3;
	v18 =	vld.idx.msk [tilespmem:v31+s10+$0x0], $0xffff  }
0x1a5: {  	s11 =	simm.s32 $0x3400;
	v19 =	vld.idx.msk [tilespmem:v32+s10+$0x0], $0xffff  }
0x1a6: {  	v20 =	vld.idx.msk [tilespmem:v33+s11+$0x0], $0xffff  }
0x1a7: {  	v21 =	vld.idx.msk [tilespmem:v21+s11+$0x0], $0xffff  }
0x1a8: {  	(v2sf) =	vpush @!p0 v6, $0x3;
	_ =	sdelay $0x1  }
0x1a9: {  	v18 =	vmul.f32 v18, v3;
	v19 =	vmul.f32 v19, v4;
	_ =	sdelay $0x1  }
0x1aa: {  	v18 =	vmul.f32 v18, v20;
	v19 =	vmul.f32 v19, v21;
	_ =	sdelay $0x1  }
0x1ab: {  	v18 =	vadd.f32 v19, v18;
	_ =	sdelay $0x1  }
0x1ac: {  	(xrf2) =	vadd.scan.msk.f32 $0xffff, v18;
	_ =	sdelay $0x2  }
0x1ad: {  	s4 =	spop @!p0 (v2sf)  }
0x1ae: {  	s4 =	sand.u32 @!p0 $0xFFFFF80, s4  }
0x1af: {  	s10 =	simm.s32 @!p0 $0x3400;
	s4 =	sadd.s32 @!p0 s16, s4  }
0x1b0: {  	[tilespmem:s10], [sflag:$0x4] =	stream.strided.gather @!p0 [hbm4b:s4+s25], $0x1000, s5, s25, $0x38;
	[tilespmem:$0x10700] =	vst v63  }
0x1b1: {  	s4 =	spop @!p0 (v2sf)  }
0x1b2: {  	s4 =	sand.u32 @!p0 $0xFFFFF80, s4  }
0x1b3: {  	s10 =	simm.s32 @!p0 $0xB400;
	s4 =	sadd.s32 @!p0 s2, s4  }
0x1b4: {  	[tilespmem:s10], [sflag:$0xC] =	stream.strided.gather @!p0 [hbm4b:s4+s25], $0x1000, s5, s25, $0x38;
	v18, _, _ =	vpop (xrf2);
	[tilespmem:$0x10700] =	vst v63  }
0x1b5: {  	s20 =	sand.u32 $0x7F, s0;
	_ =	swait.ge [sflag:s26], $0x1000  }
0x1b6: {  	v34 =	vor.u32 s20, v0;
	[sflag:s26] =	ssyncset.done $0x0;
	s24 =	rddreg [dreg:$0x15]  }
0x1b7: {  	v35 =	vor.u32 s20, v1;
	[sflag:s26] =	ssyncadd.s32 $0xFFFFF000;
	s0 =	sand.u32 $0x7F, s24  }
0x1b8: {  	_ =	swait.ge [sflag:s28], $0x1000;
	v36 =	vor.u32 s0, v0  }
0x1b9: {  	v22 =	vor.u32 s0, v1;
	[sflag:s28] =	ssyncset.done $0x0  }
0x1ba: {  	s11 =	simm.s32 $0xC400;
	[sflag:s28] =	ssyncadd.s32 $0xFFFFF000  }
0x1bb: {  	(v2sf) =	vpush @!p0 v5, $0x4;
	v19 =	vld.idx.msk [tilespmem:v34+s11+$0x0], $0xffff  }
0x1bc: {  	s20 =	simm.s32 $0x4400;
	v20 =	vld.idx.msk [tilespmem:v35+s11+$0x0], $0xffff  }
0x1bd: {  	v21 =	vld.idx.msk [tilespmem:v36+s20+$0x0], $0xffff  }
0x1be: {  	v22 =	vld.idx.msk [tilespmem:v22+s20+$0x0], $0xffff  }
0x1bf: {  	(v2sf) =	vpush @!p0 v6, $0x4;
	_ =	sdelay $0x1  }
0x1c0: {  	v19 =	vmul.f32 v19, v3;
	v20 =	vmul.f32 v20, v4;
	_ =	sdelay $0x1  }
0x1c1: {  	v19 =	vmul.f32 v19, v21;
	v20 =	vmul.f32 v20, v22;
	_ =	sdelay $0x1  }
0x1c2: {  	v19 =	vadd.f32 v20, v19;
	_ =	sdelay $0x1  }
0x1c3: {  	(xrf2) =	vadd.scan.msk.f32 $0xffff, v19;
	_ =	sdelay $0x2  }
0x1c4: {  	s0 =	spop @!p0 (v2sf)  }
0x1c5: {  	s0 =	sand.u32 @!p0 $0xFFFFF80, s0  }
0x1c6: {  	s4 =	simm.s32 @!p0 $0x4400;
	s0 =	sadd.s32 @!p0 s16, s0  }
0x1c7: {  	[tilespmem:s4], [sflag:$0x5] =	stream.strided.gather @!p0 [hbm4b:s0+s25], $0x1000, s5, s25, $0x38;
	[tilespmem:$0x10700] =	vst v63  }
0x1c8: {  	s0 =	spop @!p0 (v2sf)  }
0x1c9: {  	s0 =	sand.u32 @!p0 $0xFFFFF80, s0  }
0x1ca: {  	s4 =	simm.s32 @!p0 $0xC400;
	s0 =	sadd.s32 @!p0 s2, s0  }
0x1cb: {  	[tilespmem:s4], [sflag:$0xD] =	stream.strided.gather @!p0 [hbm4b:s0+s25], $0x1000, s5, s25, $0x38;
	v19, _, _ =	vpop (xrf2);
	[tilespmem:$0x10700] =	vst v63  }
0x1cc: {  	s4 =	sand.u32 $0x7F, s3;
	_ =	swait.ge [sflag:s29], $0x1000  }
0x1cd: {  	v37 =	vor.u32 s4, v0;
	[sflag:s29] =	ssyncset.done $0x0;
	s20 =	rddreg [dreg:$0x17]  }
0x1ce: {  	v38 =	vor.u32 s4, v1;
	[sflag:s29] =	ssyncadd.s32 $0xFFFFF000;
	s3 =	sand.u32 $0x7F, s20  }
0x1cf: {  	_ =	swait.ge [sflag:s23], $0x1000;
	v39 =	vor.u32 s3, v0  }
0x1d0: {  	v23 =	vor.u32 s3, v1;
	[sflag:s23] =	ssyncset.done $0x0  }
0x1d1: {  	s3 =	simm.s32 $0xD400;
	[sflag:s23] =	ssyncadd.s32 $0xFFFFF000  }
0x1d2: {  	(v2sf) =	vpush @!p0 v5, $0x5;
	v20 =	vld.idx.msk [tilespmem:v37+s3+$0x0], $0xffff  }
0x1d3: {  	s4 =	simm.s32 $0x5400;
	v21 =	vld.idx.msk [tilespmem:v38+s3+$0x0], $0xffff  }
0x1d4: {  	v22 =	vld.idx.msk [tilespmem:v39+s4+$0x0], $0xffff  }
0x1d5: {  	v23 =	vld.idx.msk [tilespmem:v23+s4+$0x0], $0xffff  }
0x1d6: {  	(v2sf) =	vpush @!p0 v6, $0x5;
	_ =	sdelay $0x1  }
0x1d7: {  	v20 =	vmul.f32 v20, v3;
	v21 =	vmul.f32 v21, v4;
	_ =	sdelay $0x1  }
0x1d8: {  	v20 =	vmul.f32 v20, v22;
	v21 =	vmul.f32 v21, v23;
	_ =	sdelay $0x1  }
0x1d9: {  	v20 =	vadd.f32 v21, v20;
	_ =	sdelay $0x1  }
0x1da: {  	(xrf2) =	vadd.scan.msk.f32 $0xffff, v20;
	_ =	sdelay $0x2  }
0x1db: {  	s0 =	spop @!p0 (v2sf)  }
0x1dc: {  	s0 =	sand.u32 @!p0 $0xFFFFF80, s0  }
0x1dd: {  	s3 =	simm.s32 @!p0 $0x5400;
	s0 =	sadd.s32 @!p0 s16, s0  }
0x1de: {  	[tilespmem:s3], [sflag:$0x6] =	stream.strided.gather @!p0 [hbm4b:s0+s25], $0x1000, s5, s25, $0x38;
	[tilespmem:$0x10700] =	vst v63  }
0x1df: {  	s0 =	spop @!p0 (v2sf)  }
0x1e0: {  	s0 =	sand.u32 @!p0 $0xFFFFF80, s0  }
0x1e1: {  	s3 =	simm.s32 @!p0 $0xD400;
	s0 =	sadd.s32 @!p0 s2, s0  }
0x1e2: {  	[tilespmem:s3], [sflag:$0xE] =	stream.strided.gather @!p0 [hbm4b:s0+s25], $0x1000, s5, s25, $0x38;
	v20, _, _ =	vpop (xrf2);
	[tilespmem:$0x10700] =	vst v63  }
0x1e3: {  	s8 =	sand.u32 $0x7F, s8;
	_ =	swait.ge [sflag:s6], $0x1000  }
0x1e4: {  	v40 =	vor.u32 s8, v0;
	[sflag:s6] =	ssyncset.done $0x0  }
0x1e5: {  	s30 =	sand.u32 $0x7F, s30;
	v41 =	vor.u32 s8, v1;
	[sflag:s6] =	ssyncadd.s32 $0xFFFFF000  }
0x1e6: {  	v42 =	vor.u32 s30, v0;
	_ =	swait.ge [sflag:s13], $0x1000  }
0x1e7: {  	v24 =	vor.u32 s30, v1;
	[sflag:s13] =	ssyncset.done $0x0  }
0x1e8: {  	s3 =	simm.s32 $0xE400;
	[sflag:s13] =	ssyncadd.s32 $0xFFFFF000  }
0x1e9: {  	(v2sf) =	vpush @!p0 v5, $0x6;
	v21 =	vld.idx.msk [tilespmem:v40+s3+$0x0], $0xffff  }
0x1ea: {  	s4 =	simm.s32 $0x6400;
	v22 =	vld.idx.msk [tilespmem:v41+s3+$0x0], $0xffff  }
0x1eb: {  	v23 =	vld.idx.msk [tilespmem:v42+s4+$0x0], $0xffff  }
0x1ec: {  	v24 =	vld.idx.msk [tilespmem:v24+s4+$0x0], $0xffff  }
0x1ed: {  	(v2sf) =	vpush @!p0 v6, $0x6;
	_ =	sdelay $0x1  }
0x1ee: {  	v21 =	vmul.f32 v21, v3;
	v22 =	vmul.f32 v22, v4;
	_ =	sdelay $0x1  }
0x1ef: {  	v21 =	vmul.f32 v21, v23;
	v22 =	vmul.f32 v22, v24;
	_ =	sdelay $0x1  }
0x1f0: {  	v21 =	vadd.f32 v22, v21;
	_ =	sdelay $0x1  }
0x1f1: {  	(xrf2) =	vadd.scan.msk.f32 $0xffff, v21;
	_ =	sdelay $0x2  }
0x1f2: {  	s0 =	spop @!p0 (v2sf)  }
0x1f3: {  	s0 =	sand.u32 @!p0 $0xFFFFF80, s0  }
0x1f4: {  	s3 =	simm.s32 @!p0 $0x6400;
	s0 =	sadd.s32 @!p0 s16, s0  }
0x1f5: {  	[tilespmem:s3], [sflag:$0x7] =	stream.strided.gather @!p0 [hbm4b:s0+s25], $0x1000, s5, s25, $0x38;
	[tilespmem:$0x10700] =	vst v63  }
0x1f6: {  	s0 =	spop @!p0 (v2sf)  }
0x1f7: {  	s0 =	sand.u32 @!p0 $0xFFFFF80, s0  }
0x1f8: {  	s3 =	simm.s32 @!p0 $0xE400;
	s0 =	sadd.s32 @!p0 s2, s0  }
0x1f9: {  	[tilespmem:s3], [sflag:$0xF] =	stream.strided.gather @!p0 [hbm4b:s0+s25], $0x1000, s5, s25, $0x38;
	v21, _, _ =	vpop (xrf2);
	[tilespmem:$0x10700] =	vst v63  }
0x1fa: {  	s25 =	sand.u32 $0x7F, s9;
	_ =	swait.ge [sflag:s1], $0x1000  }
0x1fb: {  	v43 =	vor.u32 s25, v0;
	[sflag:s1] =	ssyncset.done $0x0  }
0x1fc: {  	s30 =	sand.u32 $0x7F, s7;
	v45 =	vor.u32 s25, v1;
	[sflag:s1] =	ssyncadd.s32 $0xFFFFF000  }
0x1fd: {  	v44 =	vor.u32 s30, v0;
	_ =	swait.ge [sflag:s12], $0x1000  }
0x1fe: {  	v25 =	vor.u32 s30, v1;
	[sflag:s12] =	ssyncset.done $0x0  }
0x1ff: {  	s5 =	simm.s32 $0xF400;
	[sflag:s12] =	ssyncadd.s32 $0xFFFFF000  }
0x200: {  	v22 =	vld.idx.msk [tilespmem:v43+s5+$0x0], $0xffff  }
0x201: {  	s10 =	simm.s32 $0x7400;
	v24 =	vld.idx.msk [tilespmem:v45+s5+$0x0], $0xffff  }
0x202: {  	v23 =	vld.idx.msk [tilespmem:v44+s10+$0x0], $0xffff  }
0x203: {  	v25 =	vld.idx.msk [tilespmem:v25+s10+$0x0], $0xffff;
	_ =	sdelay $0x1  }
0x204: {  	v7 =	vbroadcast v7, $0xF  }
0x205: {  	v22 =	vmul.f32 v22, v3;
	v46 =	vmul.f32 v24, v4  }
0x206: {  	v8 =	vbroadcast v8, $0xF;
	v9 =	vbroadcast v9, $0xF  }
0x207: {  	v22 =	vmul.f32 v22, v23;
	v23 =	vmul.f32 v46, v25  }
0x208: {  	v7 =	vadd.f32 v7, v2;
	v8 =	vadd.f32 v8, v2;
	v10 =	vbroadcast v10, $0xF  }
0x209: {  	v9 =	vadd.f32 v9, v2;
	v11 =	vbroadcast v11, $0xF;
	v22 =	vadd.f32 v23, v22  }
0x20a: {  	v7 =	vsel vm0, v7, v8;
	v8 =	vadd.f32 v10, v2;
	v47 =	vbroadcast v12, $0xF  }
0x20b: {  	v7 =	vsel vm1, v7, v9;
	v48 =	vadd.f32 v11, v2;
	v49 =	vbroadcast v13, $0xF;
	(xrf2) =	vadd.scan.msk.f32 $0xffff, v22  }
0x20c: {  	v7 =	vsel vm2, v7, v8;
	v8 =	vadd.f32 v47, v2;
	v50 =	vbroadcast v14, $0xF  }
0x20d: {  	v7 =	vsel vm3, v7, v48;
	v51 =	vadd.f32 v49, v2;
	v52 =	vbroadcast v15, $0xF  }
0x20e: {  	v7 =	vsel vm4, v7, v8;
	v8 =	vadd.f32 v50, v2;
	v53 =	vbroadcast v16, $0xF  }
0x20f: {  	v7 =	vsel vm5, v7, v51;
	v54 =	vadd.f32 v52, v2;
	v55 =	vbroadcast v17, $0xF  }
0x210: {  	v7 =	vsel vm6, v7, v8;
	v8 =	vadd.f32 v53, v2;
	v56 =	vbroadcast v18, $0xF  }
0x211: {  	v7 =	vsel vm7, v7, v54;
	v57 =	vadd.f32 v55, v2;
	v58 =	vbroadcast v19, $0xF  }
0x212: {  	v7 =	vsel vm8, v7, v8;
	v8 =	vadd.f32 v56, v2;
	v59 =	vbroadcast v20, $0xF  }
0x213: {  	v7 =	vsel vm9, v7, v57;
	v60 =	vadd.f32 v58, v2;
	p0 =	sne.s32 s21, $0xFFFFFFFF;
	v61 =	vbroadcast v21, $0xF  }
.Ltmp2:
0x214: {  	v7 =	vsel vm10, v7, v8;
	v8 =	vadd.f32 v59, v2;
	(pc) =	sbr.rel @!p0 .LBB2_3-.Ltmp2, $4  }
0x215: {  	s8 =	simm.s32 $0x6400;
	s19 =	simm.s32 $0x1400;
	v7 =	vsel vm11, v7, v60;
	v62 =	vadd.f32 v61, v2;
	v63, _, _ =	vpop (xrf2)  }
0x216: {  	s31 =	simm.s32 $0x3400;
	s17 =	simm.s32 $0xA400;
	s22 =	simm.s32 $0x2400;
	v7 =	vsel vm12, v7, v8;
	v8 =	vadd.f32 v63, v2  }
0x217: {  	s18 =	simm.s32 $0xB400;
	s24 =	simm.s32 $0xC400;
	s11 =	simm.s32 $0x4400;
	v7 =	vsel vm13, v7, v62  }
0x218: {  	s20 =	simm.s32 $0x5400;
	s23 =	simm.s32 $0xD400;
	s6 =	simm.s32 $0xE400;
	v7 =	vsel vm14, v7, v8  }
0x219: {  	(v2sf) =	vpush v5, $0x7;
	_ =	sdelay $0x3  }
0x21a: {  	(v2sf) =	vpush v6, $0x7;
	_ =	sdelay $0xa  }
0x21b: {  	s0 =	spop (v2sf)  }
0x21c: {  	s21 =	sadd.s32 $0x1, s21;
	s0 =	sand.u32 $0xFFFFF80, s0  }
0x21d: {  	s30 =	rddreg [dreg:$0xf];
	p0 =	seq.s32 s21, $0x0;
	s0 =	sadd.s32 s16, s0  }
0x21e: {  	[tilespmem:s10], [sflag:$0x8] =	stream.strided.gather [hbm4b:s0+s15], $0x1000, s14, s15, $0x38;
	[tilespmem:$0x10700] =	vst v63  }
.Ltmp3:
0x21f: {  	s25 =	spop (v2sf);
	(pc) =	sbr.rel @!p0 .LBB2_2-.Ltmp3, $4  }
.Ltmp4:
0x220: {  	s1 =	rddreg [dreg:$0x10];
	s0 =	sand.u32 $0xFFFFF80, s25;
	(pc) =	sbr.rel @p0 .LBB2_5-.Ltmp4, $4  }
0x221: {  	s7 =	rddreg [dreg:$0xe];
	s0 =	sadd.s32 s2, s0  }
0x222: {  	[tilespmem:s5], [sflag:$0x10] =	stream.strided.gather [hbm4b:s0+s15], $0x1000, s14, s15, $0x38;
	[tilespmem:$0x10700] =	vst v63  }
0x223: {  	s1 =	sadd.s32 $0x10, s1;
	s7 =	sadd.s32 $0x10, s7;
	s0 =	sadd.s32 $0x10, s30;
	[tilespmem:s30+$0x0] =	vst v7  }
0x224: {  	_ = 	snop  }
.LBB2_6:
0x225: {  	_ =	sfence.sel $0x180000  }
0x226: {  	[bflag:$0x0] =	sbarrier.arrive $0xFFFF  }
0x227: {  	_ =	strace $0x90000047  }
0x228: {  	s0 =	stileid.u32;
	[bflag:$0x2] =	sbarrier.arrive $0xFFFF  }
0x229: {  	p0 =	sne.s32 s0, $0x0;
	s0 =	rddreg [dreg:$0x7]  }
0x22a: {  	s0 =	sadd.s32 @!p0 $0x100000, s0  }
0x22b: {  	[sflag:s0] =	ssyncadd.tile.s32 @!p0 $0x1;
	_ =	shalt  }
.Lfunc_end2:
_tile_overlayer_lowered:
.L_overlay_start_2:
0x22c: {  	(tag) =	ssettag $0x2  }
0x22d: {  	s0 =	rddreg [dreg:$0x0];
	s2 =	stileid.u32  }
0x22e: {  	s1 =	rddreg [dreg:$0x1];
	p0 =	sne.s32 s2, $0x0  }
0x22f: {  	s3 =	rddreg [dreg:$0x2];
	[bflag:$0x3] =	sbarrier.arrive $0xFFFF;
	s2 =	simm.s32 @!p0 $0x1C11  }
0x230: {  	[timem:s3], [sflag:s2] =	dma.local @!p0 [hbm:s0], s1  }
0x231: {  	s0 =	simm.s32 @!p0 $0x11  }
0x232: {  	_ =	swait.ge @!p0 [sflag:s0], s1  }
0x233: {  	s1 =	ssub.s32 @!p0 $0x0, s1;
	[sflag:s0] =	ssyncset.done @!p0 $0x0  }
0x234: {  	[sflag:s0] =	ssyncadd.s32 @!p0 s1  }
0x235: {  	[bflag:$0x3] =	sbarrier.arrive $0xFFFF  }
0x236: {  	_ =	shalt  }

</sc_bundles>
